<compile_context>
chip_gen: v7x
topology: tpu7x:2x2x1
jax: 0.10.2.dev20260603
libtpu: 0.0.44.dev20260713+nightly
codegen_flags: <defaults>
</compile_context>

<pallas_src>
import dataclasses
import functools

import jax
import jax.numpy as jnp
from jax import lax
from jax.experimental import pallas as pl
from jax.experimental.pallas import tpu as pltpu
from jax.experimental.pallas import tpu_sc as plsc

_N = 16
_M = 256
_B = 16384
_L = 200
_NT = _B * _L
_NW = 32
_PW = _NT // _NW
_CHUNK = 25_600
_NCH = _PW // _CHUNK
_LANES = 16

_cp = pltpu.CompilerParams()
if "needs_layout_passes" in pltpu.CompilerParams.__dataclass_fields__:
    _cp = dataclasses.replace(_cp, needs_layout_passes=False)


@functools.partial(
    pl.kernel,
    mesh=plsc.VectorSubcoreMesh(core_axis_name="c", subcore_axis_name="s"),
    compiler_params=_cp,
    out_type=(
        jax.ShapeDtypeStruct((_NT,), jnp.float32),
        jax.ShapeDtypeStruct((_NT,), jnp.float32),
    ),
    scratch_types=[
        pltpu.VMEM((_N,), jnp.float32),
        pltpu.VMEM((_M,), jnp.float32),
        pltpu.VMEM((_CHUNK,), jnp.int32),
        pltpu.VMEM((_CHUNK,), jnp.int32),
        pltpu.VMEM((_CHUNK,), jnp.float32),
        pltpu.VMEM((_CHUNK,), jnp.float32),
        pltpu.SemaphoreType.DMA,
        pltpu.SemaphoreType.DMA,
        pltpu.SemaphoreType.DMA,
        pltpu.SemaphoreType.DMA,
    ],
)
def _lookup_sc(theta_hbm, mag_hbm, cos_hbm, exp_hbm, phase_hbm, magv_hbm,
               cos_v, exp_v, idx0_v, idx1_v, val0_v, val1_v,
               sin0, sin1, sout0, sout1):
    cid = lax.axis_index("c")
    sid = lax.axis_index("s")
    wid = sid * 2 + cid
    base = wid * _PW

    pltpu.sync_copy(cos_hbm, cos_v)
    pltpu.sync_copy(exp_hbm, exp_v)

    idx_bufs = (idx0_v, idx1_v)
    val_bufs = (val0_v, val1_v)
    sins = (sin0, sin1)
    souts = (sout0, sout1)

    def do_array(src_hbm, dst_hbm, table_v, mask, table_reg=None):
        for b in range(2):
            pltpu.async_copy(
                src_hbm.at[pl.ds(base + b * _CHUNK, _CHUNK)], idx_bufs[b],
                sins[b])
        for ch in range(_NCH):
            b = ch % 2
            idx_v, val_v = idx_bufs[b], val_bufs[b]
            pltpu.make_async_copy(
                src_hbm.at[pl.ds(base, _CHUNK)], idx_v, sins[b]).wait()
            if ch >= 2:
                pltpu.make_async_copy(
                    val_v, dst_hbm.at[pl.ds(base, _CHUNK)], souts[b]).wait()

            @plsc.parallel_loop(0, _CHUNK, step=_LANES * 8, unroll=2)
            def _vecs(i):
                for u in range(8):
                    sl = pl.ds(i + u * _LANES, _LANES)
                    idx = jnp.bitwise_and(idx_v[sl], mask)
                    if table_reg is not None:
                        val_v[sl] = lax.gather(
                            table_reg, idx[:, None],
                            lax.GatherDimensionNumbers(
                                offset_dims=(),
                                collapsed_slice_dims=(0,),
                                start_index_map=(0,)),
                            slice_sizes=(1,),
                            mode=lax.GatherScatterMode.PROMISE_IN_BOUNDS)
                    else:
                        val_v[sl] = plsc.load_gather(table_v, [idx])

            pltpu.async_copy(
                val_v, dst_hbm.at[pl.ds(base + ch * _CHUNK, _CHUNK)],
                souts[b])
            if ch + 2 < _NCH:
                pltpu.async_copy(
                    src_hbm.at[pl.ds(base + (ch + 2) * _CHUNK, _CHUNK)],
                    idx_v, sins[b])
        for b in range(min(2, _NCH)):
            pltpu.make_async_copy(
                val_bufs[b], dst_hbm.at[pl.ds(base, _CHUNK)], souts[b]).wait()

    cos_reg = cos_v[pl.ds(0, _LANES)]
    do_array(theta_hbm, phase_hbm, cos_v, _N - 1, table_reg=cos_reg)
    do_array(mag_hbm, magv_hbm, exp_v, _M - 1)


def _to_tiled_flat(x):
    return (x.reshape(128, 128, 25, 8)
             .transpose(2, 0, 3, 1)
             .reshape(_NT))


def _from_tiled_flat(y):
    return (y.reshape(25, 128, 8, 128)
             .transpose(1, 3, 0, 2)
             .reshape(_B, _L))


def kernel(theta_indices, mag_indices, cos_table, exp_table):
    th = _to_tiled_flat(theta_indices)
    mg = _to_tiled_flat(mag_indices)
    phase, mag = _lookup_sc(th, mg, cos_table, exp_table)
    return (_from_tiled_flat(phase), _from_tiled_flat(mag))

# --- scband reference (transcript-rebuilt; emitter-appended) ---
"""Pipeline reference for scband-lookup-table-module-64020782514341 (READ-ONLY COPY).

The authoritative reference and input builder live on the scoring server;
editing this copy changes nothing except your own understanding.
"""

import jax, jax.numpy as jnp
import numpy as np
import math

N = 16
M = 256
B = 16384
L = 200


def setup_inputs(seed: int = 0) -> dict:
    key = jax.random.key(seed)
    k1, k2 = jax.random.split(key)
    theta_indices = jax.random.randint(k1, (B, L), 0, N, dtype=jnp.int32)
    mag_indices = jax.random.randint(k2, (B, L), 0, M, dtype=jnp.int32)
    cos_table = jnp.cos(2.0 * math.pi * jnp.arange(N, dtype=jnp.float32) / N)
    exp_table = jnp.exp(jnp.sin(2.0 * math.pi * jnp.arange(M, dtype=jnp.float32) / M))
    return {
        "theta_indices": theta_indices,
        "mag_indices": mag_indices,
        "cos_table": cos_table,
        "exp_table": exp_table,
    }


def reference(theta_indices, mag_indices, cos_table, exp_table):
    # lookup_phase: cos_table[theta_indices % N]
    phase = jnp.take(cos_table, theta_indices % N, axis=0)
    # lookup_magnitude: exp_table[mag_indices % M]
    mag = jnp.take(exp_table, mag_indices % M, axis=0)
    return (phase, mag)

if __name__ == "__main__":
    import jax
    _d = setup_inputs()
    print(jax.jit(kernel)(*tuple(_d.values())))

</pallas_src>

<mosaic_0001>
#map = affine_map<(d0, d1) -> (0)>
module attributes {stable_mosaic.version = 14 : i64} {
  func.func @_lookup_sc(%arg0: i32, %arg1: i32, %arg2: memref<3276800xi32, #tpu.memory_space<hbm>>, %arg3: memref<3276800xi32, #tpu.memory_space<hbm>>, %arg4: memref<16xf32, #tpu.memory_space<hbm>>, %arg5: memref<256xf32, #tpu.memory_space<hbm>>, %arg6: memref<3276800xf32, #tpu.memory_space<hbm>>, %arg7: memref<3276800xf32, #tpu.memory_space<hbm>>, %arg8: memref<16xf32, #tpu.memory_space<vmem>>, %arg9: memref<256xf32, #tpu.memory_space<vmem>>, %arg10: memref<25600xi32, #tpu.memory_space<vmem>>, %arg11: memref<25600xi32, #tpu.memory_space<vmem>>, %arg12: memref<25600xf32, #tpu.memory_space<vmem>>, %arg13: memref<25600xf32, #tpu.memory_space<vmem>>, %arg14: memref<!tpu.dma_semaphore, #tpu.memory_space<semaphore_mem>>, %arg15: memref<!tpu.dma_semaphore, #tpu.memory_space<semaphore_mem>>, %arg16: memref<!tpu.dma_semaphore, #tpu.memory_space<semaphore_mem>>, %arg17: memref<!tpu.dma_semaphore, #tpu.memory_space<semaphore_mem>>) attributes {dimension_semantics = [#tpu.dimension_semantics<core_parallel>, #tpu.dimension_semantics<subcore_parallel>], iteration_bounds = array<i64: 2, 16>, scalar_prefetch = 0 : i64, scratch_operands = 10 : i64, tpu.core_type = #tpu.core_type<sc_vector_subcore>, window_params = [{transform_indices = #map}, {transform_indices = #map}, {transform_indices = #map}, {transform_indices = #map}, {transform_indices = #map}, {transform_indices = #map}]} {
    %mul3A = arith.constant 2 : i32
    %mul3A_0 = arith.muli %arg1, %mul3A : i32
    %add3A = arith.addi %mul3A_0, %arg0 : i32
    %mul3A_1 = arith.constant 102400 : i32
    %mul3A_2 = arith.muli %add3A, %mul3A_1 : i32
    "tpu.region"() ({
      %run_scoped3A = tpu.sem_alloc : memref<!tpu.dma_semaphore, #tpu.memory_space<semaphore_mem>>
      tpu.enqueue_dma source(%arg4 : memref<16xf32, #tpu.memory_space<hbm>>) target(%arg8 : memref<16xf32, #tpu.memory_space<vmem>>) target_semaphore(%run_scoped3A : memref<!tpu.dma_semaphore, #tpu.memory_space<semaphore_mem>>)
      tpu.wait_dma2 semaphore(%run_scoped3A : memref<!tpu.dma_semaphore, #tpu.memory_space<semaphore_mem>>) src(%arg4 : memref<16xf32, #tpu.memory_space<hbm>>) dst(%arg8 : memref<16xf32, #tpu.memory_space<vmem>>)
      tpu.yield
    }) : () -> ()
    "tpu.region"() ({
      %run_scoped3A = tpu.sem_alloc : memref<!tpu.dma_semaphore, #tpu.memory_space<semaphore_mem>>
      tpu.enqueue_dma source(%arg5 : memref<256xf32, #tpu.memory_space<hbm>>) target(%arg9 : memref<256xf32, #tpu.memory_space<vmem>>) target_semaphore(%run_scoped3A : memref<!tpu.dma_semaphore, #tpu.memory_space<semaphore_mem>>)
      tpu.wait_dma2 semaphore(%run_scoped3A : memref<!tpu.dma_semaphore, #tpu.memory_space<semaphore_mem>>) src(%arg5 : memref<256xf32, #tpu.memory_space<hbm>>) dst(%arg9 : memref<256xf32, #tpu.memory_space<vmem>>)
      tpu.yield
    }) : () -> ()
    %get3A = arith.constant 0 : index
    %get3A_3 = tpu.vector_load %arg8[%get3A] {strides = array<i32>} : memref<16xf32, #tpu.memory_space<vmem>>, vector<16xf32>,
    %add3A_4 = arith.constant 0 : i32
    %add3A_5 = arith.addi %mul3A_2, %add3A_4 : i32
    %dma_start3A = tpu.memref_slice %arg2[%add3A_5] : memref<3276800xi32, #tpu.memory_space<hbm>> -> memref<25600xi32, #tpu.memory_space<hbm>>
    %dma_start3A_6 = tpu.memref_slice %arg2[%add3A_5] : memref<3276800xi32, #tpu.memory_space<hbm>> -> memref<25600xi32, #tpu.memory_space<hbm>>
    tpu.enqueue_dma source(%dma_start3A_6 : memref<25600xi32, #tpu.memory_space<hbm>>) target(%arg10 : memref<25600xi32, #tpu.memory_space<vmem>>) target_semaphore(%arg14 : memref<!tpu.dma_semaphore, #tpu.memory_space<semaphore_mem>>)
    %add3A_7 = arith.constant 25600 : i32
    %add3A_8 = arith.addi %mul3A_2, %add3A_7 : i32
    %dma_start3A_9 = tpu.memref_slice %arg2[%add3A_8] : memref<3276800xi32, #tpu.memory_space<hbm>> -> memref<25600xi32, #tpu.memory_space<hbm>>
    %dma_start3A_10 = tpu.memref_slice %arg2[%add3A_8] : memref<3276800xi32, #tpu.memory_space<hbm>> -> memref<25600xi32, #tpu.memory_space<hbm>>
    tpu.enqueue_dma source(%dma_start3A_10 : memref<25600xi32, #tpu.memory_space<hbm>>) target(%arg11 : memref<25600xi32, #tpu.memory_space<vmem>>) target_semaphore(%arg15 : memref<!tpu.dma_semaphore, #tpu.memory_space<semaphore_mem>>)
    %dma_wait3A = tpu.memref_slice %arg2[%mul3A_2] : memref<3276800xi32, #tpu.memory_space<hbm>> -> memref<25600xi32, #tpu.memory_space<hbm>>
    %dma_wait3A_11 = tpu.memref_slice %arg2[%mul3A_2] : memref<3276800xi32, #tpu.memory_space<hbm>> -> memref<25600xi32, #tpu.memory_space<hbm>>
    tpu.wait_dma2 semaphore(%arg14 : memref<!tpu.dma_semaphore, #tpu.memory_space<semaphore_mem>>) src(%dma_wait3A_11 : memref<25600xi32, #tpu.memory_space<hbm>>) dst(%arg10 : memref<25600xi32, #tpu.memory_space<vmem>>)
    %parallel_loop3A = arith.constant 0 : i32
    %parallel_loop3A_12 = arith.constant 25600 : i32
    %parallel_loop3A_13 = arith.constant 128 : i32
    scf.for %parallel_loop3A_121 = %parallel_loop3A to %parallel_loop3A_12 step %parallel_loop3A_13  : i32 {
      %parallel_loop3A_122 = arith.constant 0 : i32
      %parallel_loop3A_123 = arith.addi %parallel_loop3A_121, %parallel_loop3A_122 : i32
      %parallel_loop3A_124 = arith.index_cast %parallel_loop3A_123 : i32 to index
      %parallel_loop3A_125 = tpu.vector_load %arg10[%parallel_loop3A_124] {strides = array<i32>} : memref<25600xi32, #tpu.memory_space<vmem>>, vector<16xi32>,
      %parallel_loop3A_126 = arith.constant 15 : i32
      %parallel_loop3A_127 = vector.broadcast %parallel_loop3A_126 : i32 to vector<16xi32>
      %parallel_loop3A_128 = arith.andi %parallel_loop3A_125, %parallel_loop3A_127 : vector<16xi32>
      %parallel_loop3A_129 = vector.shape_cast %parallel_loop3A_128 : vector<16xi32> to vector<16x1xi32>
      %parallel_loop3A_130 = vector.shape_cast %parallel_loop3A_129 : vector<16x1xi32> to vector<16xi32>
      %parallel_loop3A_131 = tpu.dynamic_gather %get3A_3[%parallel_loop3A_130] in [0] : vector<16xf32>, vector<16xi32> -> vector<16xf32>
      %parallel_loop3A_132 = arith.index_cast %parallel_loop3A_123 : i32 to index
      %parallel_loop3A_133 = tpu.vector_load %arg12[%parallel_loop3A_132] {strides = array<i32>} : memref<25600xf32, #tpu.memory_space<vmem>>, vector<16xf32>,
      tpu.vector_store %arg12[%parallel_loop3A_132], %parallel_loop3A_131 {strides = array<i32>} : memref<25600xf32, #tpu.memory_space<vmem>>, vector<16xf32>,
      %parallel_loop3A_134 = arith.constant 16 : i32
      %parallel_loop3A_135 = arith.addi %parallel_loop3A_121, %parallel_loop3A_134 : i32
      %parallel_loop3A_136 = arith.index_cast %parallel_loop3A_135 : i32 to index
      %parallel_loop3A_137 = tpu.vector_load %arg10[%parallel_loop3A_136] {strides = array<i32>} : memref<25600xi32, #tpu.memory_space<vmem>>, vector<16xi32>,
      %parallel_loop3A_138 = arith.constant 15 : i32
      %parallel_loop3A_139 = vector.broadcast %parallel_loop3A_138 : i32 to vector<16xi32>
      %parallel_loop3A_140 = arith.andi %parallel_loop3A_137, %parallel_loop3A_139 : vector<16xi32>
      %parallel_loop3A_141 = vector.shape_cast %parallel_loop3A_140 : vector<16xi32> to vector<16x1xi32>
      %parallel_loop3A_142 = vector.shape_cast %parallel_loop3A_141 : vector<16x1xi32> to vector<16xi32>
      %parallel_loop3A_143 = tpu.dynamic_gather %get3A_3[%parallel_loop3A_142] in [0] : vector<16xf32>, vector<16xi32> -> vector<16xf32>
      %parallel_loop3A_144 = arith.index_cast %parallel_loop3A_135 : i32 to index
      %parallel_loop3A_145 = tpu.vector_load %arg12[%parallel_loop3A_144] {strides = array<i32>} : memref<25600xf32, #tpu.memory_space<vmem>>, vector<16xf32>,
      tpu.vector_store %arg12[%parallel_loop3A_144], %parallel_loop3A_143 {strides = array<i32>} : memref<25600xf32, #tpu.memory_space<vmem>>, vector<16xf32>,
      %parallel_loop3A_146 = arith.constant 32 : i32
      %parallel_loop3A_147 = arith.addi %parallel_loop3A_121, %parallel_loop3A_146 : i32
      %parallel_loop3A_148 = arith.index_cast %parallel_loop3A_147 : i32 to index
      %parallel_loop3A_149 = tpu.vector_load %arg10[%parallel_loop3A_148] {strides = array<i32>} : memref<25600xi32, #tpu.memory_space<vmem>>, vector<16xi32>,
      %parallel_loop3A_150 = arith.constant 15 : i32
      %parallel_loop3A_151 = vector.broadcast %parallel_loop3A_150 : i32 to vector<16xi32>
      %parallel_loop3A_152 = arith.andi %parallel_loop3A_149, %parallel_loop3A_151 : vector<16xi32>
      %parallel_loop3A_153 = vector.shape_cast %parallel_loop3A_152 : vector<16xi32> to vector<16x1xi32>
      %parallel_loop3A_154 = vector.shape_cast %parallel_loop3A_153 : vector<16x1xi32> to vector<16xi32>
      %parallel_loop3A_155 = tpu.dynamic_gather %get3A_3[%parallel_loop3A_154] in [0] : vector<16xf32>, vector<16xi32> -> vector<16xf32>
      %parallel_loop3A_156 = arith.index_cast %parallel_loop3A_147 : i32 to index
      %parallel_loop3A_157 = tpu.vector_load %arg12[%parallel_loop3A_156] {strides = array<i32>} : memref<25600xf32, #tpu.memory_space<vmem>>, vector<16xf32>,
      tpu.vector_store %arg12[%parallel_loop3A_156], %parallel_loop3A_155 {strides = array<i32>} : memref<25600xf32, #tpu.memory_space<vmem>>, vector<16xf32>,
      %parallel_loop3A_158 = arith.constant 48 : i32
      %parallel_loop3A_159 = arith.addi %parallel_loop3A_121, %parallel_loop3A_158 : i32
      %parallel_loop3A_160 = arith.index_cast %parallel_loop3A_159 : i32 to index
      %parallel_loop3A_161 = tpu.vector_load %arg10[%parallel_loop3A_160] {strides = array<i32>} : memref<25600xi32, #tpu.memory_space<vmem>>, vector<16xi32>,
      %parallel_loop3A_162 = arith.constant 15 : i32
      %parallel_loop3A_163 = vector.broadcast %parallel_loop3A_162 : i32 to vector<16xi32>
      %parallel_loop3A_164 = arith.andi %parallel_loop3A_161, %parallel_loop3A_163 : vector<16xi32>
      %parallel_loop3A_165 = vector.shape_cast %parallel_loop3A_164 : vector<16xi32> to vector<16x1xi32>
      %parallel_loop3A_166 = vector.shape_cast %parallel_loop3A_165 : vector<16x1xi32> to vector<16xi32>
      %parallel_loop3A_167 = tpu.dynamic_gather %get3A_3[%parallel_loop3A_166] in [0] : vector<16xf32>, vector<16xi32> -> vector<16xf32>
      %parallel_loop3A_168 = arith.index_cast %parallel_loop3A_159 : i32 to index
      %parallel_loop3A_169 = tpu.vector_load %arg12[%parallel_loop3A_168] {strides = array<i32>} : memref<25600xf32, #tpu.memory_space<vmem>>, vector<16xf32>,
      tpu.vector_store %arg12[%parallel_loop3A_168], %parallel_loop3A_167 {strides = array<i32>} : memref<25600xf32, #tpu.memory_space<vmem>>, vector<16xf32>,
      %parallel_loop3A_170 = arith.constant 64 : i32
      %parallel_loop3A_171 = arith.addi %parallel_loop3A_121, %parallel_loop3A_170 : i32
      %parallel_loop3A_172 = arith.index_cast %parallel_loop3A_171 : i32 to index
      %parallel_loop3A_173 = tpu.vector_load %arg10[%parallel_loop3A_172] {strides = array<i32>} : memref<25600xi32, #tpu.memory_space<vmem>>, vector<16xi32>,
      %parallel_loop3A_174 = arith.constant 15 : i32
      %parallel_loop3A_175 = vector.broadcast %parallel_loop3A_174 : i32 to vector<16xi32>
      %parallel_loop3A_176 = arith.andi %parallel_loop3A_173, %parallel_loop3A_175 : vector<16xi32>
      %parallel_loop3A_177 = vector.shape_cast %parallel_loop3A_176 : vector<16xi32> to vector<16x1xi32>
      %parallel_loop3A_178 = vector.shape_cast %parallel_loop3A_177 : vector<16x1xi32> to vector<16xi32>
      %parallel_loop3A_179 = tpu.dynamic_gather %get3A_3[%parallel_loop3A_178] in [0] : vector<16xf32>, vector<16xi32> -> vector<16xf32>
      %parallel_loop3A_180 = arith.index_cast %parallel_loop3A_171 : i32 to index
      %parallel_loop3A_181 = tpu.vector_load %arg12[%parallel_loop3A_180] {strides = array<i32>} : memref<25600xf32, #tpu.memory_space<vmem>>, vector<16xf32>,
      tpu.vector_store %arg12[%parallel_loop3A_180], %parallel_loop3A_179 {strides = array<i32>} : memref<25600xf32, #tpu.memory_space<vmem>>, vector<16xf32>,
      %parallel_loop3A_182 = arith.constant 80 : i32
      %parallel_loop3A_183 = arith.addi %parallel_loop3A_121, %parallel_loop3A_182 : i32
      %parallel_loop3A_184 = arith.index_cast %parallel_loop3A_183 : i32 to index
      %parallel_loop3A_185 = tpu.vector_load %arg10[%parallel_loop3A_184] {strides = array<i32>} : memref<25600xi32, #tpu.memory_space<vmem>>, vector<16xi32>,
      %parallel_loop3A_186 = arith.constant 15 : i32
      %parallel_loop3A_187 = vector.broadcast %parallel_loop3A_186 : i32 to vector<16xi32>
      %parallel_loop3A_188 = arith.andi %parallel_loop3A_185, %parallel_loop3A_187 : vector<16xi32>
      %parallel_loop3A_189 = vector.shape_cast %parallel_loop3A_188 : vector<16xi32> to vector<16x1xi32>
      %parallel_loop3A_190 = vector.shape_cast %parallel_loop3A_189 : vector<16x1xi32> to vector<16xi32>
      %parallel_loop3A_191 = tpu.dynamic_gather %get3A_3[%parallel_loop3A_190] in [0] : vector<16xf32>, vector<16xi32> -> vector<16xf32>
      %parallel_loop3A_192 = arith.index_cast %parallel_loop3A_183 : i32 to index
      %parallel_loop3A_193 = tpu.vector_load %arg12[%parallel_loop3A_192] {strides = array<i32>} : memref<25600xf32, #tpu.memory_space<vmem>>, vector<16xf32>,
      tpu.vector_store %arg12[%parallel_loop3A_192], %parallel_loop3A_191 {strides = array<i32>} : memref<25600xf32, #tpu.memory_space<vmem>>, vector<16xf32>,
      %parallel_loop3A_194 = arith.constant 96 : i32
      %parallel_loop3A_195 = arith.addi %parallel_loop3A_121, %parallel_loop3A_194 : i32
      %parallel_loop3A_196 = arith.index_cast %parallel_loop3A_195 : i32 to index
      %parallel_loop3A_197 = tpu.vector_load %arg10[%parallel_loop3A_196] {strides = array<i32>} : memref<25600xi32, #tpu.memory_space<vmem>>, vector<16xi32>,
      %parallel_loop3A_198 = arith.constant 15 : i32
      %parallel_loop3A_199 = vector.broadcast %parallel_loop3A_198 : i32 to vector<16xi32>
      %parallel_loop3A_200 = arith.andi %parallel_loop3A_197, %parallel_loop3A_199 : vector<16xi32>
      %parallel_loop3A_201 = vector.shape_cast %parallel_loop3A_200 : vector<16xi32> to vector<16x1xi32>
      %parallel_loop3A_202 = vector.shape_cast %parallel_loop3A_201 : vector<16x1xi32> to vector<16xi32>
      %parallel_loop3A_203 = tpu.dynamic_gather %get3A_3[%parallel_loop3A_202] in [0] : vector<16xf32>, vector<16xi32> -> vector<16xf32>
      %parallel_loop3A_204 = arith.index_cast %parallel_loop3A_195 : i32 to index
      %parallel_loop3A_205 = tpu.vector_load %arg12[%parallel_loop3A_204] {strides = array<i32>} : memref<25600xf32, #tpu.memory_space<vmem>>, vector<16xf32>,
      tpu.vector_store %arg12[%parallel_loop3A_204], %parallel_loop3A_203 {strides = array<i32>} : memref<25600xf32, #tpu.memory_space<vmem>>, vector<16xf32>,
      %parallel_loop3A_206 = arith.constant 112 : i32
      %parallel_loop3A_207 = arith.addi %parallel_loop3A_121, %parallel_loop3A_206 : i32
      %parallel_loop3A_208 = arith.index_cast %parallel_loop3A_207 : i32 to index
      %parallel_loop3A_209 = tpu.vector_load %arg10[%parallel_loop3A_208] {strides = array<i32>} : memref<25600xi32, #tpu.memory_space<vmem>>, vector<16xi32>,
      %parallel_loop3A_210 = arith.constant 15 : i32
      %parallel_loop3A_211 = vector.broadcast %parallel_loop3A_210 : i32 to vector<16xi32>
      %parallel_loop3A_212 = arith.andi %parallel_loop3A_209, %parallel_loop3A_211 : vector<16xi32>
      %parallel_loop3A_213 = vector.shape_cast %parallel_loop3A_212 : vector<16xi32> to vector<16x1xi32>
      %parallel_loop3A_214 = vector.shape_cast %parallel_loop3A_213 : vector<16x1xi32> to vector<16xi32>
      %parallel_loop3A_215 = tpu.dynamic_gather %get3A_3[%parallel_loop3A_214] in [0] : vector<16xf32>, vector<16xi32> -> vector<16xf32>
      %parallel_loop3A_216 = arith.index_cast %parallel_loop3A_207 : i32 to index
      %parallel_loop3A_217 = tpu.vector_load %arg12[%parallel_loop3A_216] {strides = array<i32>} : memref<25600xf32, #tpu.memory_space<vmem>>, vector<16xf32>,
      tpu.vector_store %arg12[%parallel_loop3A_216], %parallel_loop3A_215 {strides = array<i32>} : memref<25600xf32, #tpu.memory_space<vmem>>, vector<16xf32>,
    } {sc.loop_unroll_factor = 2 : i64, sc.parallel_access}
    %add3A_14 = arith.constant 0 : i32
    %add3A_15 = arith.addi %mul3A_2, %add3A_14 : i32
    %dma_start3A_16 = tpu.memref_slice %arg6[%add3A_15] : memref<3276800xf32, #tpu.memory_space<hbm>> -> memref<25600xf32, #tpu.memory_space<hbm>>
    %dma_start3A_17 = tpu.memref_slice %arg6[%add3A_15] : memref<3276800xf32, #tpu.memory_space<hbm>> -> memref<25600xf32, #tpu.memory_space<hbm>>
    tpu.enqueue_dma source(%arg12 : memref<25600xf32, #tpu.memory_space<vmem>>) target(%dma_start3A_17 : memref<25600xf32, #tpu.memory_space<hbm>>) target_semaphore(%arg16 : memref<!tpu.dma_semaphore, #tpu.memory_space<semaphore_mem>>)
    %add3A_18 = arith.constant 51200 : i32
    %add3A_19 = arith.addi %mul3A_2, %add3A_18 : i32
    %dma_start3A_20 = tpu.memref_slice %arg2[%add3A_19] : memref<3276800xi32, #tpu.memory_space<hbm>> -> memref<25600xi32, #tpu.memory_space<hbm>>
    %dma_start3A_21 = tpu.memref_slice %arg2[%add3A_19] : memref<3276800xi32, #tpu.memory_space<hbm>> -> memref<25600xi32, #tpu.memory_space<hbm>>
    tpu.enqueue_dma source(%dma_start3A_21 : memref<25600xi32, #tpu.memory_space<hbm>>) target(%arg10 : memref<25600xi32, #tpu.memory_space<vmem>>) target_semaphore(%arg14 : memref<!tpu.dma_semaphore, #tpu.memory_space<semaphore_mem>>)
    %dma_wait3A_22 = tpu.memref_slice %arg2[%mul3A_2] : memref<3276800xi32, #tpu.memory_space<hbm>> -> memref<25600xi32, #tpu.memory_space<hbm>>
    %dma_wait3A_23 = tpu.memref_slice %arg2[%mul3A_2] : memref<3276800xi32, #tpu.memory_space<hbm>> -> memref<25600xi32, #tpu.memory_space<hbm>>
    tpu.wait_dma2 semaphore(%arg15 : memref<!tpu.dma_semaphore, #tpu.memory_space<semaphore_mem>>) src(%dma_wait3A_23 : memref<25600xi32, #tpu.memory_space<hbm>>) dst(%arg11 : memref<25600xi32, #tpu.memory_space<vmem>>)
    %parallel_loop3A_24 = arith.constant 0 : i32
    %parallel_loop3A_25 = arith.constant 25600 : i32
    %parallel_loop3A_26 = arith.constant 128 : i32
    scf.for %parallel_loop3A_121 = %parallel_loop3A_24 to %parallel_loop3A_25 step %parallel_loop3A_26  : i32 {
      %parallel_loop3A_122 = arith.constant 0 : i32
      %parallel_loop3A_123 = arith.addi %parallel_loop3A_121, %parallel_loop3A_122 : i32
      %parallel_loop3A_124 = arith.index_cast %parallel_loop3A_123 : i32 to index
      %parallel_loop3A_125 = tpu.vector_load %arg11[%parallel_loop3A_124] {strides = array<i32>} : memref<25600xi32, #tpu.memory_space<vmem>>, vector<16xi32>,
      %parallel_loop3A_126 = arith.constant 15 : i32
      %parallel_loop3A_127 = vector.broadcast %parallel_loop3A_126 : i32 to vector<16xi32>
      %parallel_loop3A_128 = arith.andi %parallel_loop3A_125, %parallel_loop3A_127 : vector<16xi32>
      %parallel_loop3A_129 = vector.shape_cast %parallel_loop3A_128 : vector<16xi32> to vector<16x1xi32>
      %parallel_loop3A_130 = vector.shape_cast %parallel_loop3A_129 : vector<16x1xi32> to vector<16xi32>
      %parallel_loop3A_131 = tpu.dynamic_gather %get3A_3[%parallel_loop3A_130] in [0] : vector<16xf32>, vector<16xi32> -> vector<16xf32>
      %parallel_loop3A_132 = arith.index_cast %parallel_loop3A_123 : i32 to index
      %parallel_loop3A_133 = tpu.vector_load %arg13[%parallel_loop3A_132] {strides = array<i32>} : memref<25600xf32, #tpu.memory_space<vmem>>, vector<16xf32>,
      tpu.vector_store %arg13[%parallel_loop3A_132], %parallel_loop3A_131 {strides = array<i32>} : memref<25600xf32, #tpu.memory_space<vmem>>, vector<16xf32>,
      %parallel_loop3A_134 = arith.constant 16 : i32
      %parallel_loop3A_135 = arith.addi %parallel_loop3A_121, %parallel_loop3A_134 : i32
      %parallel_loop3A_136 = arith.index_cast %parallel_loop3A_135 : i32 to index
      %parallel_loop3A_137 = tpu.vector_load %arg11[%parallel_loop3A_136] {strides = array<i32>} : memref<25600xi32, #tpu.memory_space<vmem>>, vector<16xi32>,
      %parallel_loop3A_138 = arith.constant 15 : i32
      %parallel_loop3A_139 = vector.broadcast %parallel_loop3A_138 : i32 to vector<16xi32>
      %parallel_loop3A_140 = arith.andi %parallel_loop3A_137, %parallel_loop3A_139 : vector<16xi32>
      %parallel_loop3A_141 = vector.shape_cast %parallel_loop3A_140 : vector<16xi32> to vector<16x1xi32>
      %parallel_loop3A_142 = vector.shape_cast %parallel_loop3A_141 : vector<16x1xi32> to vector<16xi32>
      %parallel_loop3A_143 = tpu.dynamic_gather %get3A_3[%parallel_loop3A_142] in [0] : vector<16xf32>, vector<16xi32> -> vector<16xf32>
      %parallel_loop3A_144 = arith.index_cast %parallel_loop3A_135 : i32 to index
      %parallel_loop3A_145 = tpu.vector_load %arg13[%parallel_loop3A_144] {strides = array<i32>} : memref<25600xf32, #tpu.memory_space<vmem>>, vector<16xf32>,
      tpu.vector_store %arg13[%parallel_loop3A_144], %parallel_loop3A_143 {strides = array<i32>} : memref<25600xf32, #tpu.memory_space<vmem>>, vector<16xf32>,
      %parallel_loop3A_146 = arith.constant 32 : i32
      %parallel_loop3A_147 = arith.addi %parallel_loop3A_121, %parallel_loop3A_146 : i32
      %parallel_loop3A_148 = arith.index_cast %parallel_loop3A_147 : i32 to index
      %parallel_loop3A_149 = tpu.vector_load %arg11[%parallel_loop3A_148] {strides = array<i32>} : memref<25600xi32, #tpu.memory_space<vmem>>, vector<16xi32>,
      %parallel_loop3A_150 = arith.constant 15 : i32
      %parallel_loop3A_151 = vector.broadcast %parallel_loop3A_150 : i32 to vector<16xi32>
      %parallel_loop3A_152 = arith.andi %parallel_loop3A_149, %parallel_loop3A_151 : vector<16xi32>
      %parallel_loop3A_153 = vector.shape_cast %parallel_loop3A_152 : vector<16xi32> to vector<16x1xi32>
      %parallel_loop3A_154 = vector.shape_cast %parallel_loop3A_153 : vector<16x1xi32> to vector<16xi32>
      %parallel_loop3A_155 = tpu.dynamic_gather %get3A_3[%parallel_loop3A_154] in [0] : vector<16xf32>, vector<16xi32> -> vector<16xf32>
      %parallel_loop3A_156 = arith.index_cast %parallel_loop3A_147 : i32 to index
      %parallel_loop3A_157 = tpu.vector_load %arg13[%parallel_loop3A_156] {strides = array<i32>} : memref<25600xf32, #tpu.memory_space<vmem>>, vector<16xf32>,
      tpu.vector_store %arg13[%parallel_loop3A_156], %parallel_loop3A_155 {strides = array<i32>} : memref<25600xf32, #tpu.memory_space<vmem>>, vector<16xf32>,
      %parallel_loop3A_158 = arith.constant 48 : i32
      %parallel_loop3A_159 = arith.addi %parallel_loop3A_121, %parallel_loop3A_158 : i32
      %parallel_loop3A_160 = arith.index_cast %parallel_loop3A_159 : i32 to index
      %parallel_loop3A_161 = tpu.vector_load %arg11[%parallel_loop3A_160] {strides = array<i32>} : memref<25600xi32, #tpu.memory_space<vmem>>, vector<16xi32>,
      %parallel_loop3A_162 = arith.constant 15 : i32
      %parallel_loop3A_163 = vector.broadcast %parallel_loop3A_162 : i32 to vector<16xi32>
      %parallel_loop3A_164 = arith.andi %parallel_loop3A_161, %parallel_loop3A_163 : vector<16xi32>
      %parallel_loop3A_165 = vector.shape_cast %parallel_loop3A_164 : vector<16xi32> to vector<16x1xi32>
      %parallel_loop3A_166 = vector.shape_cast %parallel_loop3A_165 : vector<16x1xi32> to vector<16xi32>
      %parallel_loop3A_167 = tpu.dynamic_gather %get3A_3[%parallel_loop3A_166] in [0] : vector<16xf32>, vector<16xi32> -> vector<16xf32>
      %parallel_loop3A_168 = arith.index_cast %parallel_loop3A_159 : i32 to index
      %parallel_loop3A_169 = tpu.vector_load %arg13[%parallel_loop3A_168] {strides = array<i32>} : memref<25600xf32, #tpu.memory_space<vmem>>, vector<16xf32>,
      tpu.vector_store %arg13[%parallel_loop3A_168], %parallel_loop3A_167 {strides = array<i32>} : memref<25600xf32, #tpu.memory_space<vmem>>, vector<16xf32>,
      %parallel_loop3A_170 = arith.constant 64 : i32
      %parallel_loop3A_171 = arith.addi %parallel_loop3A_121, %parallel_loop3A_170 : i32
      %parallel_loop3A_172 = arith.index_cast %parallel_loop3A_171 : i32 to index
      %parallel_loop3A_173 = tpu.vector_load %arg11[%parallel_loop3A_172] {strides = array<i32>} : memref<25600xi32, #tpu.memory_space<vmem>>, vector<16xi32>,
      %parallel_loop3A_174 = arith.constant 15 : i32
      %parallel_loop3A_175 = vector.broadcast %parallel_loop3A_174 : i32 to vector<16xi32>
      %parallel_loop3A_176 = arith.andi %parallel_loop3A_173, %parallel_loop3A_175 : vector<16xi32>
      %parallel_loop3A_177 = vector.shape_cast %parallel_loop3A_176 : vector<16xi32> to vector<16x1xi32>
      %parallel_loop3A_178 = vector.shape_cast %parallel_loop3A_177 : vector<16x1xi32> to vector<16xi32>
      %parallel_loop3A_179 = tpu.dynamic_gather %get3A_3[%parallel_loop3A_178] in [0] : vector<16xf32>, vector<16xi32> -> vector<16xf32>
      %parallel_loop3A_180 = arith.index_cast %parallel_loop3A_171 : i32 to index
      %parallel_loop3A_181 = tpu.vector_load %arg13[%parallel_loop3A_180] {strides = array<i32>} : memref<25600xf32, #tpu.memory_space<vmem>>, vector<16xf32>,
      tpu.vector_store %arg13[%parallel_loop3A_180], %parallel_loop3A_179 {strides = array<i32>} : memref<25600xf32, #tpu.memory_space<vmem>>, vector<16xf32>,
      %parallel_loop3A_182 = arith.constant 80 : i32
      %parallel_loop3A_183 = arith.addi %parallel_loop3A_121, %parallel_loop3A_182 : i32
      %parallel_loop3A_184 = arith.index_cast %parallel_loop3A_183 : i32 to index
      %parallel_loop3A_185 = tpu.vector_load %arg11[%parallel_loop3A_184] {strides = array<i32>} : memref<25600xi32, #tpu.memory_space<vmem>>, vector<16xi32>,
      %parallel_loop3A_186 = arith.constant 15 : i32
      %parallel_loop3A_187 = vector.broadcast %parallel_loop3A_186 : i32 to vector<16xi32>
      %parallel_loop3A_188 = arith.andi %parallel_loop3A_185, %parallel_loop3A_187 : vector<16xi32>
      %parallel_loop3A_189 = vector.shape_cast %parallel_loop3A_188 : vector<16xi32> to vector<16x1xi32>
      %parallel_loop3A_190 = vector.shape_cast %parallel_loop3A_189 : vector<16x1xi32> to vector<16xi32>
      %parallel_loop3A_191 = tpu.dynamic_gather %get3A_3[%parallel_loop3A_190] in [0] : vector<16xf32>, vector<16xi32> -> vector<16xf32>
      %parallel_loop3A_192 = arith.index_cast %parallel_loop3A_183 : i32 to index
      %parallel_loop3A_193 = tpu.vector_load %arg13[%parallel_loop3A_192] {strides = array<i32>} : memref<25600xf32, #tpu.memory_space<vmem>>, vector<16xf32>,
      tpu.vector_store %arg13[%parallel_loop3A_192], %parallel_loop3A_191 {strides = array<i32>} : memref<25600xf32, #tpu.memory_space<vmem>>, vector<16xf32>,
      %parallel_loop3A_194 = arith.constant 96 : i32
      %parallel_loop3A_195 = arith.addi %parallel_loop3A_121, %parallel_loop3A_194 : i32
      %parallel_loop3A_196 = arith.index_cast %parallel_loop3A_195 : i32 to index
      %parallel_loop3A_197 = tpu.vector_load %arg11[%parallel_loop3A_196] {strides = array<i32>} : memref<25600xi32, #tpu.memory_space<vmem>>, vector<16xi32>,
      %parallel_loop3A_198 = arith.constant 15 : i32
      %parallel_loop3A_199 = vector.broadcast %parallel_loop3A_198 : i32 to vector<16xi32>
      %parallel_loop3A_200 = arith.andi %parallel_loop3A_197, %parallel_loop3A_199 : vector<16xi32>
      %parallel_loop3A_201 = vector.shape_cast %parallel_loop3A_200 : vector<16xi32> to vector<16x1xi32>
      %parallel_loop3A_202 = vector.shape_cast %parallel_loop3A_201 : vector<16x1xi32> to vector<16xi32>
      %parallel_loop3A_203 = tpu.dynamic_gather %get3A_3[%parallel_loop3A_202] in [0] : vector<16xf32>, vector<16xi32> -> vector<16xf32>
      %parallel_loop3A_204 = arith.index_cast %parallel_loop3A_195 : i32 to index
      %parallel_loop3A_205 = tpu.vector_load %arg13[%parallel_loop3A_204] {strides = array<i32>} : memref<25600xf32, #tpu.memory_space<vmem>>, vector<16xf32>,
      tpu.vector_store %arg13[%parallel_loop3A_204], %parallel_loop3A_203 {strides = array<i32>} : memref<25600xf32, #tpu.memory_space<vmem>>, vector<16xf32>,
      %parallel_loop3A_206 = arith.constant 112 : i32
      %parallel_loop3A_207 = arith.addi %parallel_loop3A_121, %parallel_loop3A_206 : i32
      %parallel_loop3A_208 = arith.index_cast %parallel_loop3A_207 : i32 to index
      %parallel_loop3A_209 = tpu.vector_load %arg11[%parallel_loop3A_208] {strides = array<i32>} : memref<25600xi32, #tpu.memory_space<vmem>>, vector<16xi32>,
      %parallel_loop3A_210 = arith.constant 15 : i32
      %parallel_loop3A_211 = vector.broadcast %parallel_loop3A_210 : i32 to vector<16xi32>
      %parallel_loop3A_212 = arith.andi %parallel_loop3A_209, %parallel_loop3A_211 : vector<16xi32>
      %parallel_loop3A_213 = vector.shape_cast %parallel_loop3A_212 : vector<16xi32> to vector<16x1xi32>
      %parallel_loop3A_214 = vector.shape_cast %parallel_loop3A_213 : vector<16x1xi32> to vector<16xi32>
      %parallel_loop3A_215 = tpu.dynamic_gather %get3A_3[%parallel_loop3A_214] in [0] : vector<16xf32>, vector<16xi32> -> vector<16xf32>
      %parallel_loop3A_216 = arith.index_cast %parallel_loop3A_207 : i32 to index
      %parallel_loop3A_217 = tpu.vector_load %arg13[%parallel_loop3A_216] {strides = array<i32>} : memref<25600xf32, #tpu.memory_space<vmem>>, vector<16xf32>,
      tpu.vector_store %arg13[%parallel_loop3A_216], %parallel_loop3A_215 {strides = array<i32>} : memref<25600xf32, #tpu.memory_space<vmem>>, vector<16xf32>,
    } {sc.loop_unroll_factor = 2 : i64, sc.parallel_access}
    %add3A_27 = arith.constant 25600 : i32
    %add3A_28 = arith.addi %mul3A_2, %add3A_27 : i32
    %dma_start3A_29 = tpu.memref_slice %arg6[%add3A_28] : memref<3276800xf32, #tpu.memory_space<hbm>> -> memref<25600xf32, #tpu.memory_space<hbm>>
    %dma_start3A_30 = tpu.memref_slice %arg6[%add3A_28] : memref<3276800xf32, #tpu.memory_space<hbm>> -> memref<25600xf32, #tpu.memory_space<hbm>>
    tpu.enqueue_dma source(%arg13 : memref<25600xf32, #tpu.memory_space<vmem>>) target(%dma_start3A_30 : memref<25600xf32, #tpu.memory_space<hbm>>) target_semaphore(%arg17 : memref<!tpu.dma_semaphore, #tpu.memory_space<semaphore_mem>>)
    %add3A_31 = arith.constant 76800 : i32
    %add3A_32 = arith.addi %mul3A_2, %add3A_31 : i32
    %dma_start3A_33 = tpu.memref_slice %arg2[%add3A_32] : memref<3276800xi32, #tpu.memory_space<hbm>> -> memref<25600xi32, #tpu.memory_space<hbm>>
    %dma_start3A_34 = tpu.memref_slice %arg2[%add3A_32] : memref<3276800xi32, #tpu.memory_space<hbm>> -> memref<25600xi32, #tpu.memory_space<hbm>>
    tpu.enqueue_dma source(%dma_start3A_34 : memref<25600xi32, #tpu.memory_space<hbm>>) target(%arg11 : memref<25600xi32, #tpu.memory_space<vmem>>) target_semaphore(%arg15 : memref<!tpu.dma_semaphore, #tpu.memory_space<semaphore_mem>>)
    %dma_wait3A_35 = tpu.memref_slice %arg2[%mul3A_2] : memref<3276800xi32, #tpu.memory_space<hbm>> -> memref<25600xi32, #tpu.memory_space<hbm>>
    %dma_wait3A_36 = tpu.memref_slice %arg2[%mul3A_2] : memref<3276800xi32, #tpu.memory_space<hbm>> -> memref<25600xi32, #tpu.memory_space<hbm>>
    tpu.wait_dma2 semaphore(%arg14 : memref<!tpu.dma_semaphore, #tpu.memory_space<semaphore_mem>>) src(%dma_wait3A_36 : memref<25600xi32, #tpu.memory_space<hbm>>) dst(%arg10 : memref<25600xi32, #tpu.memory_space<vmem>>)
    %dma_wait3A_37 = tpu.memref_slice %arg6[%mul3A_2] : memref<3276800xf32, #tpu.memory_space<hbm>> -> memref<25600xf32, #tpu.memory_space<hbm>>
    %dma_wait3A_38 = tpu.memref_slice %arg6[%mul3A_2] : memref<3276800xf32, #tpu.memory_space<hbm>> -> memref<25600xf32, #tpu.memory_space<hbm>>
    tpu.wait_dma2 semaphore(%arg16 : memref<!tpu.dma_semaphore, #tpu.memory_space<semaphore_mem>>) src(%arg12 : memref<25600xf32, #tpu.memory_space<vmem>>) dst(%dma_wait3A_38 : memref<25600xf32, #tpu.memory_space<hbm>>)
    %parallel_loop3A_39 = arith.constant 0 : i32
    %parallel_loop3A_40 = arith.constant 25600 : i32
    %parallel_loop3A_41 = arith.constant 128 : i32
    scf.for %parallel_loop3A_121 = %parallel_loop3A_39 to %parallel_loop3A_40 step %parallel_loop3A_41  : i32 {
      %parallel_loop3A_122 = arith.constant 0 : i32
      %parallel_loop3A_123 = arith.addi %parallel_loop3A_121, %parallel_loop3A_122 : i32
      %parallel_loop3A_124 = arith.index_cast %parallel_loop3A_123 : i32 to index
      %parallel_loop3A_125 = tpu.vector_load %arg10[%parallel_loop3A_124] {strides = array<i32>} : memref<25600xi32, #tpu.memory_space<vmem>>, vector<16xi32>,
      %parallel_loop3A_126 = arith.constant 15 : i32
      %parallel_loop3A_127 = vector.broadcast %parallel_loop3A_126 : i32 to vector<16xi32>
      %parallel_loop3A_128 = arith.andi %parallel_loop3A_125, %parallel_loop3A_127 : vector<16xi32>
      %parallel_loop3A_129 = vector.shape_cast %parallel_loop3A_128 : vector<16xi32> to vector<16x1xi32>
      %parallel_loop3A_130 = vector.shape_cast %parallel_loop3A_129 : vector<16x1xi32> to vector<16xi32>
      %parallel_loop3A_131 = tpu.dynamic_gather %get3A_3[%parallel_loop3A_130] in [0] : vector<16xf32>, vector<16xi32> -> vector<16xf32>
      %parallel_loop3A_132 = arith.index_cast %parallel_loop3A_123 : i32 to index
      %parallel_loop3A_133 = tpu.vector_load %arg12[%parallel_loop3A_132] {strides = array<i32>} : memref<25600xf32, #tpu.memory_space<vmem>>, vector<16xf32>,
      tpu.vector_store %arg12[%parallel_loop3A_132], %parallel_loop3A_131 {strides = array<i32>} : memref<25600xf32, #tpu.memory_space<vmem>>, vector<16xf32>,
      %parallel_loop3A_134 = arith.constant 16 : i32
      %parallel_loop3A_135 = arith.addi %parallel_loop3A_121, %parallel_loop3A_134 : i32
      %parallel_loop3A_136 = arith.index_cast %parallel_loop3A_135 : i32 to index
      %parallel_loop3A_137 = tpu.vector_load %arg10[%parallel_loop3A_136] {strides = array<i32>} : memref<25600xi32, #tpu.memory_space<vmem>>, vector<16xi32>,
      %parallel_loop3A_138 = arith.constant 15 : i32
      %parallel_loop3A_139 = vector.broadcast %parallel_loop3A_138 : i32 to vector<16xi32>
      %parallel_loop3A_140 = arith.andi %parallel_loop3A_137, %parallel_loop3A_139 : vector<16xi32>
      %parallel_loop3A_141 = vector.shape_cast %parallel_loop3A_140 : vector<16xi32> to vector<16x1xi32>
      %parallel_loop3A_142 = vector.shape_cast %parallel_loop3A_141 : vector<16x1xi32> to vector<16xi32>
      %parallel_loop3A_143 = tpu.dynamic_gather %get3A_3[%parallel_loop3A_142] in [0] : vector<16xf32>, vector<16xi32> -> vector<16xf32>
      %parallel_loop3A_144 = arith.index_cast %parallel_loop3A_135 : i32 to index
      %parallel_loop3A_145 = tpu.vector_load %arg12[%parallel_loop3A_144] {strides = array<i32>} : memref<25600xf32, #tpu.memory_space<vmem>>, vector<16xf32>,
      tpu.vector_store %arg12[%parallel_loop3A_144], %parallel_loop3A_143 {strides = array<i32>} : memref<25600xf32, #tpu.memory_space<vmem>>, vector<16xf32>,
      %parallel_loop3A_146 = arith.constant 32 : i32
      %parallel_loop3A_147 = arith.addi %parallel_loop3A_121, %parallel_loop3A_146 : i32
      %parallel_loop3A_148 = arith.index_cast %parallel_loop3A_147 : i32 to index
      %parallel_loop3A_149 = tpu.vector_load %arg10[%parallel_loop3A_148] {strides = array<i32>} : memref<25600xi32, #tpu.memory_space<vmem>>, vector<16xi32>,
      %parallel_loop3A_150 = arith.constant 15 : i32
      %parallel_loop3A_151 = vector.broadcast %parallel_loop3A_150 : i32 to vector<16xi32>
      %parallel_loop3A_152 = arith.andi %parallel_loop3A_149, %parallel_loop3A_151 : vector<16xi32>
      %parallel_loop3A_153 = vector.shape_cast %parallel_loop3A_152 : vector<16xi32> to vector<16x1xi32>
      %parallel_loop3A_154 = vector.shape_cast %parallel_loop3A_153 : vector<16x1xi32> to vector<16xi32>
      %parallel_loop3A_155 = tpu.dynamic_gather %get3A_3[%parallel_loop3A_154] in [0] : vector<16xf32>, vector<16xi32> -> vector<16xf32>
      %parallel_loop3A_156 = arith.index_cast %parallel_loop3A_147 : i32 to index
      %parallel_loop3A_157 = tpu.vector_load %arg12[%parallel_loop3A_156] {strides = array<i32>} : memref<25600xf32, #tpu.memory_space<vmem>>, vector<16xf32>,
      tpu.vector_store %arg12[%parallel_loop3A_156], %parallel_loop3A_155 {strides = array<i32>} : memref<25600xf32, #tpu.memory_space<vmem>>, vector<16xf32>,
      %parallel_loop3A_158 = arith.constant 48 : i32
      %parallel_loop3A_159 = arith.addi %parallel_loop3A_121, %parallel_loop3A_158 : i32
      %parallel_loop3A_160 = arith.index_cast %parallel_loop3A_159 : i32 to index
      %parallel_loop3A_161 = tpu.vector_load %arg10[%parallel_loop3A_160] {strides = array<i32>} : memref<25600xi32, #tpu.memory_space<vmem>>, vector<16xi32>,
      %parallel_loop3A_162 = arith.constant 15 : i32
      %parallel_loop3A_163 = vector.broadcast %parallel_loop3A_162 : i32 to vector<16xi32>
      %parallel_loop3A_164 = arith.andi %parallel_loop3A_161, %parallel_loop3A_163 : vector<16xi32>
      %parallel_loop3A_165 = vector.shape_cast %parallel_loop3A_164 : vector<16xi32> to vector<16x1xi32>
      %parallel_loop3A_166 = vector.shape_cast %parallel_loop3A_165 : vector<16x1xi32> to vector<16xi32>
      %parallel_loop3A_167 = tpu.dynamic_gather %get3A_3[%parallel_loop3A_166] in [0] : vector<16xf32>, vector<16xi32> -> vector<16xf32>
      %parallel_loop3A_168 = arith.index_cast %parallel_loop3A_159 : i32 to index
      %parallel_loop3A_169 = tpu.vector_load %arg12[%parallel_loop3A_168] {strides = array<i32>} : memref<25600xf32, #tpu.memory_space<vmem>>, vector<16xf32>,
      tpu.vector_store %arg12[%parallel_loop3A_168], %parallel_loop3A_167 {strides = array<i32>} : memref<25600xf32, #tpu.memory_space<vmem>>, vector<16xf32>,
      %parallel_loop3A_170 = arith.constant 64 : i32
      %parallel_loop3A_171 = arith.addi %parallel_loop3A_121, %parallel_loop3A_170 : i32
      %parallel_loop3A_172 = arith.index_cast %parallel_loop3A_171 : i32 to index
      %parallel_loop3A_173 = tpu.vector_load %arg10[%parallel_loop3A_172] {strides = array<i32>} : memref<25600xi32, #tpu.memory_space<vmem>>, vector<16xi32>,
      %parallel_loop3A_174 = arith.constant 15 : i32
      %parallel_loop3A_175 = vector.broadcast %parallel_loop3A_174 : i32 to vector<16xi32>
      %parallel_loop3A_176 = arith.andi %parallel_loop3A_173, %parallel_loop3A_175 : vector<16xi32>
      %parallel_loop3A_177 = vector.shape_cast %parallel_loop3A_176 : vector<16xi32> to vector<16x1xi32>
      %parallel_loop3A_178 = vector.shape_cast %parallel_loop3A_177 : vector<16x1xi32> to vector<16xi32>
      %parallel_loop3A_179 = tpu.dynamic_gather %get3A_3[%parallel_loop3A_178] in [0] : vector<16xf32>, vector<16xi32> -> vector<16xf32>
      %parallel_loop3A_180 = arith.index_cast %parallel_loop3A_171 : i32 to index
      %parallel_loop3A_181 = tpu.vector_load %arg12[%parallel_loop3A_180] {strides = array<i32>} : memref<25600xf32, #tpu.memory_space<vmem>>, vector<16xf32>,
      tpu.vector_store %arg12[%parallel_loop3A_180], %parallel_loop3A_179 {strides = array<i32>} : memref<25600xf32, #tpu.memory_space<vmem>>, vector<16xf32>,
      %parallel_loop3A_182 = arith.constant 80 : i32
      %parallel_loop3A_183 = arith.addi %parallel_loop3A_121, %parallel_loop3A_182 : i32
      %parallel_loop3A_184 = arith.index_cast %parallel_loop3A_183 : i32 to index
      %parallel_loop3A_185 = tpu.vector_load %arg10[%parallel_loop3A_184] {strides = array<i32>} : memref<25600xi32, #tpu.memory_space<vmem>>, vector<16xi32>,
      %parallel_loop3A_186 = arith.constant 15 : i32
      %parallel_loop3A_187 = vector.broadcast %parallel_loop3A_186 : i32 to vector<16xi32>
      %parallel_loop3A_188 = arith.andi %parallel_loop3A_185, %parallel_loop3A_187 : vector<16xi32>
      %parallel_loop3A_189 = vector.shape_cast %parallel_loop3A_188 : vector<16xi32> to vector<16x1xi32>
      %parallel_loop3A_190 = vector.shape_cast %parallel_loop3A_189 : vector<16x1xi32> to vector<16xi32>
      %parallel_loop3A_191 = tpu.dynamic_gather %get3A_3[%parallel_loop3A_190] in [0] : vector<16xf32>, vector<16xi32> -> vector<16xf32>
      %parallel_loop3A_192 = arith.index_cast %parallel_loop3A_183 : i32 to index
      %parallel_loop3A_193 = tpu.vector_load %arg12[%parallel_loop3A_192] {strides = array<i32>} : memref<25600xf32, #tpu.memory_space<vmem>>, vector<16xf32>,
      tpu.vector_store %arg12[%parallel_loop3A_192], %parallel_loop3A_191 {strides = array<i32>} : memref<25600xf32, #tpu.memory_space<vmem>>, vector<16xf32>,
      %parallel_loop3A_194 = arith.constant 96 : i32
      %parallel_loop3A_195 = arith.addi %parallel_loop3A_121, %parallel_loop3A_194 : i32
      %parallel_loop3A_196 = arith.index_cast %parallel_loop3A_195 : i32 to index
      %parallel_loop3A_197 = tpu.vector_load %arg10[%parallel_loop3A_196] {strides = array<i32>} : memref<25600xi32, #tpu.memory_space<vmem>>, vector<16xi32>,
      %parallel_loop3A_198 = arith.constant 15 : i32
      %parallel_loop3A_199 = vector.broadcast %parallel_loop3A_198 : i32 to vector<16xi32>
      %parallel_loop3A_200 = arith.andi %parallel_loop3A_197, %parallel_loop3A_199 : vector<16xi32>
      %parallel_loop3A_201 = vector.shape_cast %parallel_loop3A_200 : vector<16xi32> to vector<16x1xi32>
      %parallel_loop3A_202 = vector.shape_cast %parallel_loop3A_201 : vector<16x1xi32> to vector<16xi32>
      %parallel_loop3A_203 = tpu.dynamic_gather %get3A_3[%parallel_loop3A_202] in [0] : vector<16xf32>, vector<16xi32> -> vector<16xf32>
      %parallel_loop3A_204 = arith.index_cast %parallel_loop3A_195 : i32 to index
      %parallel_loop3A_205 = tpu.vector_load %arg12[%parallel_loop3A_204] {strides = array<i32>} : memref<25600xf32, #tpu.memory_space<vmem>>, vector<16xf32>,
      tpu.vector_store %arg12[%parallel_loop3A_204], %parallel_loop3A_203 {strides = array<i32>} : memref<25600xf32, #tpu.memory_space<vmem>>, vector<16xf32>,
      %parallel_loop3A_206 = arith.constant 112 : i32
      %parallel_loop3A_207 = arith.addi %parallel_loop3A_121, %parallel_loop3A_206 : i32
      %parallel_loop3A_208 = arith.index_cast %parallel_loop3A_207 : i32 to index
      %parallel_loop3A_209 = tpu.vector_load %arg10[%parallel_loop3A_208] {strides = array<i32>} : memref<25600xi32, #tpu.memory_space<vmem>>, vector<16xi32>,
      %parallel_loop3A_210 = arith.constant 15 : i32
      %parallel_loop3A_211 = vector.broadcast %parallel_loop3A_210 : i32 to vector<16xi32>
      %parallel_loop3A_212 = arith.andi %parallel_loop3A_209, %parallel_loop3A_211 : vector<16xi32>
      %parallel_loop3A_213 = vector.shape_cast %parallel_loop3A_212 : vector<16xi32> to vector<16x1xi32>
      %parallel_loop3A_214 = vector.shape_cast %parallel_loop3A_213 : vector<16x1xi32> to vector<16xi32>
      %parallel_loop3A_215 = tpu.dynamic_gather %get3A_3[%parallel_loop3A_214] in [0] : vector<16xf32>, vector<16xi32> -> vector<16xf32>
      %parallel_loop3A_216 = arith.index_cast %parallel_loop3A_207 : i32 to index
      %parallel_loop3A_217 = tpu.vector_load %arg12[%parallel_loop3A_216] {strides = array<i32>} : memref<25600xf32, #tpu.memory_space<vmem>>, vector<16xf32>,
      tpu.vector_store %arg12[%parallel_loop3A_216], %parallel_loop3A_215 {strides = array<i32>} : memref<25600xf32, #tpu.memory_space<vmem>>, vector<16xf32>,
    } {sc.loop_unroll_factor = 2 : i64, sc.parallel_access}
    %add3A_42 = arith.constant 51200 : i32
    %add3A_43 = arith.addi %mul3A_2, %add3A_42 : i32
    %dma_start3A_44 = tpu.memref_slice %arg6[%add3A_43] : memref<3276800xf32, #tpu.memory_space<hbm>> -> memref<25600xf32, #tpu.memory_space<hbm>>
    %dma_start3A_45 = tpu.memref_slice %arg6[%add3A_43] : memref<3276800xf32, #tpu.memory_space<hbm>> -> memref<25600xf32, #tpu.memory_space<hbm>>
    tpu.enqueue_dma source(%arg12 : memref<25600xf32, #tpu.memory_space<vmem>>) target(%dma_start3A_45 : memref<25600xf32, #tpu.memory_space<hbm>>) target_semaphore(%arg16 : memref<!tpu.dma_semaphore, #tpu.memory_space<semaphore_mem>>)
    %dma_wait3A_46 = tpu.memref_slice %arg2[%mul3A_2] : memref<3276800xi32, #tpu.memory_space<hbm>> -> memref<25600xi32, #tpu.memory_space<hbm>>
    %dma_wait3A_47 = tpu.memref_slice %arg2[%mul3A_2] : memref<3276800xi32, #tpu.memory_space<hbm>> -> memref<25600xi32, #tpu.memory_space<hbm>>
    tpu.wait_dma2 semaphore(%arg15 : memref<!tpu.dma_semaphore, #tpu.memory_space<semaphore_mem>>) src(%dma_wait3A_47 : memref<25600xi32, #tpu.memory_space<hbm>>) dst(%arg11 : memref<25600xi32, #tpu.memory_space<vmem>>)
    %dma_wait3A_48 = tpu.memref_slice %arg6[%mul3A_2] : memref<3276800xf32, #tpu.memory_space<hbm>> -> memref<25600xf32, #tpu.memory_space<hbm>>
    %dma_wait3A_49 = tpu.memref_slice %arg6[%mul3A_2] : memref<3276800xf32, #tpu.memory_space<hbm>> -> memref<25600xf32, #tpu.memory_space<hbm>>
    tpu.wait_dma2 semaphore(%arg17 : memref<!tpu.dma_semaphore, #tpu.memory_space<semaphore_mem>>) src(%arg13 : memref<25600xf32, #tpu.memory_space<vmem>>) dst(%dma_wait3A_49 : memref<25600xf32, #tpu.memory_space<hbm>>)
    %parallel_loop3A_50 = arith.constant 0 : i32
    %parallel_loop3A_51 = arith.constant 25600 : i32
    %parallel_loop3A_52 = arith.constant 128 : i32
    scf.for %parallel_loop3A_121 = %parallel_loop3A_50 to %parallel_loop3A_51 step %parallel_loop3A_52  : i32 {
      %parallel_loop3A_122 = arith.constant 0 : i32
      %parallel_loop3A_123 = arith.addi %parallel_loop3A_121, %parallel_loop3A_122 : i32
      %parallel_loop3A_124 = arith.index_cast %parallel_loop3A_123 : i32 to index
      %parallel_loop3A_125 = tpu.vector_load %arg11[%parallel_loop3A_124] {strides = array<i32>} : memref<25600xi32, #tpu.memory_space<vmem>>, vector<16xi32>,
      %parallel_loop3A_126 = arith.constant 15 : i32
      %parallel_loop3A_127 = vector.broadcast %parallel_loop3A_126 : i32 to vector<16xi32>
      %parallel_loop3A_128 = arith.andi %parallel_loop3A_125, %parallel_loop3A_127 : vector<16xi32>
      %parallel_loop3A_129 = vector.shape_cast %parallel_loop3A_128 : vector<16xi32> to vector<16x1xi32>
      %parallel_loop3A_130 = vector.shape_cast %parallel_loop3A_129 : vector<16x1xi32> to vector<16xi32>
      %parallel_loop3A_131 = tpu.dynamic_gather %get3A_3[%parallel_loop3A_130] in [0] : vector<16xf32>, vector<16xi32> -> vector<16xf32>
      %parallel_loop3A_132 = arith.index_cast %parallel_loop3A_123 : i32 to index
      %parallel_loop3A_133 = tpu.vector_load %arg13[%parallel_loop3A_132] {strides = array<i32>} : memref<25600xf32, #tpu.memory_space<vmem>>, vector<16xf32>,
      tpu.vector_store %arg13[%parallel_loop3A_132], %parallel_loop3A_131 {strides = array<i32>} : memref<25600xf32, #tpu.memory_space<vmem>>, vector<16xf32>,
      %parallel_loop3A_134 = arith.constant 16 : i32
      %parallel_loop3A_135 = arith.addi %parallel_loop3A_121, %parallel_loop3A_134 : i32
      %parallel_loop3A_136 = arith.index_cast %parallel_loop3A_135 : i32 to index
      %parallel_loop3A_137 = tpu.vector_load %arg11[%parallel_loop3A_136] {strides = array<i32>} : memref<25600xi32, #tpu.memory_space<vmem>>, vector<16xi32>,
      %parallel_loop3A_138 = arith.constant 15 : i32
      %parallel_loop3A_139 = vector.broadcast %parallel_loop3A_138 : i32 to vector<16xi32>
      %parallel_loop3A_140 = arith.andi %parallel_loop3A_137, %parallel_loop3A_139 : vector<16xi32>
      %parallel_loop3A_141 = vector.shape_cast %parallel_loop3A_140 : vector<16xi32> to vector<16x1xi32>
      %parallel_loop3A_142 = vector.shape_cast %parallel_loop3A_141 : vector<16x1xi32> to vector<16xi32>
      %parallel_loop3A_143 = tpu.dynamic_gather %get3A_3[%parallel_loop3A_142] in [0] : vector<16xf32>, vector<16xi32> -> vector<16xf32>
      %parallel_loop3A_144 = arith.index_cast %parallel_loop3A_135 : i32 to index
      %parallel_loop3A_145 = tpu.vector_load %arg13[%parallel_loop3A_144] {strides = array<i32>} : memref<25600xf32, #tpu.memory_space<vmem>>, vector<16xf32>,
      tpu.vector_store %arg13[%parallel_loop3A_144], %parallel_loop3A_143 {strides = array<i32>} : memref<25600xf32, #tpu.memory_space<vmem>>, vector<16xf32>,
      %parallel_loop3A_146 = arith.constant 32 : i32
      %parallel_loop3A_147 = arith.addi %parallel_loop3A_121, %parallel_loop3A_146 : i32
      %parallel_loop3A_148 = arith.index_cast %parallel_loop3A_147 : i32 to index
      %parallel_loop3A_149 = tpu.vector_load %arg11[%parallel_loop3A_148] {strides = array<i32>} : memref<25600xi32, #tpu.memory_space<vmem>>, vector<16xi32>,
      %parallel_loop3A_150 = arith.constant 15 : i32
      %parallel_loop3A_151 = vector.broadcast %parallel_loop3A_150 : i32 to vector<16xi32>
      %parallel_loop3A_152 = arith.andi %parallel_loop3A_149, %parallel_loop3A_151 : vector<16xi32>
      %parallel_loop3A_153 = vector.shape_cast %parallel_loop3A_152 : vector<16xi32> to vector<16x1xi32>
      %parallel_loop3A_154 = vector.shape_cast %parallel_loop3A_153 : vector<16x1xi32> to vector<16xi32>
      %parallel_loop3A_155 = tpu.dynamic_gather %get3A_3[%parallel_loop3A_154] in [0] : vector<16xf32>, vector<16xi32> -> vector<16xf32>
      %parallel_loop3A_156 = arith.index_cast %parallel_loop3A_147 : i32 to index
      %parallel_loop3A_157 = tpu.vector_load %arg13[%parallel_loop3A_156] {strides = array<i32>} : memref<25600xf32, #tpu.memory_space<vmem>>, vector<16xf32>,
      tpu.vector_store %arg13[%parallel_loop3A_156], %parallel_loop3A_155 {strides = array<i32>} : memref<25600xf32, #tpu.memory_space<vmem>>, vector<16xf32>,
      %parallel_loop3A_158 = arith.constant 48 : i32
      %parallel_loop3A_159 = arith.addi %parallel_loop3A_121, %parallel_loop3A_158 : i32
      %parallel_loop3A_160 = arith.index_cast %parallel_loop3A_159 : i32 to index
      %parallel_loop3A_161 = tpu.vector_load %arg11[%parallel_loop3A_160] {strides = array<i32>} : memref<25600xi32, #tpu.memory_space<vmem>>, vector<16xi32>,
      %parallel_loop3A_162 = arith.constant 15 : i32
      %parallel_loop3A_163 = vector.broadcast %parallel_loop3A_162 : i32 to vector<16xi32>
      %parallel_loop3A_164 = arith.andi %parallel_loop3A_161, %parallel_loop3A_163 : vector<16xi32>
      %parallel_loop3A_165 = vector.shape_cast %parallel_loop3A_164 : vector<16xi32> to vector<16x1xi32>
      %parallel_loop3A_166 = vector.shape_cast %parallel_loop3A_165 : vector<16x1xi32> to vector<16xi32>
      %parallel_loop3A_167 = tpu.dynamic_gather %get3A_3[%parallel_loop3A_166] in [0] : vector<16xf32>, vector<16xi32> -> vector<16xf32>
      %parallel_loop3A_168 = arith.index_cast %parallel_loop3A_159 : i32 to index
      %parallel_loop3A_169 = tpu.vector_load %arg13[%parallel_loop3A_168] {strides = array<i32>} : memref<25600xf32, #tpu.memory_space<vmem>>, vector<16xf32>,
      tpu.vector_store %arg13[%parallel_loop3A_168], %parallel_loop3A_167 {strides = array<i32>} : memref<25600xf32, #tpu.memory_space<vmem>>, vector<16xf32>,
      %parallel_loop3A_170 = arith.constant 64 : i32
      %parallel_loop3A_171 = arith.addi %parallel_loop3A_121, %parallel_loop3A_170 : i32
      %parallel_loop3A_172 = arith.index_cast %parallel_loop3A_171 : i32 to index
      %parallel_loop3A_173 = tpu.vector_load %arg11[%parallel_loop3A_172] {strides = array<i32>} : memref<25600xi32, #tpu.memory_space<vmem>>, vector<16xi32>,
      %parallel_loop3A_174 = arith.constant 15 : i32
      %parallel_loop3A_175 = vector.broadcast %parallel_loop3A_174 : i32 to vector<16xi32>
      %parallel_loop3A_176 = arith.andi %parallel_loop3A_173, %parallel_loop3A_175 : vector<16xi32>
      %parallel_loop3A_177 = vector.shape_cast %parallel_loop3A_176 : vector<16xi32> to vector<16x1xi32>
      %parallel_loop3A_178 = vector.shape_cast %parallel_loop3A_177 : vector<16x1xi32> to vector<16xi32>
      %parallel_loop3A_179 = tpu.dynamic_gather %get3A_3[%parallel_loop3A_178] in [0] : vector<16xf32>, vector<16xi32> -> vector<16xf32>
      %parallel_loop3A_180 = arith.index_cast %parallel_loop3A_171 : i32 to index
      %parallel_loop3A_181 = tpu.vector_load %arg13[%parallel_loop3A_180] {strides = array<i32>} : memref<25600xf32, #tpu.memory_space<vmem>>, vector<16xf32>,
      tpu.vector_store %arg13[%parallel_loop3A_180], %parallel_loop3A_179 {strides = array<i32>} : memref<25600xf32, #tpu.memory_space<vmem>>, vector<16xf32>,
      %parallel_loop3A_182 = arith.constant 80 : i32
      %parallel_loop3A_183 = arith.addi %parallel_loop3A_121, %parallel_loop3A_182 : i32
      %parallel_loop3A_184 = arith.index_cast %parallel_loop3A_183 : i32 to index
      %parallel_loop3A_185 = tpu.vector_load %arg11[%parallel_loop3A_184] {strides = array<i32>} : memref<25600xi32, #tpu.memory_space<vmem>>, vector<16xi32>,
      %parallel_loop3A_186 = arith.constant 15 : i32
      %parallel_loop3A_187 = vector.broadcast %parallel_loop3A_186 : i32 to vector<16xi32>
      %parallel_loop3A_188 = arith.andi %parallel_loop3A_185, %parallel_loop3A_187 : vector<16xi32>
      %parallel_loop3A_189 = vector.shape_cast %parallel_loop3A_188 : vector<16xi32> to vector<16x1xi32>
      %parallel_loop3A_190 = vector.shape_cast %parallel_loop3A_189 : vector<16x1xi32> to vector<16xi32>
      %parallel_loop3A_191 = tpu.dynamic_gather %get3A_3[%parallel_loop3A_190] in [0] : vector<16xf32>, vector<16xi32> -> vector<16xf32>
      %parallel_loop3A_192 = arith.index_cast %parallel_loop3A_183 : i32 to index
      %parallel_loop3A_193 = tpu.vector_load %arg13[%parallel_loop3A_192] {strides = array<i32>} : memref<25600xf32, #tpu.memory_space<vmem>>, vector<16xf32>,
      tpu.vector_store %arg13[%parallel_loop3A_192], %parallel_loop3A_191 {strides = array<i32>} : memref<25600xf32, #tpu.memory_space<vmem>>, vector<16xf32>,
      %parallel_loop3A_194 = arith.constant 96 : i32
      %parallel_loop3A_195 = arith.addi %parallel_loop3A_121, %parallel_loop3A_194 : i32
      %parallel_loop3A_196 = arith.index_cast %parallel_loop3A_195 : i32 to index
      %parallel_loop3A_197 = tpu.vector_load %arg11[%parallel_loop3A_196] {strides = array<i32>} : memref<25600xi32, #tpu.memory_space<vmem>>, vector<16xi32>,
      %parallel_loop3A_198 = arith.constant 15 : i32
      %parallel_loop3A_199 = vector.broadcast %parallel_loop3A_198 : i32 to vector<16xi32>
      %parallel_loop3A_200 = arith.andi %parallel_loop3A_197, %parallel_loop3A_199 : vector<16xi32>
      %parallel_loop3A_201 = vector.shape_cast %parallel_loop3A_200 : vector<16xi32> to vector<16x1xi32>
      %parallel_loop3A_202 = vector.shape_cast %parallel_loop3A_201 : vector<16x1xi32> to vector<16xi32>
      %parallel_loop3A_203 = tpu.dynamic_gather %get3A_3[%parallel_loop3A_202] in [0] : vector<16xf32>, vector<16xi32> -> vector<16xf32>
      %parallel_loop3A_204 = arith.index_cast %parallel_loop3A_195 : i32 to index
      %parallel_loop3A_205 = tpu.vector_load %arg13[%parallel_loop3A_204] {strides = array<i32>} : memref<25600xf32, #tpu.memory_space<vmem>>, vector<16xf32>,
      tpu.vector_store %arg13[%parallel_loop3A_204], %parallel_loop3A_203 {strides = array<i32>} : memref<25600xf32, #tpu.memory_space<vmem>>, vector<16xf32>,
      %parallel_loop3A_206 = arith.constant 112 : i32
      %parallel_loop3A_207 = arith.addi %parallel_loop3A_121, %parallel_loop3A_206 : i32
      %parallel_loop3A_208 = arith.index_cast %parallel_loop3A_207 : i32 to index
      %parallel_loop3A_209 = tpu.vector_load %arg11[%parallel_loop3A_208] {strides = array<i32>} : memref<25600xi32, #tpu.memory_space<vmem>>, vector<16xi32>,
      %parallel_loop3A_210 = arith.constant 15 : i32
      %parallel_loop3A_211 = vector.broadcast %parallel_loop3A_210 : i32 to vector<16xi32>
      %parallel_loop3A_212 = arith.andi %parallel_loop3A_209, %parallel_loop3A_211 : vector<16xi32>
      %parallel_loop3A_213 = vector.shape_cast %parallel_loop3A_212 : vector<16xi32> to vector<16x1xi32>
      %parallel_loop3A_214 = vector.shape_cast %parallel_loop3A_213 : vector<16x1xi32> to vector<16xi32>
      %parallel_loop3A_215 = tpu.dynamic_gather %get3A_3[%parallel_loop3A_214] in [0] : vector<16xf32>, vector<16xi32> -> vector<16xf32>
      %parallel_loop3A_216 = arith.index_cast %parallel_loop3A_207 : i32 to index
      %parallel_loop3A_217 = tpu.vector_load %arg13[%parallel_loop3A_216] {strides = array<i32>} : memref<25600xf32, #tpu.memory_space<vmem>>, vector<16xf32>,
      tpu.vector_store %arg13[%parallel_loop3A_216], %parallel_loop3A_215 {strides = array<i32>} : memref<25600xf32, #tpu.memory_space<vmem>>, vector<16xf32>,
    } {sc.loop_unroll_factor = 2 : i64, sc.parallel_access}
    %add3A_53 = arith.constant 76800 : i32
    %add3A_54 = arith.addi %mul3A_2, %add3A_53 : i32
    %dma_start3A_55 = tpu.memref_slice %arg6[%add3A_54] : memref<3276800xf32, #tpu.memory_space<hbm>> -> memref<25600xf32, #tpu.memory_space<hbm>>
    %dma_start3A_56 = tpu.memref_slice %arg6[%add3A_54] : memref<3276800xf32, #tpu.memory_space<hbm>> -> memref<25600xf32, #tpu.memory_space<hbm>>
    tpu.enqueue_dma source(%arg13 : memref<25600xf32, #tpu.memory_space<vmem>>) target(%dma_start3A_56 : memref<25600xf32, #tpu.memory_space<hbm>>) target_semaphore(%arg17 : memref<!tpu.dma_semaphore, #tpu.memory_space<semaphore_mem>>)
    %dma_wait3A_57 = tpu.memref_slice %arg6[%mul3A_2] : memref<3276800xf32, #tpu.memory_space<hbm>> -> memref<25600xf32, #tpu.memory_space<hbm>>
    %dma_wait3A_58 = tpu.memref_slice %arg6[%mul3A_2] : memref<3276800xf32, #tpu.memory_space<hbm>> -> memref<25600xf32, #tpu.memory_space<hbm>>
    tpu.wait_dma2 semaphore(%arg16 : memref<!tpu.dma_semaphore, #tpu.memory_space<semaphore_mem>>) src(%arg12 : memref<25600xf32, #tpu.memory_space<vmem>>) dst(%dma_wait3A_58 : memref<25600xf32, #tpu.memory_space<hbm>>)
    %dma_wait3A_59 = tpu.memref_slice %arg6[%mul3A_2] : memref<3276800xf32, #tpu.memory_space<hbm>> -> memref<25600xf32, #tpu.memory_space<hbm>>
    %dma_wait3A_60 = tpu.memref_slice %arg6[%mul3A_2] : memref<3276800xf32, #tpu.memory_space<hbm>> -> memref<25600xf32, #tpu.memory_space<hbm>>
    tpu.wait_dma2 semaphore(%arg17 : memref<!tpu.dma_semaphore, #tpu.memory_space<semaphore_mem>>) src(%arg13 : memref<25600xf32, #tpu.memory_space<vmem>>) dst(%dma_wait3A_60 : memref<25600xf32, #tpu.memory_space<hbm>>)
    %add3A_61 = arith.constant 0 : i32
    %add3A_62 = arith.addi %mul3A_2, %add3A_61 : i32
    %dma_start3A_63 = tpu.memref_slice %arg3[%add3A_62] : memref<3276800xi32, #tpu.memory_space<hbm>> -> memref<25600xi32, #tpu.memory_space<hbm>>
    %dma_start3A_64 = tpu.memref_slice %arg3[%add3A_62] : memref<3276800xi32, #tpu.memory_space<hbm>> -> memref<25600xi32, #tpu.memory_space<hbm>>
    tpu.enqueue_dma source(%dma_start3A_64 : memref<25600xi32, #tpu.memory_space<hbm>>) target(%arg10 : memref<25600xi32, #tpu.memory_space<vmem>>) target_semaphore(%arg14 : memref<!tpu.dma_semaphore, #tpu.memory_space<semaphore_mem>>)
    %add3A_65 = arith.constant 25600 : i32
    %add3A_66 = arith.addi %mul3A_2, %add3A_65 : i32
    %dma_start3A_67 = tpu.memref_slice %arg3[%add3A_66] : memref<3276800xi32, #tpu.memory_space<hbm>> -> memref<25600xi32, #tpu.memory_space<hbm>>
    %dma_start3A_68 = tpu.memref_slice %arg3[%add3A_66] : memref<3276800xi32, #tpu.memory_space<hbm>> -> memref<25600xi32, #tpu.memory_space<hbm>>
    tpu.enqueue_dma source(%dma_start3A_68 : memref<25600xi32, #tpu.memory_space<hbm>>) target(%arg11 : memref<25600xi32, #tpu.memory_space<vmem>>) target_semaphore(%arg15 : memref<!tpu.dma_semaphore, #tpu.memory_space<semaphore_mem>>)
    %dma_wait3A_69 = tpu.memref_slice %arg3[%mul3A_2] : memref<3276800xi32, #tpu.memory_space<hbm>> -> memref<25600xi32, #tpu.memory_space<hbm>>
    %dma_wait3A_70 = tpu.memref_slice %arg3[%mul3A_2] : memref<3276800xi32, #tpu.memory_space<hbm>> -> memref<25600xi32, #tpu.memory_space<hbm>>
    tpu.wait_dma2 semaphore(%arg14 : memref<!tpu.dma_semaphore, #tpu.memory_space<semaphore_mem>>) src(%dma_wait3A_70 : memref<25600xi32, #tpu.memory_space<hbm>>) dst(%arg10 : memref<25600xi32, #tpu.memory_space<vmem>>)
    %parallel_loop3A_71 = arith.constant 0 : i32
    %parallel_loop3A_72 = arith.constant 25600 : i32
    %parallel_loop3A_73 = arith.constant 128 : i32
    scf.for %parallel_loop3A_121 = %parallel_loop3A_71 to %parallel_loop3A_72 step %parallel_loop3A_73  : i32 {
      %parallel_loop3A_122 = arith.constant 0 : i32
      %parallel_loop3A_123 = arith.addi %parallel_loop3A_121, %parallel_loop3A_122 : i32
      %parallel_loop3A_124 = arith.index_cast %parallel_loop3A_123 : i32 to index
      %parallel_loop3A_125 = tpu.vector_load %arg10[%parallel_loop3A_124] {strides = array<i32>} : memref<25600xi32, #tpu.memory_space<vmem>>, vector<16xi32>,
      %parallel_loop3A_126 = arith.constant 255 : i32
      %parallel_loop3A_127 = vector.broadcast %parallel_loop3A_126 : i32 to vector<16xi32>
      %parallel_loop3A_128 = arith.andi %parallel_loop3A_125, %parallel_loop3A_127 : vector<16xi32>
      %parallel_loop3A_129 = tpu.vector_load_idx %arg9[%parallel_loop3A_128] : memref<256xf32, #tpu.memory_space<vmem>>[vector<16xi32>], vector<16xf32>,
      %parallel_loop3A_130 = arith.index_cast %parallel_loop3A_123 : i32 to index
      %parallel_loop3A_131 = tpu.vector_load %arg12[%parallel_loop3A_130] {strides = array<i32>} : memref<25600xf32, #tpu.memory_space<vmem>>, vector<16xf32>,
      tpu.vector_store %arg12[%parallel_loop3A_130], %parallel_loop3A_129 {strides = array<i32>} : memref<25600xf32, #tpu.memory_space<vmem>>, vector<16xf32>,
      %parallel_loop3A_132 = arith.constant 16 : i32
      %parallel_loop3A_133 = arith.addi %parallel_loop3A_121, %parallel_loop3A_132 : i32
      %parallel_loop3A_134 = arith.index_cast %parallel_loop3A_133 : i32 to index
      %parallel_loop3A_135 = tpu.vector_load %arg10[%parallel_loop3A_134] {strides = array<i32>} : memref<25600xi32, #tpu.memory_space<vmem>>, vector<16xi32>,
      %parallel_loop3A_136 = arith.constant 255 : i32
      %parallel_loop3A_137 = vector.broadcast %parallel_loop3A_136 : i32 to vector<16xi32>
      %parallel_loop3A_138 = arith.andi %parallel_loop3A_135, %parallel_loop3A_137 : vector<16xi32>
      %parallel_loop3A_139 = tpu.vector_load_idx %arg9[%parallel_loop3A_138] : memref<256xf32, #tpu.memory_space<vmem>>[vector<16xi32>], vector<16xf32>,
      %parallel_loop3A_140 = arith.index_cast %parallel_loop3A_133 : i32 to index
      %parallel_loop3A_141 = tpu.vector_load %arg12[%parallel_loop3A_140] {strides = array<i32>} : memref<25600xf32, #tpu.memory_space<vmem>>, vector<16xf32>,
      tpu.vector_store %arg12[%parallel_loop3A_140], %parallel_loop3A_139 {strides = array<i32>} : memref<25600xf32, #tpu.memory_space<vmem>>, vector<16xf32>,
      %parallel_loop3A_142 = arith.constant 32 : i32
      %parallel_loop3A_143 = arith.addi %parallel_loop3A_121, %parallel_loop3A_142 : i32
      %parallel_loop3A_144 = arith.index_cast %parallel_loop3A_143 : i32 to index
      %parallel_loop3A_145 = tpu.vector_load %arg10[%parallel_loop3A_144] {strides = array<i32>} : memref<25600xi32, #tpu.memory_space<vmem>>, vector<16xi32>,
      %parallel_loop3A_146 = arith.constant 255 : i32
      %parallel_loop3A_147 = vector.broadcast %parallel_loop3A_146 : i32 to vector<16xi32>
      %parallel_loop3A_148 = arith.andi %parallel_loop3A_145, %parallel_loop3A_147 : vector<16xi32>
      %parallel_loop3A_149 = tpu.vector_load_idx %arg9[%parallel_loop3A_148] : memref<256xf32, #tpu.memory_space<vmem>>[vector<16xi32>], vector<16xf32>,
      %parallel_loop3A_150 = arith.index_cast %parallel_loop3A_143 : i32 to index
      %parallel_loop3A_151 = tpu.vector_load %arg12[%parallel_loop3A_150] {strides = array<i32>} : memref<25600xf32, #tpu.memory_space<vmem>>, vector<16xf32>,
      tpu.vector_store %arg12[%parallel_loop3A_150], %parallel_loop3A_149 {strides = array<i32>} : memref<25600xf32, #tpu.memory_space<vmem>>, vector<16xf32>,
      %parallel_loop3A_152 = arith.constant 48 : i32
      %parallel_loop3A_153 = arith.addi %parallel_loop3A_121, %parallel_loop3A_152 : i32
      %parallel_loop3A_154 = arith.index_cast %parallel_loop3A_153 : i32 to index
      %parallel_loop3A_155 = tpu.vector_load %arg10[%parallel_loop3A_154] {strides = array<i32>} : memref<25600xi32, #tpu.memory_space<vmem>>, vector<16xi32>,
      %parallel_loop3A_156 = arith.constant 255 : i32
      %parallel_loop3A_157 = vector.broadcast %parallel_loop3A_156 : i32 to vector<16xi32>
      %parallel_loop3A_158 = arith.andi %parallel_loop3A_155, %parallel_loop3A_157 : vector<16xi32>
      %parallel_loop3A_159 = tpu.vector_load_idx %arg9[%parallel_loop3A_158] : memref<256xf32, #tpu.memory_space<vmem>>[vector<16xi32>], vector<16xf32>,
      %parallel_loop3A_160 = arith.index_cast %parallel_loop3A_153 : i32 to index
      %parallel_loop3A_161 = tpu.vector_load %arg12[%parallel_loop3A_160] {strides = array<i32>} : memref<25600xf32, #tpu.memory_space<vmem>>, vector<16xf32>,
      tpu.vector_store %arg12[%parallel_loop3A_160], %parallel_loop3A_159 {strides = array<i32>} : memref<25600xf32, #tpu.memory_space<vmem>>, vector<16xf32>,
      %parallel_loop3A_162 = arith.constant 64 : i32
      %parallel_loop3A_163 = arith.addi %parallel_loop3A_121, %parallel_loop3A_162 : i32
      %parallel_loop3A_164 = arith.index_cast %parallel_loop3A_163 : i32 to index
      %parallel_loop3A_165 = tpu.vector_load %arg10[%parallel_loop3A_164] {strides = array<i32>} : memref<25600xi32, #tpu.memory_space<vmem>>, vector<16xi32>,
      %parallel_loop3A_166 = arith.constant 255 : i32
      %parallel_loop3A_167 = vector.broadcast %parallel_loop3A_166 : i32 to vector<16xi32>
      %parallel_loop3A_168 = arith.andi %parallel_loop3A_165, %parallel_loop3A_167 : vector<16xi32>
      %parallel_loop3A_169 = tpu.vector_load_idx %arg9[%parallel_loop3A_168] : memref<256xf32, #tpu.memory_space<vmem>>[vector<16xi32>], vector<16xf32>,
      %parallel_loop3A_170 = arith.index_cast %parallel_loop3A_163 : i32 to index
      %parallel_loop3A_171 = tpu.vector_load %arg12[%parallel_loop3A_170] {strides = array<i32>} : memref<25600xf32, #tpu.memory_space<vmem>>, vector<16xf32>,
      tpu.vector_store %arg12[%parallel_loop3A_170], %parallel_loop3A_169 {strides = array<i32>} : memref<25600xf32, #tpu.memory_space<vmem>>, vector<16xf32>,
      %parallel_loop3A_172 = arith.constant 80 : i32
      %parallel_loop3A_173 = arith.addi %parallel_loop3A_121, %parallel_loop3A_172 : i32
      %parallel_loop3A_174 = arith.index_cast %parallel_loop3A_173 : i32 to index
      %parallel_loop3A_175 = tpu.vector_load %arg10[%parallel_loop3A_174] {strides = array<i32>} : memref<25600xi32, #tpu.memory_space<vmem>>, vector<16xi32>,
      %parallel_loop3A_176 = arith.constant 255 : i32
      %parallel_loop3A_177 = vector.broadcast %parallel_loop3A_176 : i32 to vector<16xi32>
      %parallel_loop3A_178 = arith.andi %parallel_loop3A_175, %parallel_loop3A_177 : vector<16xi32>
      %parallel_loop3A_179 = tpu.vector_load_idx %arg9[%parallel_loop3A_178] : memref<256xf32, #tpu.memory_space<vmem>>[vector<16xi32>], vector<16xf32>,
      %parallel_loop3A_180 = arith.index_cast %parallel_loop3A_173 : i32 to index
      %parallel_loop3A_181 = tpu.vector_load %arg12[%parallel_loop3A_180] {strides = array<i32>} : memref<25600xf32, #tpu.memory_space<vmem>>, vector<16xf32>,
      tpu.vector_store %arg12[%parallel_loop3A_180], %parallel_loop3A_179 {strides = array<i32>} : memref<25600xf32, #tpu.memory_space<vmem>>, vector<16xf32>,
      %parallel_loop3A_182 = arith.constant 96 : i32
      %parallel_loop3A_183 = arith.addi %parallel_loop3A_121, %parallel_loop3A_182 : i32
      %parallel_loop3A_184 = arith.index_cast %parallel_loop3A_183 : i32 to index
      %parallel_loop3A_185 = tpu.vector_load %arg10[%parallel_loop3A_184] {strides = array<i32>} : memref<25600xi32, #tpu.memory_space<vmem>>, vector<16xi32>,
      %parallel_loop3A_186 = arith.constant 255 : i32
      %parallel_loop3A_187 = vector.broadcast %parallel_loop3A_186 : i32 to vector<16xi32>
      %parallel_loop3A_188 = arith.andi %parallel_loop3A_185, %parallel_loop3A_187 : vector<16xi32>
      %parallel_loop3A_189 = tpu.vector_load_idx %arg9[%parallel_loop3A_188] : memref<256xf32, #tpu.memory_space<vmem>>[vector<16xi32>], vector<16xf32>,
      %parallel_loop3A_190 = arith.index_cast %parallel_loop3A_183 : i32 to index
      %parallel_loop3A_191 = tpu.vector_load %arg12[%parallel_loop3A_190] {strides = array<i32>} : memref<25600xf32, #tpu.memory_space<vmem>>, vector<16xf32>,
      tpu.vector_store %arg12[%parallel_loop3A_190], %parallel_loop3A_189 {strides = array<i32>} : memref<25600xf32, #tpu.memory_space<vmem>>, vector<16xf32>,
      %parallel_loop3A_192 = arith.constant 112 : i32
      %parallel_loop3A_193 = arith.addi %parallel_loop3A_121, %parallel_loop3A_192 : i32
      %parallel_loop3A_194 = arith.index_cast %parallel_loop3A_193 : i32 to index
      %parallel_loop3A_195 = tpu.vector_load %arg10[%parallel_loop3A_194] {strides = array<i32>} : memref<25600xi32, #tpu.memory_space<vmem>>, vector<16xi32>,
      %parallel_loop3A_196 = arith.constant 255 : i32
      %parallel_loop3A_197 = vector.broadcast %parallel_loop3A_196 : i32 to vector<16xi32>
      %parallel_loop3A_198 = arith.andi %parallel_loop3A_195, %parallel_loop3A_197 : vector<16xi32>
      %parallel_loop3A_199 = tpu.vector_load_idx %arg9[%parallel_loop3A_198] : memref<256xf32, #tpu.memory_space<vmem>>[vector<16xi32>], vector<16xf32>,
      %parallel_loop3A_200 = arith.index_cast %parallel_loop3A_193 : i32 to index
      %parallel_loop3A_201 = tpu.vector_load %arg12[%parallel_loop3A_200] {strides = array<i32>} : memref<25600xf32, #tpu.memory_space<vmem>>, vector<16xf32>,
      tpu.vector_store %arg12[%parallel_loop3A_200], %parallel_loop3A_199 {strides = array<i32>} : memref<25600xf32, #tpu.memory_space<vmem>>, vector<16xf32>,
    } {sc.loop_unroll_factor = 2 : i64, sc.parallel_access}
    %add3A_74 = arith.constant 0 : i32
    %add3A_75 = arith.addi %mul3A_2, %add3A_74 : i32
    %dma_start3A_76 = tpu.memref_slice %arg7[%add3A_75] : memref<3276800xf32, #tpu.memory_space<hbm>> -> memref<25600xf32, #tpu.memory_space<hbm>>
    %dma_start3A_77 = tpu.memref_slice %arg7[%add3A_75] : memref<3276800xf32, #tpu.memory_space<hbm>> -> memref<25600xf32, #tpu.memory_space<hbm>>
    tpu.enqueue_dma source(%arg12 : memref<25600xf32, #tpu.memory_space<vmem>>) target(%dma_start3A_77 : memref<25600xf32, #tpu.memory_space<hbm>>) target_semaphore(%arg16 : memref<!tpu.dma_semaphore, #tpu.memory_space<semaphore_mem>>)
    %add3A_78 = arith.constant 51200 : i32
    %add3A_79 = arith.addi %mul3A_2, %add3A_78 : i32
    %dma_start3A_80 = tpu.memref_slice %arg3[%add3A_79] : memref<3276800xi32, #tpu.memory_space<hbm>> -> memref<25600xi32, #tpu.memory_space<hbm>>
    %dma_start3A_81 = tpu.memref_slice %arg3[%add3A_79] : memref<3276800xi32, #tpu.memory_space<hbm>> -> memref<25600xi32, #tpu.memory_space<hbm>>
    tpu.enqueue_dma source(%dma_start3A_81 : memref<25600xi32, #tpu.memory_space<hbm>>) target(%arg10 : memref<25600xi32, #tpu.memory_space<vmem>>) target_semaphore(%arg14 : memref<!tpu.dma_semaphore, #tpu.memory_space<semaphore_mem>>)
    %dma_wait3A_82 = tpu.memref_slice %arg3[%mul3A_2] : memref<3276800xi32, #tpu.memory_space<hbm>> -> memref<25600xi32, #tpu.memory_space<hbm>>
    %dma_wait3A_83 = tpu.memref_slice %arg3[%mul3A_2] : memref<3276800xi32, #tpu.memory_space<hbm>> -> memref<25600xi32, #tpu.memory_space<hbm>>
    tpu.wait_dma2 semaphore(%arg15 : memref<!tpu.dma_semaphore, #tpu.memory_space<semaphore_mem>>) src(%dma_wait3A_83 : memref<25600xi32, #tpu.memory_space<hbm>>) dst(%arg11 : memref<25600xi32, #tpu.memory_space<vmem>>)
    %parallel_loop3A_84 = arith.constant 0 : i32
    %parallel_loop3A_85 = arith.constant 25600 : i32
    %parallel_loop3A_86 = arith.constant 128 : i32
    scf.for %parallel_loop3A_121 = %parallel_loop3A_84 to %parallel_loop3A_85 step %parallel_loop3A_86  : i32 {
      %parallel_loop3A_122 = arith.constant 0 : i32
      %parallel_loop3A_123 = arith.addi %parallel_loop3A_121, %parallel_loop3A_122 : i32
      %parallel_loop3A_124 = arith.index_cast %parallel_loop3A_123 : i32 to index
      %parallel_loop3A_125 = tpu.vector_load %arg11[%parallel_loop3A_124] {strides = array<i32>} : memref<25600xi32, #tpu.memory_space<vmem>>, vector<16xi32>,
      %parallel_loop3A_126 = arith.constant 255 : i32
      %parallel_loop3A_127 = vector.broadcast %parallel_loop3A_126 : i32 to vector<16xi32>
      %parallel_loop3A_128 = arith.andi %parallel_loop3A_125, %parallel_loop3A_127 : vector<16xi32>
      %parallel_loop3A_129 = tpu.vector_load_idx %arg9[%parallel_loop3A_128] : memref<256xf32, #tpu.memory_space<vmem>>[vector<16xi32>], vector<16xf32>,
      %parallel_loop3A_130 = arith.index_cast %parallel_loop3A_123 : i32 to index
      %parallel_loop3A_131 = tpu.vector_load %arg13[%parallel_loop3A_130] {strides = array<i32>} : memref<25600xf32, #tpu.memory_space<vmem>>, vector<16xf32>,
      tpu.vector_store %arg13[%parallel_loop3A_130], %parallel_loop3A_129 {strides = array<i32>} : memref<25600xf32, #tpu.memory_space<vmem>>, vector<16xf32>,
      %parallel_loop3A_132 = arith.constant 16 : i32
      %parallel_loop3A_133 = arith.addi %parallel_loop3A_121, %parallel_loop3A_132 : i32
      %parallel_loop3A_134 = arith.index_cast %parallel_loop3A_133 : i32 to index
      %parallel_loop3A_135 = tpu.vector_load %arg11[%parallel_loop3A_134] {strides = array<i32>} : memref<25600xi32, #tpu.memory_space<vmem>>, vector<16xi32>,
      %parallel_loop3A_136 = arith.constant 255 : i32
      %parallel_loop3A_137 = vector.broadcast %parallel_loop3A_136 : i32 to vector<16xi32>
      %parallel_loop3A_138 = arith.andi %parallel_loop3A_135, %parallel_loop3A_137 : vector<16xi32>
      %parallel_loop3A_139 = tpu.vector_load_idx %arg9[%parallel_loop3A_138] : memref<256xf32, #tpu.memory_space<vmem>>[vector<16xi32>], vector<16xf32>,
      %parallel_loop3A_140 = arith.index_cast %parallel_loop3A_133 : i32 to index
      %parallel_loop3A_141 = tpu.vector_load %arg13[%parallel_loop3A_140] {strides = array<i32>} : memref<25600xf32, #tpu.memory_space<vmem>>, vector<16xf32>,
      tpu.vector_store %arg13[%parallel_loop3A_140], %parallel_loop3A_139 {strides = array<i32>} : memref<25600xf32, #tpu.memory_space<vmem>>, vector<16xf32>,
      %parallel_loop3A_142 = arith.constant 32 : i32
      %parallel_loop3A_143 = arith.addi %parallel_loop3A_121, %parallel_loop3A_142 : i32
      %parallel_loop3A_144 = arith.index_cast %parallel_loop3A_143 : i32 to index
      %parallel_loop3A_145 = tpu.vector_load %arg11[%parallel_loop3A_144] {strides = array<i32>} : memref<25600xi32, #tpu.memory_space<vmem>>, vector<16xi32>,
      %parallel_loop3A_146 = arith.constant 255 : i32
      %parallel_loop3A_147 = vector.broadcast %parallel_loop3A_146 : i32 to vector<16xi32>
      %parallel_loop3A_148 = arith.andi %parallel_loop3A_145, %parallel_loop3A_147 : vector<16xi32>
      %parallel_loop3A_149 = tpu.vector_load_idx %arg9[%parallel_loop3A_148] : memref<256xf32, #tpu.memory_space<vmem>>[vector<16xi32>], vector<16xf32>,
      %parallel_loop3A_150 = arith.index_cast %parallel_loop3A_143 : i32 to index
      %parallel_loop3A_151 = tpu.vector_load %arg13[%parallel_loop3A_150] {strides = array<i32>} : memref<25600xf32, #tpu.memory_space<vmem>>, vector<16xf32>,
      tpu.vector_store %arg13[%parallel_loop3A_150], %parallel_loop3A_149 {strides = array<i32>} : memref<25600xf32, #tpu.memory_space<vmem>>, vector<16xf32>,
      %parallel_loop3A_152 = arith.constant 48 : i32
      %parallel_loop3A_153 = arith.addi %parallel_loop3A_121, %parallel_loop3A_152 : i32
      %parallel_loop3A_154 = arith.index_cast %parallel_loop3A_153 : i32 to index
      %parallel_loop3A_155 = tpu.vector_load %arg11[%parallel_loop3A_154] {strides = array<i32>} : memref<25600xi32, #tpu.memory_space<vmem>>, vector<16xi32>,
      %parallel_loop3A_156 = arith.constant 255 : i32
      %parallel_loop3A_157 = vector.broadcast %parallel_loop3A_156 : i32 to vector<16xi32>
      %parallel_loop3A_158 = arith.andi %parallel_loop3A_155, %parallel_loop3A_157 : vector<16xi32>
      %parallel_loop3A_159 = tpu.vector_load_idx %arg9[%parallel_loop3A_158] : memref<256xf32, #tpu.memory_space<vmem>>[vector<16xi32>], vector<16xf32>,
      %parallel_loop3A_160 = arith.index_cast %parallel_loop3A_153 : i32 to index
      %parallel_loop3A_161 = tpu.vector_load %arg13[%parallel_loop3A_160] {strides = array<i32>} : memref<25600xf32, #tpu.memory_space<vmem>>, vector<16xf32>,
      tpu.vector_store %arg13[%parallel_loop3A_160], %parallel_loop3A_159 {strides = array<i32>} : memref<25600xf32, #tpu.memory_space<vmem>>, vector<16xf32>,
      %parallel_loop3A_162 = arith.constant 64 : i32
      %parallel_loop3A_163 = arith.addi %parallel_loop3A_121, %parallel_loop3A_162 : i32
      %parallel_loop3A_164 = arith.index_cast %parallel_loop3A_163 : i32 to index
      %parallel_loop3A_165 = tpu.vector_load %arg11[%parallel_loop3A_164] {strides = array<i32>} : memref<25600xi32, #tpu.memory_space<vmem>>, vector<16xi32>,
      %parallel_loop3A_166 = arith.constant 255 : i32
      %parallel_loop3A_167 = vector.broadcast %parallel_loop3A_166 : i32 to vector<16xi32>
      %parallel_loop3A_168 = arith.andi %parallel_loop3A_165, %parallel_loop3A_167 : vector<16xi32>
      %parallel_loop3A_169 = tpu.vector_load_idx %arg9[%parallel_loop3A_168] : memref<256xf32, #tpu.memory_space<vmem>>[vector<16xi32>], vector<16xf32>,
      %parallel_loop3A_170 = arith.index_cast %parallel_loop3A_163 : i32 to index
      %parallel_loop3A_171 = tpu.vector_load %arg13[%parallel_loop3A_170] {strides = array<i32>} : memref<25600xf32, #tpu.memory_space<vmem>>, vector<16xf32>,
      tpu.vector_store %arg13[%parallel_loop3A_170], %parallel_loop3A_169 {strides = array<i32>} : memref<25600xf32, #tpu.memory_space<vmem>>, vector<16xf32>,
      %parallel_loop3A_172 = arith.constant 80 : i32
      %parallel_loop3A_173 = arith.addi %parallel_loop3A_121, %parallel_loop3A_172 : i32
      %parallel_loop3A_174 = arith.index_cast %parallel_loop3A_173 : i32 to index
      %parallel_loop3A_175 = tpu.vector_load %arg11[%parallel_loop3A_174] {strides = array<i32>} : memref<25600xi32, #tpu.memory_space<vmem>>, vector<16xi32>,
      %parallel_loop3A_176 = arith.constant 255 : i32
      %parallel_loop3A_177 = vector.broadcast %parallel_loop3A_176 : i32 to vector<16xi32>
      %parallel_loop3A_178 = arith.andi %parallel_loop3A_175, %parallel_loop3A_177 : vector<16xi32>
      %parallel_loop3A_179 = tpu.vector_load_idx %arg9[%parallel_loop3A_178] : memref<256xf32, #tpu.memory_space<vmem>>[vector<16xi32>], vector<16xf32>,
      %parallel_loop3A_180 = arith.index_cast %parallel_loop3A_173 : i32 to index
      %parallel_loop3A_181 = tpu.vector_load %arg13[%parallel_loop3A_180] {strides = array<i32>} : memref<25600xf32, #tpu.memory_space<vmem>>, vector<16xf32>,
      tpu.vector_store %arg13[%parallel_loop3A_180], %parallel_loop3A_179 {strides = array<i32>} : memref<25600xf32, #tpu.memory_space<vmem>>, vector<16xf32>,
      %parallel_loop3A_182 = arith.constant 96 : i32
      %parallel_loop3A_183 = arith.addi %parallel_loop3A_121, %parallel_loop3A_182 : i32
      %parallel_loop3A_184 = arith.index_cast %parallel_loop3A_183 : i32 to index
      %parallel_loop3A_185 = tpu.vector_load %arg11[%parallel_loop3A_184] {strides = array<i32>} : memref<25600xi32, #tpu.memory_space<vmem>>, vector<16xi32>,
      %parallel_loop3A_186 = arith.constant 255 : i32
      %parallel_loop3A_187 = vector.broadcast %parallel_loop3A_186 : i32 to vector<16xi32>
      %parallel_loop3A_188 = arith.andi %parallel_loop3A_185, %parallel_loop3A_187 : vector<16xi32>
      %parallel_loop3A_189 = tpu.vector_load_idx %arg9[%parallel_loop3A_188] : memref<256xf32, #tpu.memory_space<vmem>>[vector<16xi32>], vector<16xf32>,
      %parallel_loop3A_190 = arith.index_cast %parallel_loop3A_183 : i32 to index
      %parallel_loop3A_191 = tpu.vector_load %arg13[%parallel_loop3A_190] {strides = array<i32>} : memref<25600xf32, #tpu.memory_space<vmem>>, vector<16xf32>,
      tpu.vector_store %arg13[%parallel_loop3A_190], %parallel_loop3A_189 {strides = array<i32>} : memref<25600xf32, #tpu.memory_space<vmem>>, vector<16xf32>,
      %parallel_loop3A_192 = arith.constant 112 : i32
      %parallel_loop3A_193 = arith.addi %parallel_loop3A_121, %parallel_loop3A_192 : i32
      %parallel_loop3A_194 = arith.index_cast %parallel_loop3A_193 : i32 to index
      %parallel_loop3A_195 = tpu.vector_load %arg11[%parallel_loop3A_194] {strides = array<i32>} : memref<25600xi32, #tpu.memory_space<vmem>>, vector<16xi32>,
      %parallel_loop3A_196 = arith.constant 255 : i32
      %parallel_loop3A_197 = vector.broadcast %parallel_loop3A_196 : i32 to vector<16xi32>
      %parallel_loop3A_198 = arith.andi %parallel_loop3A_195, %parallel_loop3A_197 : vector<16xi32>
      %parallel_loop3A_199 = tpu.vector_load_idx %arg9[%parallel_loop3A_198] : memref<256xf32, #tpu.memory_space<vmem>>[vector<16xi32>], vector<16xf32>,
      %parallel_loop3A_200 = arith.index_cast %parallel_loop3A_193 : i32 to index
      %parallel_loop3A_201 = tpu.vector_load %arg13[%parallel_loop3A_200] {strides = array<i32>} : memref<25600xf32, #tpu.memory_space<vmem>>, vector<16xf32>,
      tpu.vector_store %arg13[%parallel_loop3A_200], %parallel_loop3A_199 {strides = array<i32>} : memref<25600xf32, #tpu.memory_space<vmem>>, vector<16xf32>,
    } {sc.loop_unroll_factor = 2 : i64, sc.parallel_access}
    %add3A_87 = arith.constant 25600 : i32
    %add3A_88 = arith.addi %mul3A_2, %add3A_87 : i32
    %dma_start3A_89 = tpu.memref_slice %arg7[%add3A_88] : memref<3276800xf32, #tpu.memory_space<hbm>> -> memref<25600xf32, #tpu.memory_space<hbm>>
    %dma_start3A_90 = tpu.memref_slice %arg7[%add3A_88] : memref<3276800xf32, #tpu.memory_space<hbm>> -> memref<25600xf32, #tpu.memory_space<hbm>>
    tpu.enqueue_dma source(%arg13 : memref<25600xf32, #tpu.memory_space<vmem>>) target(%dma_start3A_90 : memref<25600xf32, #tpu.memory_space<hbm>>) target_semaphore(%arg17 : memref<!tpu.dma_semaphore, #tpu.memory_space<semaphore_mem>>)
    %add3A_91 = arith.constant 76800 : i32
    %add3A_92 = arith.addi %mul3A_2, %add3A_91 : i32
    %dma_start3A_93 = tpu.memref_slice %arg3[%add3A_92] : memref<3276800xi32, #tpu.memory_space<hbm>> -> memref<25600xi32, #tpu.memory_space<hbm>>
    %dma_start3A_94 = tpu.memref_slice %arg3[%add3A_92] : memref<3276800xi32, #tpu.memory_space<hbm>> -> memref<25600xi32, #tpu.memory_space<hbm>>
    tpu.enqueue_dma source(%dma_start3A_94 : memref<25600xi32, #tpu.memory_space<hbm>>) target(%arg11 : memref<25600xi32, #tpu.memory_space<vmem>>) target_semaphore(%arg15 : memref<!tpu.dma_semaphore, #tpu.memory_space<semaphore_mem>>)
    %dma_wait3A_95 = tpu.memref_slice %arg3[%mul3A_2] : memref<3276800xi32, #tpu.memory_space<hbm>> -> memref<25600xi32, #tpu.memory_space<hbm>>
    %dma_wait3A_96 = tpu.memref_slice %arg3[%mul3A_2] : memref<3276800xi32, #tpu.memory_space<hbm>> -> memref<25600xi32, #tpu.memory_space<hbm>>
    tpu.wait_dma2 semaphore(%arg14 : memref<!tpu.dma_semaphore, #tpu.memory_space<semaphore_mem>>) src(%dma_wait3A_96 : memref<25600xi32, #tpu.memory_space<hbm>>) dst(%arg10 : memref<25600xi32, #tpu.memory_space<vmem>>)
    %dma_wait3A_97 = tpu.memref_slice %arg7[%mul3A_2] : memref<3276800xf32, #tpu.memory_space<hbm>> -> memref<25600xf32, #tpu.memory_space<hbm>>
    %dma_wait3A_98 = tpu.memref_slice %arg7[%mul3A_2] : memref<3276800xf32, #tpu.memory_space<hbm>> -> memref<25600xf32, #tpu.memory_space<hbm>>
    tpu.wait_dma2 semaphore(%arg16 : memref<!tpu.dma_semaphore, #tpu.memory_space<semaphore_mem>>) src(%arg12 : memref<25600xf32, #tpu.memory_space<vmem>>) dst(%dma_wait3A_98 : memref<25600xf32, #tpu.memory_space<hbm>>)
    %parallel_loop3A_99 = arith.constant 0 : i32
    %parallel_loop3A_100 = arith.constant 25600 : i32
    %parallel_loop3A_101 = arith.constant 128 : i32
    scf.for %parallel_loop3A_121 = %parallel_loop3A_99 to %parallel_loop3A_100 step %parallel_loop3A_101  : i32 {
      %parallel_loop3A_122 = arith.constant 0 : i32
      %parallel_loop3A_123 = arith.addi %parallel_loop3A_121, %parallel_loop3A_122 : i32
      %parallel_loop3A_124 = arith.index_cast %parallel_loop3A_123 : i32 to index
      %parallel_loop3A_125 = tpu.vector_load %arg10[%parallel_loop3A_124] {strides = array<i32>} : memref<25600xi32, #tpu.memory_space<vmem>>, vector<16xi32>,
      %parallel_loop3A_126 = arith.constant 255 : i32
      %parallel_loop3A_127 = vector.broadcast %parallel_loop3A_126 : i32 to vector<16xi32>
      %parallel_loop3A_128 = arith.andi %parallel_loop3A_125, %parallel_loop3A_127 : vector<16xi32>
      %parallel_loop3A_129 = tpu.vector_load_idx %arg9[%parallel_loop3A_128] : memref<256xf32, #tpu.memory_space<vmem>>[vector<16xi32>], vector<16xf32>,
      %parallel_loop3A_130 = arith.index_cast %parallel_loop3A_123 : i32 to index
      %parallel_loop3A_131 = tpu.vector_load %arg12[%parallel_loop3A_130] {strides = array<i32>} : memref<25600xf32, #tpu.memory_space<vmem>>, vector<16xf32>,
      tpu.vector_store %arg12[%parallel_loop3A_130], %parallel_loop3A_129 {strides = array<i32>} : memref<25600xf32, #tpu.memory_space<vmem>>, vector<16xf32>,
      %parallel_loop3A_132 = arith.constant 16 : i32
      %parallel_loop3A_133 = arith.addi %parallel_loop3A_121, %parallel_loop3A_132 : i32
      %parallel_loop3A_134 = arith.index_cast %parallel_loop3A_133 : i32 to index
      %parallel_loop3A_135 = tpu.vector_load %arg10[%parallel_loop3A_134] {strides = array<i32>} : memref<25600xi32, #tpu.memory_space<vmem>>, vector<16xi32>,
      %parallel_loop3A_136 = arith.constant 255 : i32
      %parallel_loop3A_137 = vector.broadcast %parallel_loop3A_136 : i32 to vector<16xi32>
      %parallel_loop3A_138 = arith.andi %parallel_loop3A_135, %parallel_loop3A_137 : vector<16xi32>
      %parallel_loop3A_139 = tpu.vector_load_idx %arg9[%parallel_loop3A_138] : memref<256xf32, #tpu.memory_space<vmem>>[vector<16xi32>], vector<16xf32>,
      %parallel_loop3A_140 = arith.index_cast %parallel_loop3A_133 : i32 to index
      %parallel_loop3A_141 = tpu.vector_load %arg12[%parallel_loop3A_140] {strides = array<i32>} : memref<25600xf32, #tpu.memory_space<vmem>>, vector<16xf32>,
      tpu.vector_store %arg12[%parallel_loop3A_140], %parallel_loop3A_139 {strides = array<i32>} : memref<25600xf32, #tpu.memory_space<vmem>>, vector<16xf32>,
      %parallel_loop3A_142 = arith.constant 32 : i32
      %parallel_loop3A_143 = arith.addi %parallel_loop3A_121, %parallel_loop3A_142 : i32
      %parallel_loop3A_144 = arith.index_cast %parallel_loop3A_143 : i32 to index
      %parallel_loop3A_145 = tpu.vector_load %arg10[%parallel_loop3A_144] {strides = array<i32>} : memref<25600xi32, #tpu.memory_space<vmem>>, vector<16xi32>,
      %parallel_loop3A_146 = arith.constant 255 : i32
      %parallel_loop3A_147 = vector.broadcast %parallel_loop3A_146 : i32 to vector<16xi32>
      %parallel_loop3A_148 = arith.andi %parallel_loop3A_145, %parallel_loop3A_147 : vector<16xi32>
      %parallel_loop3A_149 = tpu.vector_load_idx %arg9[%parallel_loop3A_148] : memref<256xf32, #tpu.memory_space<vmem>>[vector<16xi32>], vector<16xf32>,
      %parallel_loop3A_150 = arith.index_cast %parallel_loop3A_143 : i32 to index
      %parallel_loop3A_151 = tpu.vector_load %arg12[%parallel_loop3A_150] {strides = array<i32>} : memref<25600xf32, #tpu.memory_space<vmem>>, vector<16xf32>,
      tpu.vector_store %arg12[%parallel_loop3A_150], %parallel_loop3A_149 {strides = array<i32>} : memref<25600xf32, #tpu.memory_space<vmem>>, vector<16xf32>,
      %parallel_loop3A_152 = arith.constant 48 : i32
      %parallel_loop3A_153 = arith.addi %parallel_loop3A_121, %parallel_loop3A_152 : i32
      %parallel_loop3A_154 = arith.index_cast %parallel_loop3A_153 : i32 to index
      %parallel_loop3A_155 = tpu.vector_load %arg10[%parallel_loop3A_154] {strides = array<i32>} : memref<25600xi32, #tpu.memory_space<vmem>>, vector<16xi32>,
      %parallel_loop3A_156 = arith.constant 255 : i32
      %parallel_loop3A_157 = vector.broadcast %parallel_loop3A_156 : i32 to vector<16xi32>
      %parallel_loop3A_158 = arith.andi %parallel_loop3A_155, %parallel_loop3A_157 : vector<16xi32>
      %parallel_loop3A_159 = tpu.vector_load_idx %arg9[%parallel_loop3A_158] : memref<256xf32, #tpu.memory_space<vmem>>[vector<16xi32>], vector<16xf32>,
      %parallel_loop3A_160 = arith.index_cast %parallel_loop3A_153 : i32 to index
      %parallel_loop3A_161 = tpu.vector_load %arg12[%parallel_loop3A_160] {strides = array<i32>} : memref<25600xf32, #tpu.memory_space<vmem>>, vector<16xf32>,
      tpu.vector_store %arg12[%parallel_loop3A_160], %parallel_loop3A_159 {strides = array<i32>} : memref<25600xf32, #tpu.memory_space<vmem>>, vector<16xf32>,
      %parallel_loop3A_162 = arith.constant 64 : i32
      %parallel_loop3A_163 = arith.addi %parallel_loop3A_121, %parallel_loop3A_162 : i32
      %parallel_loop3A_164 = arith.index_cast %parallel_loop3A_163 : i32 to index
      %parallel_loop3A_165 = tpu.vector_load %arg10[%parallel_loop3A_164] {strides = array<i32>} : memref<25600xi32, #tpu.memory_space<vmem>>, vector<16xi32>,
      %parallel_loop3A_166 = arith.constant 255 : i32
      %parallel_loop3A_167 = vector.broadcast %parallel_loop3A_166 : i32 to vector<16xi32>
      %parallel_loop3A_168 = arith.andi %parallel_loop3A_165, %parallel_loop3A_167 : vector<16xi32>
      %parallel_loop3A_169 = tpu.vector_load_idx %arg9[%parallel_loop3A_168] : memref<256xf32, #tpu.memory_space<vmem>>[vector<16xi32>], vector<16xf32>,
      %parallel_loop3A_170 = arith.index_cast %parallel_loop3A_163 : i32 to index
      %parallel_loop3A_171 = tpu.vector_load %arg12[%parallel_loop3A_170] {strides = array<i32>} : memref<25600xf32, #tpu.memory_space<vmem>>, vector<16xf32>,
      tpu.vector_store %arg12[%parallel_loop3A_170], %parallel_loop3A_169 {strides = array<i32>} : memref<25600xf32, #tpu.memory_space<vmem>>, vector<16xf32>,
      %parallel_loop3A_172 = arith.constant 80 : i32
      %parallel_loop3A_173 = arith.addi %parallel_loop3A_121, %parallel_loop3A_172 : i32
      %parallel_loop3A_174 = arith.index_cast %parallel_loop3A_173 : i32 to index
      %parallel_loop3A_175 = tpu.vector_load %arg10[%parallel_loop3A_174] {strides = array<i32>} : memref<25600xi32, #tpu.memory_space<vmem>>, vector<16xi32>,
      %parallel_loop3A_176 = arith.constant 255 : i32
      %parallel_loop3A_177 = vector.broadcast %parallel_loop3A_176 : i32 to vector<16xi32>
      %parallel_loop3A_178 = arith.andi %parallel_loop3A_175, %parallel_loop3A_177 : vector<16xi32>
      %parallel_loop3A_179 = tpu.vector_load_idx %arg9[%parallel_loop3A_178] : memref<256xf32, #tpu.memory_space<vmem>>[vector<16xi32>], vector<16xf32>,
      %parallel_loop3A_180 = arith.index_cast %parallel_loop3A_173 : i32 to index
      %parallel_loop3A_181 = tpu.vector_load %arg12[%parallel_loop3A_180] {strides = array<i32>} : memref<25600xf32, #tpu.memory_space<vmem>>, vector<16xf32>,
      tpu.vector_store %arg12[%parallel_loop3A_180], %parallel_loop3A_179 {strides = array<i32>} : memref<25600xf32, #tpu.memory_space<vmem>>, vector<16xf32>,
      %parallel_loop3A_182 = arith.constant 96 : i32
      %parallel_loop3A_183 = arith.addi %parallel_loop3A_121, %parallel_loop3A_182 : i32
      %parallel_loop3A_184 = arith.index_cast %parallel_loop3A_183 : i32 to index
      %parallel_loop3A_185 = tpu.vector_load %arg10[%parallel_loop3A_184] {strides = array<i32>} : memref<25600xi32, #tpu.memory_space<vmem>>, vector<16xi32>,
      %parallel_loop3A_186 = arith.constant 255 : i32
      %parallel_loop3A_187 = vector.broadcast %parallel_loop3A_186 : i32 to vector<16xi32>
      %parallel_loop3A_188 = arith.andi %parallel_loop3A_185, %parallel_loop3A_187 : vector<16xi32>
      %parallel_loop3A_189 = tpu.vector_load_idx %arg9[%parallel_loop3A_188] : memref<256xf32, #tpu.memory_space<vmem>>[vector<16xi32>], vector<16xf32>,
      %parallel_loop3A_190 = arith.index_cast %parallel_loop3A_183 : i32 to index
      %parallel_loop3A_191 = tpu.vector_load %arg12[%parallel_loop3A_190] {strides = array<i32>} : memref<25600xf32, #tpu.memory_space<vmem>>, vector<16xf32>,
      tpu.vector_store %arg12[%parallel_loop3A_190], %parallel_loop3A_189 {strides = array<i32>} : memref<25600xf32, #tpu.memory_space<vmem>>, vector<16xf32>,
      %parallel_loop3A_192 = arith.constant 112 : i32
      %parallel_loop3A_193 = arith.addi %parallel_loop3A_121, %parallel_loop3A_192 : i32
      %parallel_loop3A_194 = arith.index_cast %parallel_loop3A_193 : i32 to index
      %parallel_loop3A_195 = tpu.vector_load %arg10[%parallel_loop3A_194] {strides = array<i32>} : memref<25600xi32, #tpu.memory_space<vmem>>, vector<16xi32>,
      %parallel_loop3A_196 = arith.constant 255 : i32
      %parallel_loop3A_197 = vector.broadcast %parallel_loop3A_196 : i32 to vector<16xi32>
      %parallel_loop3A_198 = arith.andi %parallel_loop3A_195, %parallel_loop3A_197 : vector<16xi32>
      %parallel_loop3A_199 = tpu.vector_load_idx %arg9[%parallel_loop3A_198] : memref<256xf32, #tpu.memory_space<vmem>>[vector<16xi32>], vector<16xf32>,
      %parallel_loop3A_200 = arith.index_cast %parallel_loop3A_193 : i32 to index
      %parallel_loop3A_201 = tpu.vector_load %arg12[%parallel_loop3A_200] {strides = array<i32>} : memref<25600xf32, #tpu.memory_space<vmem>>, vector<16xf32>,
      tpu.vector_store %arg12[%parallel_loop3A_200], %parallel_loop3A_199 {strides = array<i32>} : memref<25600xf32, #tpu.memory_space<vmem>>, vector<16xf32>,
    } {sc.loop_unroll_factor = 2 : i64, sc.parallel_access}
    %add3A_102 = arith.constant 51200 : i32
    %add3A_103 = arith.addi %mul3A_2, %add3A_102 : i32
    %dma_start3A_104 = tpu.memref_slice %arg7[%add3A_103] : memref<3276800xf32, #tpu.memory_space<hbm>> -> memref<25600xf32, #tpu.memory_space<hbm>>
    %dma_start3A_105 = tpu.memref_slice %arg7[%add3A_103] : memref<3276800xf32, #tpu.memory_space<hbm>> -> memref<25600xf32, #tpu.memory_space<hbm>>
    tpu.enqueue_dma source(%arg12 : memref<25600xf32, #tpu.memory_space<vmem>>) target(%dma_start3A_105 : memref<25600xf32, #tpu.memory_space<hbm>>) target_semaphore(%arg16 : memref<!tpu.dma_semaphore, #tpu.memory_space<semaphore_mem>>)
    %dma_wait3A_106 = tpu.memref_slice %arg3[%mul3A_2] : memref<3276800xi32, #tpu.memory_space<hbm>> -> memref<25600xi32, #tpu.memory_space<hbm>>
    %dma_wait3A_107 = tpu.memref_slice %arg3[%mul3A_2] : memref<3276800xi32, #tpu.memory_space<hbm>> -> memref<25600xi32, #tpu.memory_space<hbm>>
    tpu.wait_dma2 semaphore(%arg15 : memref<!tpu.dma_semaphore, #tpu.memory_space<semaphore_mem>>) src(%dma_wait3A_107 : memref<25600xi32, #tpu.memory_space<hbm>>) dst(%arg11 : memref<25600xi32, #tpu.memory_space<vmem>>)
    %dma_wait3A_108 = tpu.memref_slice %arg7[%mul3A_2] : memref<3276800xf32, #tpu.memory_space<hbm>> -> memref<25600xf32, #tpu.memory_space<hbm>>
    %dma_wait3A_109 = tpu.memref_slice %arg7[%mul3A_2] : memref<3276800xf32, #tpu.memory_space<hbm>> -> memref<25600xf32, #tpu.memory_space<hbm>>
    tpu.wait_dma2 semaphore(%arg17 : memref<!tpu.dma_semaphore, #tpu.memory_space<semaphore_mem>>) src(%arg13 : memref<25600xf32, #tpu.memory_space<vmem>>) dst(%dma_wait3A_109 : memref<25600xf32, #tpu.memory_space<hbm>>)
    %parallel_loop3A_110 = arith.constant 0 : i32
    %parallel_loop3A_111 = arith.constant 25600 : i32
    %parallel_loop3A_112 = arith.constant 128 : i32
    scf.for %parallel_loop3A_121 = %parallel_loop3A_110 to %parallel_loop3A_111 step %parallel_loop3A_112  : i32 {
      %parallel_loop3A_122 = arith.constant 0 : i32
      %parallel_loop3A_123 = arith.addi %parallel_loop3A_121, %parallel_loop3A_122 : i32
      %parallel_loop3A_124 = arith.index_cast %parallel_loop3A_123 : i32 to index
      %parallel_loop3A_125 = tpu.vector_load %arg11[%parallel_loop3A_124] {strides = array<i32>} : memref<25600xi32, #tpu.memory_space<vmem>>, vector<16xi32>,
      %parallel_loop3A_126 = arith.constant 255 : i32
      %parallel_loop3A_127 = vector.broadcast %parallel_loop3A_126 : i32 to vector<16xi32>
      %parallel_loop3A_128 = arith.andi %parallel_loop3A_125, %parallel_loop3A_127 : vector<16xi32>
      %parallel_loop3A_129 = tpu.vector_load_idx %arg9[%parallel_loop3A_128] : memref<256xf32, #tpu.memory_space<vmem>>[vector<16xi32>], vector<16xf32>,
      %parallel_loop3A_130 = arith.index_cast %parallel_loop3A_123 : i32 to index
      %parallel_loop3A_131 = tpu.vector_load %arg13[%parallel_loop3A_130] {strides = array<i32>} : memref<25600xf32, #tpu.memory_space<vmem>>, vector<16xf32>,
      tpu.vector_store %arg13[%parallel_loop3A_130], %parallel_loop3A_129 {strides = array<i32>} : memref<25600xf32, #tpu.memory_space<vmem>>, vector<16xf32>,
      %parallel_loop3A_132 = arith.constant 16 : i32
      %parallel_loop3A_133 = arith.addi %parallel_loop3A_121, %parallel_loop3A_132 : i32
      %parallel_loop3A_134 = arith.index_cast %parallel_loop3A_133 : i32 to index
      %parallel_loop3A_135 = tpu.vector_load %arg11[%parallel_loop3A_134] {strides = array<i32>} : memref<25600xi32, #tpu.memory_space<vmem>>, vector<16xi32>,
      %parallel_loop3A_136 = arith.constant 255 : i32
      %parallel_loop3A_137 = vector.broadcast %parallel_loop3A_136 : i32 to vector<16xi32>
      %parallel_loop3A_138 = arith.andi %parallel_loop3A_135, %parallel_loop3A_137 : vector<16xi32>
      %parallel_loop3A_139 = tpu.vector_load_idx %arg9[%parallel_loop3A_138] : memref<256xf32, #tpu.memory_space<vmem>>[vector<16xi32>], vector<16xf32>,
      %parallel_loop3A_140 = arith.index_cast %parallel_loop3A_133 : i32 to index
      %parallel_loop3A_141 = tpu.vector_load %arg13[%parallel_loop3A_140] {strides = array<i32>} : memref<25600xf32, #tpu.memory_space<vmem>>, vector<16xf32>,
      tpu.vector_store %arg13[%parallel_loop3A_140], %parallel_loop3A_139 {strides = array<i32>} : memref<25600xf32, #tpu.memory_space<vmem>>, vector<16xf32>,
      %parallel_loop3A_142 = arith.constant 32 : i32
      %parallel_loop3A_143 = arith.addi %parallel_loop3A_121, %parallel_loop3A_142 : i32
      %parallel_loop3A_144 = arith.index_cast %parallel_loop3A_143 : i32 to index
      %parallel_loop3A_145 = tpu.vector_load %arg11[%parallel_loop3A_144] {strides = array<i32>} : memref<25600xi32, #tpu.memory_space<vmem>>, vector<16xi32>,
      %parallel_loop3A_146 = arith.constant 255 : i32
      %parallel_loop3A_147 = vector.broadcast %parallel_loop3A_146 : i32 to vector<16xi32>
      %parallel_loop3A_148 = arith.andi %parallel_loop3A_145, %parallel_loop3A_147 : vector<16xi32>
      %parallel_loop3A_149 = tpu.vector_load_idx %arg9[%parallel_loop3A_148] : memref<256xf32, #tpu.memory_space<vmem>>[vector<16xi32>], vector<16xf32>,
      %parallel_loop3A_150 = arith.index_cast %parallel_loop3A_143 : i32 to index
      %parallel_loop3A_151 = tpu.vector_load %arg13[%parallel_loop3A_150] {strides = array<i32>} : memref<25600xf32, #tpu.memory_space<vmem>>, vector<16xf32>,
      tpu.vector_store %arg13[%parallel_loop3A_150], %parallel_loop3A_149 {strides = array<i32>} : memref<25600xf32, #tpu.memory_space<vmem>>, vector<16xf32>,
      %parallel_loop3A_152 = arith.constant 48 : i32
      %parallel_loop3A_153 = arith.addi %parallel_loop3A_121, %parallel_loop3A_152 : i32
      %parallel_loop3A_154 = arith.index_cast %parallel_loop3A_153 : i32 to index
      %parallel_loop3A_155 = tpu.vector_load %arg11[%parallel_loop3A_154] {strides = array<i32>} : memref<25600xi32, #tpu.memory_space<vmem>>, vector<16xi32>,
      %parallel_loop3A_156 = arith.constant 255 : i32
      %parallel_loop3A_157 = vector.broadcast %parallel_loop3A_156 : i32 to vector<16xi32>
      %parallel_loop3A_158 = arith.andi %parallel_loop3A_155, %parallel_loop3A_157 : vector<16xi32>
      %parallel_loop3A_159 = tpu.vector_load_idx %arg9[%parallel_loop3A_158] : memref<256xf32, #tpu.memory_space<vmem>>[vector<16xi32>], vector<16xf32>,
      %parallel_loop3A_160 = arith.index_cast %parallel_loop3A_153 : i32 to index
      %parallel_loop3A_161 = tpu.vector_load %arg13[%parallel_loop3A_160] {strides = array<i32>} : memref<25600xf32, #tpu.memory_space<vmem>>, vector<16xf32>,
      tpu.vector_store %arg13[%parallel_loop3A_160], %parallel_loop3A_159 {strides = array<i32>} : memref<25600xf32, #tpu.memory_space<vmem>>, vector<16xf32>,
      %parallel_loop3A_162 = arith.constant 64 : i32
      %parallel_loop3A_163 = arith.addi %parallel_loop3A_121, %parallel_loop3A_162 : i32
      %parallel_loop3A_164 = arith.index_cast %parallel_loop3A_163 : i32 to index
      %parallel_loop3A_165 = tpu.vector_load %arg11[%parallel_loop3A_164] {strides = array<i32>} : memref<25600xi32, #tpu.memory_space<vmem>>, vector<16xi32>,
      %parallel_loop3A_166 = arith.constant 255 : i32
      %parallel_loop3A_167 = vector.broadcast %parallel_loop3A_166 : i32 to vector<16xi32>
      %parallel_loop3A_168 = arith.andi %parallel_loop3A_165, %parallel_loop3A_167 : vector<16xi32>
      %parallel_loop3A_169 = tpu.vector_load_idx %arg9[%parallel_loop3A_168] : memref<256xf32, #tpu.memory_space<vmem>>[vector<16xi32>], vector<16xf32>,
      %parallel_loop3A_170 = arith.index_cast %parallel_loop3A_163 : i32 to index
      %parallel_loop3A_171 = tpu.vector_load %arg13[%parallel_loop3A_170] {strides = array<i32>} : memref<25600xf32, #tpu.memory_space<vmem>>, vector<16xf32>,
      tpu.vector_store %arg13[%parallel_loop3A_170], %parallel_loop3A_169 {strides = array<i32>} : memref<25600xf32, #tpu.memory_space<vmem>>, vector<16xf32>,
      %parallel_loop3A_172 = arith.constant 80 : i32
      %parallel_loop3A_173 = arith.addi %parallel_loop3A_121, %parallel_loop3A_172 : i32
      %parallel_loop3A_174 = arith.index_cast %parallel_loop3A_173 : i32 to index
      %parallel_loop3A_175 = tpu.vector_load %arg11[%parallel_loop3A_174] {strides = array<i32>} : memref<25600xi32, #tpu.memory_space<vmem>>, vector<16xi32>,
      %parallel_loop3A_176 = arith.constant 255 : i32
      %parallel_loop3A_177 = vector.broadcast %parallel_loop3A_176 : i32 to vector<16xi32>
      %parallel_loop3A_178 = arith.andi %parallel_loop3A_175, %parallel_loop3A_177 : vector<16xi32>
      %parallel_loop3A_179 = tpu.vector_load_idx %arg9[%parallel_loop3A_178] : memref<256xf32, #tpu.memory_space<vmem>>[vector<16xi32>], vector<16xf32>,
      %parallel_loop3A_180 = arith.index_cast %parallel_loop3A_173 : i32 to index
      %parallel_loop3A_181 = tpu.vector_load %arg13[%parallel_loop3A_180] {strides = array<i32>} : memref<25600xf32, #tpu.memory_space<vmem>>, vector<16xf32>,
      tpu.vector_store %arg13[%parallel_loop3A_180], %parallel_loop3A_179 {strides = array<i32>} : memref<25600xf32, #tpu.memory_space<vmem>>, vector<16xf32>,
      %parallel_loop3A_182 = arith.constant 96 : i32
      %parallel_loop3A_183 = arith.addi %parallel_loop3A_121, %parallel_loop3A_182 : i32
      %parallel_loop3A_184 = arith.index_cast %parallel_loop3A_183 : i32 to index
      %parallel_loop3A_185 = tpu.vector_load %arg11[%parallel_loop3A_184] {strides = array<i32>} : memref<25600xi32, #tpu.memory_space<vmem>>, vector<16xi32>,
      %parallel_loop3A_186 = arith.constant 255 : i32
      %parallel_loop3A_187 = vector.broadcast %parallel_loop3A_186 : i32 to vector<16xi32>
      %parallel_loop3A_188 = arith.andi %parallel_loop3A_185, %parallel_loop3A_187 : vector<16xi32>
      %parallel_loop3A_189 = tpu.vector_load_idx %arg9[%parallel_loop3A_188] : memref<256xf32, #tpu.memory_space<vmem>>[vector<16xi32>], vector<16xf32>,
      %parallel_loop3A_190 = arith.index_cast %parallel_loop3A_183 : i32 to index
      %parallel_loop3A_191 = tpu.vector_load %arg13[%parallel_loop3A_190] {strides = array<i32>} : memref<25600xf32, #tpu.memory_space<vmem>>, vector<16xf32>,
      tpu.vector_store %arg13[%parallel_loop3A_190], %parallel_loop3A_189 {strides = array<i32>} : memref<25600xf32, #tpu.memory_space<vmem>>, vector<16xf32>,
      %parallel_loop3A_192 = arith.constant 112 : i32
      %parallel_loop3A_193 = arith.addi %parallel_loop3A_121, %parallel_loop3A_192 : i32
      %parallel_loop3A_194 = arith.index_cast %parallel_loop3A_193 : i32 to index
      %parallel_loop3A_195 = tpu.vector_load %arg11[%parallel_loop3A_194] {strides = array<i32>} : memref<25600xi32, #tpu.memory_space<vmem>>, vector<16xi32>,
      %parallel_loop3A_196 = arith.constant 255 : i32
      %parallel_loop3A_197 = vector.broadcast %parallel_loop3A_196 : i32 to vector<16xi32>
      %parallel_loop3A_198 = arith.andi %parallel_loop3A_195, %parallel_loop3A_197 : vector<16xi32>
      %parallel_loop3A_199 = tpu.vector_load_idx %arg9[%parallel_loop3A_198] : memref<256xf32, #tpu.memory_space<vmem>>[vector<16xi32>], vector<16xf32>,
      %parallel_loop3A_200 = arith.index_cast %parallel_loop3A_193 : i32 to index
      %parallel_loop3A_201 = tpu.vector_load %arg13[%parallel_loop3A_200] {strides = array<i32>} : memref<25600xf32, #tpu.memory_space<vmem>>, vector<16xf32>,
      tpu.vector_store %arg13[%parallel_loop3A_200], %parallel_loop3A_199 {strides = array<i32>} : memref<25600xf32, #tpu.memory_space<vmem>>, vector<16xf32>,
    } {sc.loop_unroll_factor = 2 : i64, sc.parallel_access}
    %add3A_113 = arith.constant 76800 : i32
    %add3A_114 = arith.addi %mul3A_2, %add3A_113 : i32
    %dma_start3A_115 = tpu.memref_slice %arg7[%add3A_114] : memref<3276800xf32, #tpu.memory_space<hbm>> -> memref<25600xf32, #tpu.memory_space<hbm>>
    %dma_start3A_116 = tpu.memref_slice %arg7[%add3A_114] : memref<3276800xf32, #tpu.memory_space<hbm>> -> memref<25600xf32, #tpu.memory_space<hbm>>
    tpu.enqueue_dma source(%arg13 : memref<25600xf32, #tpu.memory_space<vmem>>) target(%dma_start3A_116 : memref<25600xf32, #tpu.memory_space<hbm>>) target_semaphore(%arg17 : memref<!tpu.dma_semaphore, #tpu.memory_space<semaphore_mem>>)
    %dma_wait3A_117 = tpu.memref_slice %arg7[%mul3A_2] : memref<3276800xf32, #tpu.memory_space<hbm>> -> memref<25600xf32, #tpu.memory_space<hbm>>
    %dma_wait3A_118 = tpu.memref_slice %arg7[%mul3A_2] : memref<3276800xf32, #tpu.memory_space<hbm>> -> memref<25600xf32, #tpu.memory_space<hbm>>
    tpu.wait_dma2 semaphore(%arg16 : memref<!tpu.dma_semaphore, #tpu.memory_space<semaphore_mem>>) src(%arg12 : memref<25600xf32, #tpu.memory_space<vmem>>) dst(%dma_wait3A_118 : memref<25600xf32, #tpu.memory_space<hbm>>)
    %dma_wait3A_119 = tpu.memref_slice %arg7[%mul3A_2] : memref<3276800xf32, #tpu.memory_space<hbm>> -> memref<25600xf32, #tpu.memory_space<hbm>>
    %dma_wait3A_120 = tpu.memref_slice %arg7[%mul3A_2] : memref<3276800xf32, #tpu.memory_space<hbm>> -> memref<25600xf32, #tpu.memory_space<hbm>>
    tpu.wait_dma2 semaphore(%arg17 : memref<!tpu.dma_semaphore, #tpu.memory_space<semaphore_mem>>) src(%arg13 : memref<25600xf32, #tpu.memory_space<vmem>>) dst(%dma_wait3A_120 : memref<25600xf32, #tpu.memory_space<hbm>>)
    return
  }
}

</mosaic_0001>

<sc_bundles>
// kernel: kernel.3.cloned.1.call-start
scs
__scs_entry_jumppad:
0x0: {  	(pc) =	sbr.rel $0x88, $3  }
0x1: {  	(tag) =	ssettag $0x0;
	lr =	simm.s32 $0x1  }
0x2: {  	[smem:$0x3F9D] =	sst lr;
	_ =	strace $0xD0000000  }
0x3: {  	_ = 	snop  }
0x4: {  	_ = 	snop  }
0x5: {  	_ = 	snop  }
0x6: {  	_ = 	snop  }
0x7: {  	_ = 	snop  }
__scs_overlays_trampoline_lowered:
0x8: {  	[smem:$0x3FAC] =	sst s0  }
0x9: {  	[smem:$0x3FAD] =	sst s1  }
0xa: {  	[smem:$0x3FAE] =	sst s2  }
0xb: {  	[smem:$0x3FAF] =	sst s3  }
0xc: {  	[smem:$0x3FB0] =	sst s4  }
0xd: {  	[smem:$0x3FB1] =	sst s5  }
0xe: {  	[smem:$0x3FB2] =	sst s6  }
0xf: {  	[smem:$0x3FB3] =	sst s7  }
0x10: {  	[smem:$0x3FB4] =	sst s8  }
0x11: {  	[smem:$0x3FB5] =	sst s9;
	s0 =	simm.s32 @!p0 $0x0  }
0x12: {  	s1 =	sld [smem:$0x3F9B];
	s0 =	simm.s32 @p0 $0x1  }
0x13: {  	[smem:$0x3FB6] =	sst s0;
	s0 =	simm.s32 @!p1 $0x0  }
0x14: {  	s2 =	sld [smem:$0x3F9A];
	s0 =	simm.s32 @p1 $0x1  }
0x15: {  	[smem:$0x3FB7] =	sst s0;
	s0 =	simm.s32 @!p2 $0x0  }
0x16: {  	s3 =	sld [smem:$0x3FDB];
	s0 =	simm.s32 @p2 $0x1  }
0x17: {  	s4 =	simm.s32 $0x1BF5;
	[smem:$0x3FB9] =	sst s0  }
0x18: {  	s0 =	sld [smem:$0x3F9C];
	_ =	swait.ge [sflag:s4], $0x0  }
0x19: {  	s7 =	sld [smem:$0x3F9D]  }
0x1a: {  	s8 =	sadd.s32 $0xFFFFE003, lr  }
0x1b: {  	s9 =	sadd.s32 $0xFFFFFEF7, lr;
	s5 =	simm.s32 $0xFFFFFFFF;
	p2 =	slt.u32 s8, $0xFFFFF086  }
0x1c: {  	p1 =	slt.u32 s9, $0xF7A;
	s5 =	simm.s32 @!p2 $0x0  }
0x1d: {  	s5 =	simm.s32 @p1 $0x1;
	p0 =	seq.s32 s7, s2  }
0x1e: {  	s7 =	smul.u32 @!p0 $0xF7A, s2;
	p2 =	seq.s32 @!p0 s5, $0x0  }
0x1f: {  	s9 =	smul.u32 $0xF7A, s1;
	s8 =	simm.s32 @!p0 $0x1BF5;
	p2 =	por !p2, p0  }
0x20: {  	[sflag:s8] =	ssyncset.s32 @!p0 $0xFFFFF086;
	s6 =	sadd.s32 @!p0 s3, s7;
	s7 =	simm.s32 @!p0 $0x108  }
0x21: {  	s3 =	sadd.s32 s3, s9;
	s6 =	sadd.s32 @!p0 $0x88, s6;
	s7 =	simm.s32 @p2 $0x1082  }
0x22: {  	[simem:s7], [sflag:s8] =	dma.local @!p0 [hbm:s6], $0xF7A  }
0x23: {  	s9 =	sor.u32 $0xD0000000, s2;
	s6 =	simm.s32 $0x108;
	_ =	swait.ge @!p0 [sflag:s8], $0x0  }
0x24: {  	s3 =	sadd.s32 $0x88, s3;
	s6 =	simm.s32 @!p1 $0x1082;
	[sflag:s4] =	ssyncset.s32 $0xFFFFF086  }
0x25: {  	[simem:s6], [sflag:s4] =	dma.local [hbm:s3], $0xF7A  }
0x26: {  	[smem:$0x3F9D] =	sst s1;
	(tag) =	ssettag s2;
	_ =	strace s9  }
0x27: {  	s1 =	sld [smem:$0x3FAD]  }
0x28: {  	s2 =	sld [smem:$0x3FAE]  }
0x29: {  	s4 =	sld [smem:$0x3FB0]  }
0x2a: {  	p0 =	seq.s32 s5, $0x0;
	s5 =	sld [smem:$0x3FB1]  }
0x2b: {  	s6 =	sld [smem:$0x3FB2]  }
0x2c: {  	s7 =	sld [smem:$0x3FB3]  }
0x2d: {  	s3 =	simm.s32 $0x108;
	s8 =	sld [smem:$0x3FB4]  }
0x2e: {  	s3 =	simm.s32 @!p0 $0x1082;
	s9 =	sld [smem:$0x3FB5]  }
0x2f: {  	lr =	sadd.s32 s0, s3;
	s0 =	sld [smem:$0x3FAC]  }
0x30: {  	s3 =	sld [smem:$0x3FAF]  }
0x31: {  	[smem:$0x3FB8] =	sst s10  }
0x32: {  	s10 =	sld [smem:$0x3FB6];
	_ =	sdelay $0x3  }
0x33: {  	p0 =	seq.s32 s10, $0x1;
	s10 =	sld [smem:$0x3FB8];
	_ =	sdelay $0x3  }
0x34: {  	[smem:$0x3FB8] =	sst s10  }
0x35: {  	s10 =	sld [smem:$0x3FB7];
	_ =	sdelay $0x3  }
0x36: {  	p1 =	seq.s32 s10, $0x1;
	s10 =	sld [smem:$0x3FB8];
	_ =	sdelay $0x3  }
0x37: {  	[smem:$0x3FB8] =	sst s10  }
0x38: {  	s10 =	sld [smem:$0x3FB9]  }
0x39: {  	_ = 	snop;
	(pc) =	sbr.ind lr, $3  }
0x3a: {  	_ = 	snop  }
0x3b: {  	_ = 	snop  }
0x3c: {  	p2 =	seq.s32 s10, $0x1;
	s10 =	sld [smem:$0x3FB8]  }
0x3d: {  	_ =	shalt  }
0x3e: {  	_ =	shalt  }
0x3f: {  	_ =	shalt  }
0x40: {  	_ =	shalt  }
0x41: {  	_ =	shalt  }
0x42: {  	_ =	shalt  }
0x43: {  	_ =	shalt  }
0x44: {  	_ =	shalt  }
0x45: {  	_ =	shalt  }
0x46: {  	_ =	shalt  }
0x47: {  	_ =	shalt  }
0x48: {  	_ =	shalt  }
0x49: {  	_ =	shalt  }
0x4a: {  	_ =	shalt  }
0x4b: {  	_ =	shalt  }
0x4c: {  	_ =	shalt  }
0x4d: {  	_ =	shalt  }
0x4e: {  	_ =	shalt  }
0x4f: {  	_ =	shalt  }
0x50: {  	_ =	shalt  }
0x51: {  	_ =	shalt  }
0x52: {  	_ =	shalt  }
0x53: {  	_ =	shalt  }
0x54: {  	_ =	shalt  }
0x55: {  	_ =	shalt  }
0x56: {  	_ =	shalt  }
0x57: {  	_ =	shalt  }
0x58: {  	_ =	shalt  }
0x59: {  	_ =	shalt  }
0x5a: {  	_ =	shalt  }
0x5b: {  	_ =	shalt  }
0x5c: {  	_ =	shalt  }
0x5d: {  	_ =	shalt  }
0x5e: {  	_ =	shalt  }
0x5f: {  	_ =	shalt  }
0x60: {  	_ =	shalt  }
0x61: {  	_ =	shalt  }
0x62: {  	_ =	shalt  }
0x63: {  	_ =	shalt  }
0x64: {  	_ =	shalt  }
0x65: {  	_ =	shalt  }
0x66: {  	_ =	shalt  }
0x67: {  	_ =	shalt  }
0x68: {  	_ =	shalt  }
0x69: {  	_ =	shalt  }
0x6a: {  	_ =	shalt  }
0x6b: {  	_ =	shalt  }
0x6c: {  	_ =	shalt  }
0x6d: {  	_ =	shalt  }
0x6e: {  	_ =	shalt  }
0x6f: {  	_ =	shalt  }
0x70: {  	_ =	shalt  }
0x71: {  	_ =	shalt  }
0x72: {  	_ =	shalt  }
0x73: {  	_ =	shalt  }
0x74: {  	_ =	shalt  }
0x75: {  	_ =	shalt  }
0x76: {  	_ =	shalt  }
0x77: {  	_ =	shalt  }
0x78: {  	_ =	shalt  }
0x79: {  	_ =	shalt  }
0x7a: {  	_ =	shalt  }
0x7b: {  	_ =	shalt  }
0x7c: {  	_ =	shalt  }
0x7d: {  	_ =	shalt  }
0x7e: {  	_ =	shalt  }
0x7f: {  	_ =	shalt  }
0x80: {  	_ =	shalt  }
0x81: {  	_ =	shalt  }
0x82: {  	_ =	shalt  }
0x83: {  	_ =	shalt  }
0x84: {  	_ =	shalt  }
0x85: {  	_ =	shalt  }
0x86: {  	_ =	shalt  }
0x87: {  	_ =	shalt  }
.Lfunc_end0:
.L_simem_size_0:
called_computation_lowered:
.L_overlay_start_0:
0x88: {  	s2 =	sld [smem:$0x3FD9]  }
0x89: {  	s3 =	sld [smem:$0x3FFE];
	_ =	sdelay $0x1  }
0x8a: {  	s1 =	srdreg.scid  }
0x8b: {  	s0 =	sand.u32 $0x1, s1  }
0x8c: {  	s15 =	sshll.u32 s0, $0xA;
	s2 =	sadd.s32 s3, s2  }
0x8d: {  	s2 =	sadd.s32 s2, s15  }
0x8e: {  	[smem:$0x3FC4] =	sst s2  }
0x8f: {  	_ = 	snop  }
0x90: {  	s2 =	sld [smem:$0x3FC9]  }
0x91: {  	s16 =	sld [smem:$0x3FD0]  }
0x92: {  	s4 =	sld [smem:$0x3FC8]  }
0x93: {  	s5 =	sld [smem:$0x3FC7]  }
0x94: {  	s7 =	simm.s32 $0xA;
	s8 =	simm.s32 $0x10;
	s6 =	sld [smem:$0x3FC6]  }
0x95: {  	[smem:s8], [sflag:s7] =	dma.local [hbm:s16], $0x1  }
0x96: {  	_ =	swait.eq [sflag:s7], $0x1  }
0x97: {  	[sflag:s7] =	ssyncset.done $0x0  }
0x98: {  	s17 =	sld [smem:$0x10];
	[sflag:s7] =	ssyncadd.s32 $0xFFFFFFFF  }
0x99: {  	s18 =	sld [smem:$0x11];
	(tm) =	ssettm $0x1  }
0x9a: {  	s19 =	sld [smem:$0x3FFB];
	_ =	sdelay $0x3  }
0x9b: {  	_ =	strace s19  }
0x9c: {  	s8 =	sld [smem:$0x3FFC];
	_ =	sdelay $0x3  }
0x9d: {  	_ =	strace s8  }
0x9e: {  	s8 =	sld [smem:$0x3FFD];
	_ =	sdelay $0x3  }
0x9f: {  	_ =	strace s8  }
0xa0: {  	_ =	strace $0x8FFFFFFF  }
0xa1: {  	s20 =	sld [smem:$0x3FDB];
	_ =	sdelay $0x1  }
0xa2: {  	s9 =	simm.s32 $_scs_section_size  }
0xa3: {  	s10 =	simm.s32 $_size__tile_overlayer_lowered;
	s11 =	simm.s32 $_tile_overlayer_lowered  }
0xa4: {  	s23 =	simm.s32 $0x1BFF;
	s22 =	sshll.u32 s11, $0x1;
	s8 =	sadd.s32 s9, s20  }
0xa5: {  	s12 =	simm.s32 $0x0;
	s21 =	sshll.u32 s10, $0x1;
	s10 =	sadd.s32 s22, s8  }
0xa6: {  	[timem:s12], [sflag:s23] =	dma.local [hbm:s10], s21  }
0xa7: {  	_ =	swait.ge [sflag:s23], s21  }
0xa8: {  	s9 =	ssub.s32 $0x0, s21;
	[sflag:s23] =	ssyncset.done $0x0  }
0xa9: {  	[sflag:s23] =	ssyncadd.s32 s9;
	_ =	sdelay $0x1  }
0xaa: {  	s24 =	simm.s32 $0x1B8B  }
0xab: {  	_ =	swait.ge [sflag:s24], $0x1  }
0xac: {  	[sflag:s24] =	ssyncset.done $0x0  }
0xad: {  	s25 =	simm.s32 $0x1B8E;
	[sflag:s24] =	ssyncadd.s32 $0xFFFFFFFF  }
0xae: {  	s26 =	simm.s32 $execute0_lowered;
	[smem:$0x3FD2] =	sst s25  }
0xaf: {  	s9 =	sshll.u32 s26, $0x1;
	_ =	strace $0x80000046;
	[dreg:$0x1] =	wrdreg $0xFFFFFFFF  }
0xb0: {  	s28 =	simm.s32 $_size_execute0_lowered;
	s8 =	sadd.s32 s8, s9;
	[dreg:$0x0] =	wrdreg $0x0  }
0xb1: {  	s9 =	sshll.u32 s28, $0x1;
	[dreg:$0x2] =	wrdreg s8  }
0xb2: {  	[dreg:$0x3] =	wrdreg s9  }
0xb3: {  	[dreg:$0x4] =	wrdreg $0xC0  }
0xb4: {  	_ =	task [dreg:s12], $0x5FFFF  }
0xb5: {  	[dreg:$0x1] =	wrdreg $0xFFFFFFFF  }
0xb6: {  	[dreg:$0x0] =	wrdreg $0x60  }
0xb7: {  	[dreg:$0x2] =	wrdreg s2  }
0xb8: {  	[dreg:$0x3] =	wrdreg s4  }
0xb9: {  	[dreg:$0x4] =	wrdreg s5  }
0xba: {  	[dreg:$0x5] =	wrdreg s6  }
0xbb: {  	[dreg:$0x6] =	wrdreg s17  }
0xbc: {  	[dreg:$0x7] =	wrdreg s18  }
0xbd: {  	[dreg:$0x8] =	wrdreg $0x9  }
0xbe: {  	_ =	task.clear_ibuf [dreg:s12], $0x9FFFF;
	_ =	strace $0x90000046  }
0xbf: {  	s29 =	simm.s32 $0x9;
	_ =	strace $0x80000048  }
0xc0: {  	_ =	swait.ge [sflag:s29], $0x1  }
0xc1: {  	[sflag:s29] =	ssyncadd.s32 $0xFFFFFFFF  }
0xc2: {  	_ =	strace $0x90000048  }
0xc3: {  	_ =	sfence  }
0xc4: {  	s30 =	sld [smem:$0x0];
	_ =	sdelay $0x2  }
0xc5: {  	s31 =	sshll.u32 s1, $0xD;
	s1 =	sshrl.u32 s1, $0x2  }
0xc6: {  	s3 =	sand.u32 $0x4000, s31;
	s1 =	sadd.s32 s1, s30  }
0xc7: {  	s0 =	sor.u32 s3, s0;
	s1 =	sshll.u32 s1, $0x11  }
0xc8: {  	s0 =	sor.u32 s1, s0  }
0xc9: {  	s0 =	sadd.s32 $0x8F2B, s0  }
0xca: {  	[sflag:s0] =	ssyncadd.remote.s32 $0x1  }
0xcb: {  	_ =	sfence.sel $0xFFFF  }
0xcc: {  	[dreg:$0x0] =	wrdreg $0xFFFFFFFF;
	(pc) =	sbr.abs _section_cstart, $3  }
0xcd: {  	[dreg:$0x1] =	wrdreg $0xFFFFFFFF  }
0xce: {  	_ =	task.clear_ibuf [dreg:s12], $0x2FFFF;
	_ =	strace $0x9FFFFFFF  }
0xcf: {  	(tm) =	ssettm $0x7FFFFFFF  }
tec
execute0_lowered:
.L_overlay_start_1:
0x0: {  	(tag) =	ssettag $0x1  }
0x1: {  	s0 =	rddreg [dreg:$0x0]  }
0x2: {  	s2 =	srdreg.scid;
	s3 =	stileid.u32  }
0x3: {  	s1 =	rddreg [dreg:$0x1];
	s2 =	sand.u32 $0x1, s2;
	s3 =	sshll.u32 s3, $0x1  }
0x4: {  	s5 =	rddreg [dreg:$0x4];
	s3 =	sor.u32 s2, s3  }
0x5: {  	s6 =	rddreg [dreg:$0x5];
	s4 =	simm.s32 $0x0;
	s3 =	smul.u32 $0x19000, s3  }
0x6: {  	s28 =	simm.s32 $0xC980;
	s29 =	simm.s32 $0x2;
	s30 =	simm.s32 $0x12D80  }
0x7: {  	s31 =	simm.s32 $0x3;
	[smem:$0x7FF] =	sst s4;
	s3 =	sshrl.u32 s3, $0x3  }
0x8: {  	s2 =	ssub.s32 $0x2, s2;
	_ =	strace $0x80000047;
	s8 =	sadd.s32 s0, s3  }
0x9: {  	s7 =	sshrl.u32 s2, $0x1;
	s9 =	sadd.s32 s5, s3;
	[dreg:$0x7] =	wrdreg s8  }
0xa: {  	s2 =	ssub.s32 s2, s7;
	s24 =	sadd.s32 s1, s3;
	[dreg:$0x9] =	wrdreg s9  }
0xb: {  	s17 =	sadd.s32 $0xC80, s3;
	s26 =	sadd.s32 s6, s3;
	[dreg:$0xf] =	wrdreg s24  }
0xc: {  	s19 =	sadd.s32 $0x1900, s3;
	s18 =	sadd.s32 s0, s17;
	[dreg:$0x11] =	wrdreg s26  }
0xd: {  	s21 =	sadd.s32 $0x2580, s3;
	s20 =	sadd.s32 s0, s19;
	[dreg:$0x8] =	wrdreg s18  }
0xe: {  	s3 =	simm.s32 $0x4;
	s10 =	sadd.s32 s5, s17;
	[dreg:$0xa] =	wrdreg s20  }
0xf: {  	s0 =	sadd.s32 s0, s21;
	s22 =	sadd.s32 s5, s19;
	[dreg:$0xb] =	wrdreg s10  }
0x10: {  	s23 =	sadd.s32 s5, s21;
	s25 =	sadd.s32 s1, s17;
	[dreg:$0xc] =	wrdreg s0  }
0x11: {  	s16 =	sadd.s32 s1, s19;
	s17 =	sadd.s32 s6, s17;
	[dreg:$0xd] =	wrdreg s22  }
0x12: {  	s19 =	sadd.s32 s6, s19;
	s24 =	simm.s32 $0x180;
	[dreg:$0xe] =	wrdreg s23  }
0x13: {  	s26 =	simm.s32 $0x1;
	[dreg:$0x10] =	wrdreg s25;
	s18 =	sadd.s32 s1, s21  }
0x14: {  	s20 =	sadd.s32 s6, s21;
	s21 =	smax.u32 s2, $0x1;
	s22 =	simm.s32 $0x5  }
0x15: {  	s23 =	simm.s32 $0x80;
	s25 =	simm.s32 $0x6580;
	s0 =	simm.s32 $0x0  }
.LBB2_1:
0x16: {  	s1 =	rddreg [dreg:$0x2]  }
0x17: {  	[tilespmem:s4], [sflag:$0x5] =	stream.linear.gather [hbm4b:s1+s4], $0x80, $0x38;
	[tilespmem:$0x19180] =	vst v63  }
0x18: {  	_ =	swait.ge [sflag:s22], $0x80  }
0x19: {  	[sflag:s22] =	ssyncset.done $0x0  }
0x1a: {  	[sflag:s22] =	ssyncadd.s32 $0xFFFFFF80  }
0x1b: {  	s13 =	rddreg [dreg:$0x3]  }
0x1c: {  	[tilespmem:s23], [sflag:$0x5] =	stream.linear.gather [hbm4b:s13+s4], $0x100, $0x38;
	[tilespmem:$0x19180] =	vst v63  }
0x1d: {  	_ =	swait.ge [sflag:s22], $0x100  }
0x1e: {  	[sflag:s22] =	ssyncset.done $0x0  }
0x1f: {  	s14 =	rddreg [dreg:$0x7];
	[sflag:s22] =	ssyncadd.s32 $0xFFFFFF00  }
0x20: {  	v0 =	vld [tilespmem:$0x0];
	[tilespmem:s24], [sflag:$0x1] =	stream.linear.gather [hbm4b:s14+s4], $0x6400, $0x38  }
0x21: {  	s15 =	rddreg [dreg:$0x8]  }
0x22: {  	[tilespmem:s25], [sflag:$0x2] =	stream.linear.gather [hbm4b:s15+s4], $0x6400, $0x38;
	[tilespmem:$0x19180] =	vst v63  }
0x23: {  	_ =	swait.ge [sflag:s26], $0x6400  }
0x24: {  	[sflag:s26] =	ssyncset.done $0x0  }
0x25: {  	s9 =	simm.s32 $0x200;
	[sflag:s26] =	ssyncadd.s32 $0xFFFF9C00  }
0x26: {  	v1 =	vld [tilespmem:s9+$0x0];
	_ =	sdelay $0x3  }
0x27: {  	v2 =	vld [tilespmem:s9+$0xFFFFFF80]  }
0x28: {  	v1 =	vperm.xlane v0, v1  }
0x29: {  	s1 =	simm.s32 $0xCA00  }
0x2a: {  	[tilespmem:s1+$0x0] =	vst v1  }
0x2b: {  	v1 =	vld [tilespmem:s9+$0x10]  }
0x2c: {  	v2 =	vperm.xlane v0, v2;
	_ =	sdelay $0x1  }
0x2d: {  	[tilespmem:s1+$0xFFFFFF80] =	vst v2  }
0x2e: {  	v2 =	vld [tilespmem:s9+$0xFFFFFF90]  }
0x2f: {  	v1 =	vperm.xlane v0, v1  }
0x30: {  	s5 =	simm.s32 $0x300  }
0x31: {  	[tilespmem:s1+$0x10] =	vst v1;
	v1 =	vld [tilespmem:s5+$0x0]  }
0x32: {  	v3 =	vld [tilespmem:s9+$0x20]  }
0x33: {  	v2 =	vperm.xlane v0, v2;
	_ =	sdelay $0x1  }
0x34: {  	[tilespmem:s1+$0xFFFFFF90] =	vst v2;
	v2 =	vld [tilespmem:s5+$0xFFFFFF80]  }
0x35: {  	v4 =	vld [tilespmem:s9+$0xFFFFFFA0];
	v1 =	vperm.xlane v0, v1  }
0x36: {  	s2 =	simm.s32 $0xCB00;
	v3 =	vperm.xlane v0, v3  }
0x37: {  	[tilespmem:s2+$0x0] =	vst v1  }
0x38: {  	v1 =	vld [tilespmem:s5+$0x10];
	[tilespmem:s1+$0x20] =	vst v3  }
0x39: {  	v2 =	vperm.xlane v0, v2;
	v3 =	vld [tilespmem:s9+$0x30]  }
0x3a: {  	v4 =	vperm.xlane v0, v4  }
0x3b: {  	[tilespmem:s2+$0xFFFFFF80] =	vst v2  }
0x3c: {  	v2 =	vld [tilespmem:s5+$0xFFFFFF90];
	[tilespmem:s1+$0xFFFFFFA0] =	vst v4  }
0x3d: {  	v4 =	vld [tilespmem:s9+$0xFFFFFFB0];
	v1 =	vperm.xlane v0, v1  }
0x3e: {  	s6 =	simm.s32 $0x400;
	v3 =	vperm.xlane v0, v3  }
0x3f: {  	[tilespmem:s2+$0x10] =	vst v1;
	v1 =	vld [tilespmem:s6+$0x0]  }
0x40: {  	[tilespmem:s1+$0x30] =	vst v3;
	v3 =	vld [tilespmem:s5+$0x20]  }
0x41: {  	v2 =	vperm.xlane v0, v2;
	v5 =	vld [tilespmem:s9+$0x40]  }
0x42: {  	v4 =	vperm.xlane v0, v4  }
0x43: {  	[tilespmem:s2+$0xFFFFFF90] =	vst v2;
	v2 =	vld [tilespmem:s6+$0xFFFFFF80]  }
0x44: {  	[tilespmem:s1+$0xFFFFFFB0] =	vst v4;
	v4 =	vld [tilespmem:s5+$0xFFFFFFA0];
	v1 =	vperm.xlane v0, v1  }
0x45: {  	s7 =	simm.s32 $0xCC00;
	v6 =	vld [tilespmem:s9+$0xFFFFFFC0];
	v3 =	vperm.xlane v0, v3  }
0x46: {  	[tilespmem:s7+$0x0] =	vst v1;
	v1 =	vperm.xlane v0, v5  }
0x47: {  	v5 =	vld [tilespmem:s6+$0x10];
	[tilespmem:s2+$0x20] =	vst v3  }
0x48: {  	v2 =	vperm.xlane v0, v2;
	v3 =	vld [tilespmem:s5+$0x30];
	[tilespmem:s1+$0x40] =	vst v1  }
0x49: {  	v1 =	vperm.xlane v0, v4;
	v4 =	vld [tilespmem:s9+$0x50]  }
0x4a: {  	[tilespmem:s7+$0xFFFFFF80] =	vst v2;
	v2 =	vperm.xlane v0, v6  }
0x4b: {  	v6 =	vld [tilespmem:s6+$0xFFFFFF90];
	[tilespmem:s2+$0xFFFFFFA0] =	vst v1  }
0x4c: {  	[tilespmem:s1+$0xFFFFFFC0] =	vst v2;
	v1 =	vperm.xlane v0, v5;
	v5 =	vld [tilespmem:s5+$0xFFFFFFB0]  }
0x4d: {  	s8 =	simm.s32 $0x500;
	v2 =	vperm.xlane v0, v3;
	v3 =	vld [tilespmem:s9+$0xFFFFFFD0]  }
0x4e: {  	[tilespmem:s7+$0x10] =	vst v1;
	v1 =	vperm.xlane v0, v4;
	v4 =	vld [tilespmem:s8+$0x0]  }
0x4f: {  	[tilespmem:s2+$0x30] =	vst v2;
	v2 =	vld [tilespmem:s6+$0x20]  }
0x50: {  	v6 =	vperm.xlane v0, v6;
	[tilespmem:s1+$0x50] =	vst v1;
	v1 =	vld [tilespmem:s5+$0x40]  }
0x51: {  	v5 =	vperm.xlane v0, v5;
	v7 =	vld [tilespmem:s9+$0x60]  }
0x52: {  	[tilespmem:s7+$0xFFFFFF90] =	vst v6;
	v6 =	vld [tilespmem:s8+$0xFFFFFF80];
	v3 =	vperm.xlane v0, v3  }
0x53: {  	[tilespmem:s2+$0xFFFFFFB0] =	vst v5;
	v4 =	vperm.xlane v0, v4;
	v5 =	vld [tilespmem:s6+$0xFFFFFFA0]  }
0x54: {  	s10 =	simm.s32 $0xCD00;
	[tilespmem:s1+$0xFFFFFFD0] =	vst v3;
	v2 =	vperm.xlane v0, v2;
	v3 =	vld [tilespmem:s5+$0xFFFFFFC0]  }
0x55: {  	[tilespmem:s10+$0x0] =	vst v4;
	v1 =	vperm.xlane v0, v1;
	v4 =	vld [tilespmem:s9+$0xFFFFFFE0]  }
0x56: {  	v8 =	vld [tilespmem:s8+$0x10];
	[tilespmem:s7+$0x20] =	vst v2;
	v2 =	vperm.xlane v0, v7  }
0x57: {  	v6 =	vperm.xlane v0, v6;
	v7 =	vld [tilespmem:s6+$0x30];
	[tilespmem:s2+$0x40] =	vst v1  }
0x58: {  	v5 =	vperm.xlane v0, v5;
	v9 =	vld [tilespmem:s5+$0x50];
	[tilespmem:s1+$0x60] =	vst v2  }
0x59: {  	[tilespmem:s10+$0xFFFFFF80] =	vst v6;
	v2 =	vperm.xlane v0, v3;
	v1 =	vld [tilespmem:s9+$0x70]  }
0x5a: {  	v6 =	vld [tilespmem:s8+$0xFFFFFF90];
	[tilespmem:s7+$0xFFFFFFA0] =	vst v5;
	v4 =	vperm.xlane v0, v4  }
0x5b: {  	v8 =	vperm.xlane v0, v8;
	v5 =	vld [tilespmem:s6+$0xFFFFFFB0];
	[tilespmem:s2+$0xFFFFFFC0] =	vst v2  }
0x5c: {  	v3 =	vld [tilespmem:s5+$0xFFFFFFD0];
	[tilespmem:s1+$0xFFFFFFE0] =	vst v4;
	v7 =	vperm.xlane v0, v7  }
0x5d: {  	s11 =	simm.s32 $0x300;
	s12 =	simm.s32 $0x600;
	[tilespmem:s10+$0x10] =	vst v8;
	v4 =	vperm.xlane v0, v9;
	v2 =	vld [tilespmem:s9+$0xFFFFFFF0];
	s9 =	simm.s32 $0xCD00  }
.LBB2_2:
0x5e: {  	v8 =	vld [tilespmem:s12+$0x0];
	[tilespmem:s7+$0x30] =	vst v7;
	v1 =	vperm.xlane v0, v1;
	s13 =	smov.u32 s8;
	s8 =	smov.u32 s12  }
0x5f: {  	v6 =	vperm.xlane v0, v6;
	v7 =	vld [tilespmem:s13+$0x20];
	[tilespmem:s2+$0x50] =	vst v4  }
0x60: {  	v4 =	vperm.xlane v0, v5;
	v5 =	vld [tilespmem:s6+$0x40];
	[tilespmem:s1+$0x70] =	vst v1  }
0x61: {  	s11 =	sadd.s32 $0x100, s11;
	[tilespmem:s10+$0xFFFFFF90] =	vst v6;
	v1 =	vperm.xlane v0, v3;
	v3 =	vld [tilespmem:s5+$0x60]  }
0x62: {  	p0 =	slt.u32 s11, $0x6300;
	v6 =	vld [tilespmem:s12+$0xFFFFFF80];
	[tilespmem:s7+$0xFFFFFFB0] =	vst v4;
	v2 =	vperm.xlane v0, v2  }
0x63: {  	v4 =	vperm.xlane v0, v8;
	v8 =	vld [tilespmem:s13+$0xFFFFFFA0];
	[tilespmem:s2+$0xFFFFFFD0] =	vst v1  }
0x64: {  	s10 =	sadd.s32 $0x100, s10;
	v1 =	vperm.xlane v0, v7;
	v7 =	vld [tilespmem:s6+$0xFFFFFFC0];
	[tilespmem:s1+$0xFFFFFFF0] =	vst v2;
	s1 =	smov.u32 s2;
	s2 =	smov.u32 s7  }
0x65: {  	s7 =	smov.u32 s9;
	s9 =	smov.u32 s10;
	[tilespmem:s10+$0x0] =	vst v4;
	v2 =	vperm.xlane v0, v5;
	v4 =	vld [tilespmem:s5+$0xFFFFFFE0]  }
0x66: {  	v5 =	vld [tilespmem:s12+$0x10];
	[tilespmem:s7+$0x20] =	vst v1;
	v1 =	vperm.xlane v0, v3  }
0x67: {  	v3 =	vperm.xlane v0, v6;
	v9 =	vld [tilespmem:s13+$0x30];
	[tilespmem:s2+$0x40] =	vst v2  }
0x68: {  	v2 =	vperm.xlane v0, v8;
	v8 =	vld [tilespmem:s6+$0x50];
	[tilespmem:s1+$0x60] =	vst v1  }
.Ltmp0:
0x69: {  	[tilespmem:s10+$0xFFFFFF80] =	vst v3;
	v3 =	vperm.xlane v0, v7;
	v1 =	vld [tilespmem:s5+$0x70];
	(pc) =	sbr.rel @p0 .LBB2_2-.Ltmp0, $4  }
0x6a: {  	v6 =	vld [tilespmem:s12+$0xFFFFFF90];
	[tilespmem:s7+$0xFFFFFFA0] =	vst v2;
	v2 =	vperm.xlane v0, v4  }
0x6b: {  	v4 =	vperm.xlane v0, v5;
	v5 =	vld [tilespmem:s13+$0xFFFFFFB0];
	[tilespmem:s2+$0xFFFFFFC0] =	vst v3  }
0x6c: {  	v7 =	vperm.xlane v0, v9;
	v3 =	vld [tilespmem:s6+$0xFFFFFFD0];
	[tilespmem:s1+$0xFFFFFFE0] =	vst v2  }
0x6d: {  	s12 =	sadd.s32 $0x100, s12;
	[tilespmem:s10+$0x10] =	vst v4;
	v4 =	vperm.xlane v0, v8;
	v2 =	vld [tilespmem:s5+$0xFFFFFFF0];
	s5 =	smov.u32 s6;
	s6 =	smov.u32 s13  }
0x6e: {  	_ = 	snop  }
0x6f: {  	v6 =	vperm.xlane v0, v6;
	_ =	sdelay $0x1  }
0x70: {  	v8 =	vld [tilespmem:s8+$0x20];
	[tilespmem:s10+$0xFFFFFF90] =	vst v6  }
0x71: {  	v6 =	vld [tilespmem:s8+$0xFFFFFFA0];
	_ =	sdelay $0x3  }
0x72: {  	v8 =	vperm.xlane v0, v8  }
0x73: {  	v6 =	vperm.xlane v0, v6  }
0x74: {  	[tilespmem:s9+$0x20] =	vst v8  }
0x75: {  	v8 =	vld [tilespmem:s8+$0x30];
	[tilespmem:s9+$0xFFFFFFA0] =	vst v6  }
0x76: {  	v6 =	vld [tilespmem:s8+$0xFFFFFFB0];
	_ =	sdelay $0x2  }
0x77: {  	v5 =	vperm.xlane v0, v5  }
0x78: {  	[tilespmem:s7+$0x30] =	vst v7;
	v7 =	vperm.xlane v0, v8  }
0x79: {  	[tilespmem:s7+$0xFFFFFFB0] =	vst v5;
	v8 =	vld [tilespmem:s6+$0x40];
	v5 =	vperm.xlane v0, v6  }
0x7a: {  	[tilespmem:s9+$0x30] =	vst v7;
	v6 =	vld [tilespmem:s6+$0xFFFFFFC0]  }
0x7b: {  	v7 =	vld [tilespmem:s8+$0x40];
	[tilespmem:s9+$0xFFFFFFB0] =	vst v5  }
0x7c: {  	v5 =	vld [tilespmem:s8+$0xFFFFFFC0];
	_ =	sdelay $0x1  }
0x7d: {  	v8 =	vperm.xlane v0, v8  }
0x7e: {  	v6 =	vperm.xlane v0, v6  }
0x7f: {  	[tilespmem:s7+$0x40] =	vst v8;
	v7 =	vperm.xlane v0, v7  }
0x80: {  	v8 =	vld [tilespmem:s6+$0x50];
	[tilespmem:s7+$0xFFFFFFC0] =	vst v6;
	v5 =	vperm.xlane v0, v5  }
0x81: {  	[tilespmem:s9+$0x40] =	vst v7;
	v6 =	vld [tilespmem:s6+$0xFFFFFFD0]  }
0x82: {  	v7 =	vld [tilespmem:s8+$0x50];
	[tilespmem:s9+$0xFFFFFFC0] =	vst v5  }
0x83: {  	v5 =	vld [tilespmem:s8+$0xFFFFFFD0]  }
0x84: {  	v3 =	vperm.xlane v0, v3  }
0x85: {  	[tilespmem:s2+$0x50] =	vst v4;
	v4 =	vperm.xlane v0, v8  }
0x86: {  	[tilespmem:s2+$0xFFFFFFD0] =	vst v3;
	v8 =	vld [tilespmem:s5+$0x60];
	v3 =	vperm.xlane v0, v6  }
0x87: {  	[tilespmem:s7+$0x50] =	vst v4;
	v4 =	vperm.xlane v0, v7;
	v6 =	vld [tilespmem:s5+$0xFFFFFFE0]  }
0x88: {  	v7 =	vld [tilespmem:s6+$0x60];
	[tilespmem:s7+$0xFFFFFFD0] =	vst v3;
	v3 =	vperm.xlane v0, v5  }
0x89: {  	[tilespmem:s9+$0x50] =	vst v4;
	v5 =	vld [tilespmem:s6+$0xFFFFFFE0]  }
0x8a: {  	v4 =	vld [tilespmem:s8+$0x60];
	[tilespmem:s9+$0xFFFFFFD0] =	vst v3  }
0x8b: {  	v3 =	vperm.xlane v0, v8;
	v8 =	vld [tilespmem:s8+$0xFFFFFFE0]  }
0x8c: {  	v6 =	vperm.xlane v0, v6  }
0x8d: {  	[tilespmem:s2+$0x60] =	vst v3;
	v3 =	vperm.xlane v0, v7  }
0x8e: {  	[tilespmem:s2+$0xFFFFFFE0] =	vst v6;
	v7 =	vld [tilespmem:s5+$0x70];
	v5 =	vperm.xlane v0, v5  }
0x8f: {  	v6 =	vld [tilespmem:s5+$0xFFFFFFF0];
	[tilespmem:s7+$0x60] =	vst v3;
	v3 =	vperm.xlane v0, v4  }
0x90: {  	v4 =	vld [tilespmem:s6+$0x70];
	[tilespmem:s7+$0xFFFFFFE0] =	vst v5;
	v5 =	vperm.xlane v0, v8  }
0x91: {  	v1 =	vperm.xlane v0, v1;
	v8 =	vld [tilespmem:s6+$0xFFFFFFF0];
	[tilespmem:s9+$0x60] =	vst v3  }
0x92: {  	v2 =	vperm.xlane v0, v2;
	v3 =	vld [tilespmem:s8+$0x70];
	[tilespmem:s9+$0xFFFFFFE0] =	vst v5  }
0x93: {  	[tilespmem:s1+$0x70] =	vst v1;
	v1 =	vperm.xlane v0, v7;
	v5 =	vld [tilespmem:s8+$0xFFFFFFF0]  }
0x94: {  	[tilespmem:s1+$0xFFFFFFF0] =	vst v2;
	v2 =	vperm.xlane v0, v6  }
0x95: {  	[tilespmem:s2+$0x70] =	vst v1;
	v1 =	vperm.xlane v0, v4  }
0x96: {  	[tilespmem:s2+$0xFFFFFFF0] =	vst v2;
	v2 =	vperm.xlane v0, v8  }
0x97: {  	[tilespmem:s7+$0x70] =	vst v1;
	v1 =	vperm.xlane v0, v3  }
0x98: {  	[tilespmem:s7+$0xFFFFFFF0] =	vst v2;
	v2 =	vperm.xlane v0, v5  }
0x99: {  	[tilespmem:s9+$0x70] =	vst v1  }
0x9a: {  	[tilespmem:s9+$0xFFFFFFF0] =	vst v2  }
0x9b: {  	s1 =	rddreg [dreg:$0x9]  }
0x9c: {  	[hbm4b:s1+s4] =	stream.linear.scatter [tilespmem:s28], [sflag:$0x3], $0x6400, $0x38;
	[tilespmem:$0x19180] =	vst v63  }
0x9d: {  	s14 =	rddreg [dreg:$0xa]  }
0x9e: {  	[tilespmem:s24], [sflag:$0x1] =	stream.linear.gather [hbm4b:s14+s4], $0x6400, $0x38;
	[tilespmem:$0x19180] =	vst v63  }
0x9f: {  	_ =	swait.ge [sflag:s29], $0x6400  }
0xa0: {  	[sflag:s29] =	ssyncset.done $0x0  }
0xa1: {  	s15 =	simm.s32 $0x6600;
	[sflag:s29] =	ssyncadd.s32 $0xFFFF9C00  }
0xa2: {  	v1 =	vld [tilespmem:s15+$0x0];
	_ =	sdelay $0x3  }
0xa3: {  	v2 =	vld [tilespmem:s15+$0xFFFFFF80]  }
0xa4: {  	v1 =	vperm.xlane v0, v1  }
0xa5: {  	s1 =	simm.s32 $0x12E00  }
0xa6: {  	[tilespmem:s1+$0x0] =	vst v1  }
0xa7: {  	v1 =	vld [tilespmem:s15+$0x10]  }
0xa8: {  	v2 =	vperm.xlane v0, v2;
	_ =	sdelay $0x1  }
0xa9: {  	[tilespmem:s1+$0xFFFFFF80] =	vst v2  }
0xaa: {  	v2 =	vld [tilespmem:s15+$0xFFFFFF90]  }
0xab: {  	v1 =	vperm.xlane v0, v1  }
0xac: {  	s5 =	simm.s32 $0x6700  }
0xad: {  	[tilespmem:s1+$0x10] =	vst v1;
	v1 =	vld [tilespmem:s5+$0x0]  }
0xae: {  	v3 =	vld [tilespmem:s15+$0x20]  }
0xaf: {  	v2 =	vperm.xlane v0, v2;
	_ =	sdelay $0x1  }
0xb0: {  	[tilespmem:s1+$0xFFFFFF90] =	vst v2;
	v2 =	vld [tilespmem:s5+$0xFFFFFF80]  }
0xb1: {  	v4 =	vld [tilespmem:s15+$0xFFFFFFA0];
	v1 =	vperm.xlane v0, v1  }
0xb2: {  	s2 =	simm.s32 $0x12F00;
	v3 =	vperm.xlane v0, v3  }
0xb3: {  	[tilespmem:s2+$0x0] =	vst v1  }
0xb4: {  	v1 =	vld [tilespmem:s5+$0x10];
	[tilespmem:s1+$0x20] =	vst v3  }
0xb5: {  	v2 =	vperm.xlane v0, v2;
	v3 =	vld [tilespmem:s15+$0x30]  }
0xb6: {  	v4 =	vperm.xlane v0, v4  }
0xb7: {  	[tilespmem:s2+$0xFFFFFF80] =	vst v2  }
0xb8: {  	v2 =	vld [tilespmem:s5+$0xFFFFFF90];
	[tilespmem:s1+$0xFFFFFFA0] =	vst v4  }
0xb9: {  	v4 =	vld [tilespmem:s15+$0xFFFFFFB0];
	v1 =	vperm.xlane v0, v1  }
0xba: {  	s6 =	simm.s32 $0x6800;
	v3 =	vperm.xlane v0, v3  }
0xbb: {  	[tilespmem:s2+$0x10] =	vst v1;
	v1 =	vld [tilespmem:s6+$0x0]  }
0xbc: {  	[tilespmem:s1+$0x30] =	vst v3;
	v3 =	vld [tilespmem:s5+$0x20]  }
0xbd: {  	v2 =	vperm.xlane v0, v2;
	v5 =	vld [tilespmem:s15+$0x40]  }
0xbe: {  	v4 =	vperm.xlane v0, v4  }
0xbf: {  	[tilespmem:s2+$0xFFFFFF90] =	vst v2;
	v2 =	vld [tilespmem:s6+$0xFFFFFF80]  }
0xc0: {  	[tilespmem:s1+$0xFFFFFFB0] =	vst v4;
	v4 =	vld [tilespmem:s5+$0xFFFFFFA0];
	v1 =	vperm.xlane v0, v1  }
0xc1: {  	s7 =	simm.s32 $0x13000;
	v6 =	vld [tilespmem:s15+$0xFFFFFFC0];
	v3 =	vperm.xlane v0, v3  }
0xc2: {  	[tilespmem:s7+$0x0] =	vst v1;
	v1 =	vperm.xlane v0, v5  }
0xc3: {  	v5 =	vld [tilespmem:s6+$0x10];
	[tilespmem:s2+$0x20] =	vst v3  }
0xc4: {  	v2 =	vperm.xlane v0, v2;
	v3 =	vld [tilespmem:s5+$0x30];
	[tilespmem:s1+$0x40] =	vst v1  }
0xc5: {  	v1 =	vperm.xlane v0, v4;
	v4 =	vld [tilespmem:s15+$0x50]  }
0xc6: {  	[tilespmem:s7+$0xFFFFFF80] =	vst v2;
	v2 =	vperm.xlane v0, v6  }
0xc7: {  	v6 =	vld [tilespmem:s6+$0xFFFFFF90];
	[tilespmem:s2+$0xFFFFFFA0] =	vst v1  }
0xc8: {  	[tilespmem:s1+$0xFFFFFFC0] =	vst v2;
	v1 =	vperm.xlane v0, v5;
	v5 =	vld [tilespmem:s5+$0xFFFFFFB0]  }
0xc9: {  	s8 =	simm.s32 $0x6900;
	v2 =	vperm.xlane v0, v3;
	v3 =	vld [tilespmem:s15+$0xFFFFFFD0]  }
0xca: {  	[tilespmem:s7+$0x10] =	vst v1;
	v1 =	vperm.xlane v0, v4;
	v4 =	vld [tilespmem:s8+$0x0]  }
0xcb: {  	[tilespmem:s2+$0x30] =	vst v2;
	v2 =	vld [tilespmem:s6+$0x20]  }
0xcc: {  	v6 =	vperm.xlane v0, v6;
	[tilespmem:s1+$0x50] =	vst v1;
	v1 =	vld [tilespmem:s5+$0x40]  }
0xcd: {  	v5 =	vperm.xlane v0, v5;
	v7 =	vld [tilespmem:s15+$0x60]  }
0xce: {  	[tilespmem:s7+$0xFFFFFF90] =	vst v6;
	v6 =	vld [tilespmem:s8+$0xFFFFFF80];
	v3 =	vperm.xlane v0, v3  }
0xcf: {  	[tilespmem:s2+$0xFFFFFFB0] =	vst v5;
	v4 =	vperm.xlane v0, v4;
	v5 =	vld [tilespmem:s6+$0xFFFFFFA0]  }
0xd0: {  	s10 =	simm.s32 $0x13100;
	[tilespmem:s1+$0xFFFFFFD0] =	vst v3;
	v2 =	vperm.xlane v0, v2;
	v3 =	vld [tilespmem:s5+$0xFFFFFFC0]  }
0xd1: {  	[tilespmem:s10+$0x0] =	vst v4;
	v1 =	vperm.xlane v0, v1;
	v4 =	vld [tilespmem:s15+$0xFFFFFFE0]  }
0xd2: {  	v8 =	vld [tilespmem:s8+$0x10];
	[tilespmem:s7+$0x20] =	vst v2;
	v2 =	vperm.xlane v0, v7  }
0xd3: {  	v6 =	vperm.xlane v0, v6;
	v7 =	vld [tilespmem:s6+$0x30];
	[tilespmem:s2+$0x40] =	vst v1  }
0xd4: {  	v5 =	vperm.xlane v0, v5;
	v9 =	vld [tilespmem:s5+$0x50];
	[tilespmem:s1+$0x60] =	vst v2  }
0xd5: {  	[tilespmem:s10+$0xFFFFFF80] =	vst v6;
	v2 =	vperm.xlane v0, v3;
	v1 =	vld [tilespmem:s15+$0x70]  }
0xd6: {  	v6 =	vld [tilespmem:s8+$0xFFFFFF90];
	[tilespmem:s7+$0xFFFFFFA0] =	vst v5;
	v4 =	vperm.xlane v0, v4  }
0xd7: {  	v8 =	vperm.xlane v0, v8;
	v5 =	vld [tilespmem:s6+$0xFFFFFFB0];
	[tilespmem:s2+$0xFFFFFFC0] =	vst v2  }
0xd8: {  	v3 =	vld [tilespmem:s5+$0xFFFFFFD0];
	[tilespmem:s1+$0xFFFFFFE0] =	vst v4;
	v7 =	vperm.xlane v0, v7  }
0xd9: {  	s11 =	simm.s32 $0x300;
	s12 =	simm.s32 $0x6A00;
	s9 =	simm.s32 $0x13100;
	[tilespmem:s10+$0x10] =	vst v8;
	v4 =	vperm.xlane v0, v9;
	v2 =	vld [tilespmem:s15+$0xFFFFFFF0]  }
.LBB2_4:
0xda: {  	v8 =	vld [tilespmem:s12+$0x0];
	[tilespmem:s7+$0x30] =	vst v7;
	v1 =	vperm.xlane v0, v1;
	s13 =	smov.u32 s8;
	s8 =	smov.u32 s12  }
0xdb: {  	v6 =	vperm.xlane v0, v6;
	v7 =	vld [tilespmem:s13+$0x20];
	[tilespmem:s2+$0x50] =	vst v4  }
0xdc: {  	v4 =	vperm.xlane v0, v5;
	v5 =	vld [tilespmem:s6+$0x40];
	[tilespmem:s1+$0x70] =	vst v1  }
0xdd: {  	s11 =	sadd.s32 $0x100, s11;
	[tilespmem:s10+$0xFFFFFF90] =	vst v6;
	v1 =	vperm.xlane v0, v3;
	v3 =	vld [tilespmem:s5+$0x60]  }
0xde: {  	p0 =	slt.u32 s11, $0x6300;
	v6 =	vld [tilespmem:s12+$0xFFFFFF80];
	[tilespmem:s7+$0xFFFFFFB0] =	vst v4;
	v2 =	vperm.xlane v0, v2  }
0xdf: {  	v4 =	vperm.xlane v0, v8;
	v8 =	vld [tilespmem:s13+$0xFFFFFFA0];
	[tilespmem:s2+$0xFFFFFFD0] =	vst v1  }
0xe0: {  	s10 =	sadd.s32 $0x100, s10;
	v1 =	vperm.xlane v0, v7;
	v7 =	vld [tilespmem:s6+$0xFFFFFFC0];
	[tilespmem:s1+$0xFFFFFFF0] =	vst v2;
	s1 =	smov.u32 s2;
	s2 =	smov.u32 s7  }
0xe1: {  	s7 =	smov.u32 s9;
	s9 =	smov.u32 s10;
	[tilespmem:s10+$0x0] =	vst v4;
	v2 =	vperm.xlane v0, v5;
	v4 =	vld [tilespmem:s5+$0xFFFFFFE0]  }
0xe2: {  	v5 =	vld [tilespmem:s12+$0x10];
	[tilespmem:s7+$0x20] =	vst v1;
	v1 =	vperm.xlane v0, v3  }
0xe3: {  	v3 =	vperm.xlane v0, v6;
	v9 =	vld [tilespmem:s13+$0x30];
	[tilespmem:s2+$0x40] =	vst v2  }
0xe4: {  	v2 =	vperm.xlane v0, v8;
	v8 =	vld [tilespmem:s6+$0x50];
	[tilespmem:s1+$0x60] =	vst v1  }
.Ltmp1:
0xe5: {  	[tilespmem:s10+$0xFFFFFF80] =	vst v3;
	v3 =	vperm.xlane v0, v7;
	v1 =	vld [tilespmem:s5+$0x70];
	(pc) =	sbr.rel @p0 .LBB2_4-.Ltmp1, $4  }
0xe6: {  	v6 =	vld [tilespmem:s12+$0xFFFFFF90];
	[tilespmem:s7+$0xFFFFFFA0] =	vst v2;
	v2 =	vperm.xlane v0, v4  }
0xe7: {  	v4 =	vperm.xlane v0, v5;
	v5 =	vld [tilespmem:s13+$0xFFFFFFB0];
	[tilespmem:s2+$0xFFFFFFC0] =	vst v3  }
0xe8: {  	v7 =	vperm.xlane v0, v9;
	v3 =	vld [tilespmem:s6+$0xFFFFFFD0];
	[tilespmem:s1+$0xFFFFFFE0] =	vst v2  }
0xe9: {  	s12 =	sadd.s32 $0x100, s12;
	[tilespmem:s10+$0x10] =	vst v4;
	v4 =	vperm.xlane v0, v8;
	v2 =	vld [tilespmem:s5+$0xFFFFFFF0];
	s5 =	smov.u32 s6;
	s6 =	smov.u32 s13  }
0xea: {  	_ = 	snop  }
0xeb: {  	v6 =	vperm.xlane v0, v6;
	_ =	sdelay $0x1  }
0xec: {  	v8 =	vld [tilespmem:s8+$0x20];
	[tilespmem:s10+$0xFFFFFF90] =	vst v6  }
0xed: {  	v6 =	vld [tilespmem:s8+$0xFFFFFFA0];
	_ =	sdelay $0x3  }
0xee: {  	v8 =	vperm.xlane v0, v8  }
0xef: {  	v6 =	vperm.xlane v0, v6  }
0xf0: {  	[tilespmem:s9+$0x20] =	vst v8  }
0xf1: {  	v8 =	vld [tilespmem:s8+$0x30];
	[tilespmem:s9+$0xFFFFFFA0] =	vst v6  }
0xf2: {  	v6 =	vld [tilespmem:s8+$0xFFFFFFB0];
	_ =	sdelay $0x2  }
0xf3: {  	v5 =	vperm.xlane v0, v5  }
0xf4: {  	[tilespmem:s7+$0x30] =	vst v7;
	v7 =	vperm.xlane v0, v8  }
0xf5: {  	[tilespmem:s7+$0xFFFFFFB0] =	vst v5;
	v8 =	vld [tilespmem:s6+$0x40];
	v5 =	vperm.xlane v0, v6  }
0xf6: {  	[tilespmem:s9+$0x30] =	vst v7;
	v6 =	vld [tilespmem:s6+$0xFFFFFFC0]  }
0xf7: {  	v7 =	vld [tilespmem:s8+$0x40];
	[tilespmem:s9+$0xFFFFFFB0] =	vst v5  }
0xf8: {  	v5 =	vld [tilespmem:s8+$0xFFFFFFC0];
	_ =	sdelay $0x1  }
0xf9: {  	v8 =	vperm.xlane v0, v8  }
0xfa: {  	v6 =	vperm.xlane v0, v6  }
0xfb: {  	[tilespmem:s7+$0x40] =	vst v8;
	v7 =	vperm.xlane v0, v7  }
0xfc: {  	v8 =	vld [tilespmem:s6+$0x50];
	[tilespmem:s7+$0xFFFFFFC0] =	vst v6;
	v5 =	vperm.xlane v0, v5  }
0xfd: {  	[tilespmem:s9+$0x40] =	vst v7;
	v6 =	vld [tilespmem:s6+$0xFFFFFFD0]  }
0xfe: {  	v7 =	vld [tilespmem:s8+$0x50];
	[tilespmem:s9+$0xFFFFFFC0] =	vst v5  }
0xff: {  	v5 =	vld [tilespmem:s8+$0xFFFFFFD0]  }
0x100: {  	v3 =	vperm.xlane v0, v3  }
0x101: {  	[tilespmem:s2+$0x50] =	vst v4;
	v4 =	vperm.xlane v0, v8  }
0x102: {  	[tilespmem:s2+$0xFFFFFFD0] =	vst v3;
	v8 =	vld [tilespmem:s5+$0x60];
	v3 =	vperm.xlane v0, v6  }
0x103: {  	[tilespmem:s7+$0x50] =	vst v4;
	v4 =	vperm.xlane v0, v7;
	v6 =	vld [tilespmem:s5+$0xFFFFFFE0]  }
0x104: {  	v7 =	vld [tilespmem:s6+$0x60];
	[tilespmem:s7+$0xFFFFFFD0] =	vst v3;
	v3 =	vperm.xlane v0, v5  }
0x105: {  	[tilespmem:s9+$0x50] =	vst v4;
	v5 =	vld [tilespmem:s6+$0xFFFFFFE0]  }
0x106: {  	v4 =	vld [tilespmem:s8+$0x60];
	[tilespmem:s9+$0xFFFFFFD0] =	vst v3  }
0x107: {  	v3 =	vperm.xlane v0, v8;
	v8 =	vld [tilespmem:s8+$0xFFFFFFE0]  }
0x108: {  	v6 =	vperm.xlane v0, v6  }
0x109: {  	[tilespmem:s2+$0x60] =	vst v3;
	v3 =	vperm.xlane v0, v7  }
0x10a: {  	[tilespmem:s2+$0xFFFFFFE0] =	vst v6;
	v7 =	vld [tilespmem:s5+$0x70];
	v5 =	vperm.xlane v0, v5  }
0x10b: {  	v6 =	vld [tilespmem:s5+$0xFFFFFFF0];
	[tilespmem:s7+$0x60] =	vst v3;
	v3 =	vperm.xlane v0, v4  }
0x10c: {  	v4 =	vld [tilespmem:s6+$0x70];
	[tilespmem:s7+$0xFFFFFFE0] =	vst v5;
	v5 =	vperm.xlane v0, v8  }
0x10d: {  	v1 =	vperm.xlane v0, v1;
	v8 =	vld [tilespmem:s6+$0xFFFFFFF0];
	[tilespmem:s9+$0x60] =	vst v3  }
0x10e: {  	v2 =	vperm.xlane v0, v2;
	v3 =	vld [tilespmem:s8+$0x70];
	[tilespmem:s9+$0xFFFFFFE0] =	vst v5  }
0x10f: {  	[tilespmem:s1+$0x70] =	vst v1;
	v1 =	vperm.xlane v0, v7;
	v5 =	vld [tilespmem:s8+$0xFFFFFFF0]  }
0x110: {  	[tilespmem:s1+$0xFFFFFFF0] =	vst v2;
	v2 =	vperm.xlane v0, v6  }
0x111: {  	[tilespmem:s2+$0x70] =	vst v1;
	v1 =	vperm.xlane v0, v4  }
0x112: {  	[tilespmem:s2+$0xFFFFFFF0] =	vst v2;
	v2 =	vperm.xlane v0, v8  }
0x113: {  	[tilespmem:s7+$0x70] =	vst v1;
	v1 =	vperm.xlane v0, v3  }
0x114: {  	[tilespmem:s7+$0xFFFFFFF0] =	vst v2;
	v2 =	vperm.xlane v0, v5  }
0x115: {  	[tilespmem:s9+$0x70] =	vst v1  }
0x116: {  	[tilespmem:s9+$0xFFFFFFF0] =	vst v2  }
0x117: {  	s1 =	rddreg [dreg:$0xb]  }
0x118: {  	[hbm4b:s1+s4] =	stream.linear.scatter [tilespmem:s30], [sflag:$0x4], $0x6400, $0x38;
	[tilespmem:$0x19180] =	vst v63  }
0x119: {  	s14 =	rddreg [dreg:$0xc]  }
0x11a: {  	[tilespmem:s25], [sflag:$0x2] =	stream.linear.gather [hbm4b:s14+s4], $0x6400, $0x38;
	[tilespmem:$0x19180] =	vst v63  }
0x11b: {  	_ =	swait.ge [sflag:s26], $0x6400  }
0x11c: {  	[sflag:s26] =	ssyncset.done $0x0  }
0x11d: {  	[sflag:s26] =	ssyncadd.s32 $0xFFFF9C00  }
0x11e: {  	_ =	swait.ge [sflag:s31], $0x6400  }
0x11f: {  	[sflag:s31] =	ssyncset.done $0x0  }
0x120: {  	s15 =	simm.s32 $0x200;
	[sflag:s31] =	ssyncadd.s32 $0xFFFF9C00  }
0x121: {  	v1 =	vld [tilespmem:s15+$0x0];
	_ =	sdelay $0x3  }
0x122: {  	v2 =	vld [tilespmem:s15+$0xFFFFFF80]  }
0x123: {  	v1 =	vperm.xlane v0, v1  }
0x124: {  	s1 =	simm.s32 $0xCA00  }
0x125: {  	[tilespmem:s1+$0x0] =	vst v1  }
0x126: {  	v1 =	vld [tilespmem:s15+$0x10]  }
0x127: {  	v2 =	vperm.xlane v0, v2;
	_ =	sdelay $0x1  }
0x128: {  	[tilespmem:s1+$0xFFFFFF80] =	vst v2  }
0x129: {  	v2 =	vld [tilespmem:s15+$0xFFFFFF90]  }
0x12a: {  	v1 =	vperm.xlane v0, v1  }
0x12b: {  	s5 =	simm.s32 $0x300  }
0x12c: {  	[tilespmem:s1+$0x10] =	vst v1;
	v1 =	vld [tilespmem:s5+$0x0]  }
0x12d: {  	v3 =	vld [tilespmem:s15+$0x20]  }
0x12e: {  	v2 =	vperm.xlane v0, v2;
	_ =	sdelay $0x1  }
0x12f: {  	[tilespmem:s1+$0xFFFFFF90] =	vst v2;
	v2 =	vld [tilespmem:s5+$0xFFFFFF80]  }
0x130: {  	v4 =	vld [tilespmem:s15+$0xFFFFFFA0];
	v1 =	vperm.xlane v0, v1  }
0x131: {  	s2 =	simm.s32 $0xCB00;
	v3 =	vperm.xlane v0, v3  }
0x132: {  	[tilespmem:s2+$0x0] =	vst v1  }
0x133: {  	v1 =	vld [tilespmem:s5+$0x10];
	[tilespmem:s1+$0x20] =	vst v3  }
0x134: {  	v2 =	vperm.xlane v0, v2;
	v3 =	vld [tilespmem:s15+$0x30]  }
0x135: {  	v4 =	vperm.xlane v0, v4  }
0x136: {  	[tilespmem:s2+$0xFFFFFF80] =	vst v2  }
0x137: {  	v2 =	vld [tilespmem:s5+$0xFFFFFF90];
	[tilespmem:s1+$0xFFFFFFA0] =	vst v4  }
0x138: {  	v4 =	vld [tilespmem:s15+$0xFFFFFFB0];
	v1 =	vperm.xlane v0, v1  }
0x139: {  	s6 =	simm.s32 $0x400;
	v3 =	vperm.xlane v0, v3  }
0x13a: {  	[tilespmem:s2+$0x10] =	vst v1;
	v1 =	vld [tilespmem:s6+$0x0]  }
0x13b: {  	[tilespmem:s1+$0x30] =	vst v3;
	v3 =	vld [tilespmem:s5+$0x20]  }
0x13c: {  	v2 =	vperm.xlane v0, v2;
	v5 =	vld [tilespmem:s15+$0x40]  }
0x13d: {  	v4 =	vperm.xlane v0, v4  }
0x13e: {  	[tilespmem:s2+$0xFFFFFF90] =	vst v2;
	v2 =	vld [tilespmem:s6+$0xFFFFFF80]  }
0x13f: {  	[tilespmem:s1+$0xFFFFFFB0] =	vst v4;
	v4 =	vld [tilespmem:s5+$0xFFFFFFA0];
	v1 =	vperm.xlane v0, v1  }
0x140: {  	s7 =	simm.s32 $0xCC00;
	v6 =	vld [tilespmem:s15+$0xFFFFFFC0];
	v3 =	vperm.xlane v0, v3  }
0x141: {  	[tilespmem:s7+$0x0] =	vst v1;
	v1 =	vperm.xlane v0, v5  }
0x142: {  	v5 =	vld [tilespmem:s6+$0x10];
	[tilespmem:s2+$0x20] =	vst v3  }
0x143: {  	v2 =	vperm.xlane v0, v2;
	v3 =	vld [tilespmem:s5+$0x30];
	[tilespmem:s1+$0x40] =	vst v1  }
0x144: {  	v1 =	vperm.xlane v0, v4;
	v4 =	vld [tilespmem:s15+$0x50]  }
0x145: {  	[tilespmem:s7+$0xFFFFFF80] =	vst v2;
	v2 =	vperm.xlane v0, v6  }
0x146: {  	v6 =	vld [tilespmem:s6+$0xFFFFFF90];
	[tilespmem:s2+$0xFFFFFFA0] =	vst v1  }
0x147: {  	[tilespmem:s1+$0xFFFFFFC0] =	vst v2;
	v1 =	vperm.xlane v0, v5;
	v5 =	vld [tilespmem:s5+$0xFFFFFFB0]  }
0x148: {  	s8 =	simm.s32 $0x500;
	v2 =	vperm.xlane v0, v3;
	v3 =	vld [tilespmem:s15+$0xFFFFFFD0]  }
0x149: {  	[tilespmem:s7+$0x10] =	vst v1;
	v1 =	vperm.xlane v0, v4;
	v4 =	vld [tilespmem:s8+$0x0]  }
0x14a: {  	[tilespmem:s2+$0x30] =	vst v2;
	v2 =	vld [tilespmem:s6+$0x20]  }
0x14b: {  	v6 =	vperm.xlane v0, v6;
	[tilespmem:s1+$0x50] =	vst v1;
	v1 =	vld [tilespmem:s5+$0x40]  }
0x14c: {  	v5 =	vperm.xlane v0, v5;
	v7 =	vld [tilespmem:s15+$0x60]  }
0x14d: {  	[tilespmem:s7+$0xFFFFFF90] =	vst v6;
	v6 =	vld [tilespmem:s8+$0xFFFFFF80];
	v3 =	vperm.xlane v0, v3  }
0x14e: {  	[tilespmem:s2+$0xFFFFFFB0] =	vst v5;
	v4 =	vperm.xlane v0, v4;
	v5 =	vld [tilespmem:s6+$0xFFFFFFA0]  }
0x14f: {  	s10 =	simm.s32 $0xCD00;
	[tilespmem:s1+$0xFFFFFFD0] =	vst v3;
	v2 =	vperm.xlane v0, v2;
	v3 =	vld [tilespmem:s5+$0xFFFFFFC0]  }
0x150: {  	[tilespmem:s10+$0x0] =	vst v4;
	v1 =	vperm.xlane v0, v1;
	v4 =	vld [tilespmem:s15+$0xFFFFFFE0]  }
0x151: {  	v8 =	vld [tilespmem:s8+$0x10];
	[tilespmem:s7+$0x20] =	vst v2;
	v2 =	vperm.xlane v0, v7  }
0x152: {  	v6 =	vperm.xlane v0, v6;
	v7 =	vld [tilespmem:s6+$0x30];
	[tilespmem:s2+$0x40] =	vst v1  }
0x153: {  	v5 =	vperm.xlane v0, v5;
	v9 =	vld [tilespmem:s5+$0x50];
	[tilespmem:s1+$0x60] =	vst v2  }
0x154: {  	[tilespmem:s10+$0xFFFFFF80] =	vst v6;
	v2 =	vperm.xlane v0, v3;
	v1 =	vld [tilespmem:s15+$0x70]  }
0x155: {  	v6 =	vld [tilespmem:s8+$0xFFFFFF90];
	[tilespmem:s7+$0xFFFFFFA0] =	vst v5;
	v4 =	vperm.xlane v0, v4  }
0x156: {  	v8 =	vperm.xlane v0, v8;
	v5 =	vld [tilespmem:s6+$0xFFFFFFB0];
	[tilespmem:s2+$0xFFFFFFC0] =	vst v2  }
0x157: {  	v3 =	vld [tilespmem:s5+$0xFFFFFFD0];
	[tilespmem:s1+$0xFFFFFFE0] =	vst v4;
	v7 =	vperm.xlane v0, v7  }
0x158: {  	s11 =	simm.s32 $0x300;
	s12 =	simm.s32 $0x600;
	s9 =	simm.s32 $0xCD00;
	[tilespmem:s10+$0x10] =	vst v8;
	v4 =	vperm.xlane v0, v9;
	v2 =	vld [tilespmem:s15+$0xFFFFFFF0]  }
.LBB2_6:
0x159: {  	v8 =	vld [tilespmem:s12+$0x0];
	[tilespmem:s7+$0x30] =	vst v7;
	v1 =	vperm.xlane v0, v1;
	s13 =	smov.u32 s8;
	s8 =	smov.u32 s12  }
0x15a: {  	v6 =	vperm.xlane v0, v6;
	v7 =	vld [tilespmem:s13+$0x20];
	[tilespmem:s2+$0x50] =	vst v4  }
0x15b: {  	v4 =	vperm.xlane v0, v5;
	v5 =	vld [tilespmem:s6+$0x40];
	[tilespmem:s1+$0x70] =	vst v1  }
0x15c: {  	s11 =	sadd.s32 $0x100, s11;
	[tilespmem:s10+$0xFFFFFF90] =	vst v6;
	v1 =	vperm.xlane v0, v3;
	v3 =	vld [tilespmem:s5+$0x60]  }
0x15d: {  	p0 =	slt.u32 s11, $0x6300;
	v6 =	vld [tilespmem:s12+$0xFFFFFF80];
	[tilespmem:s7+$0xFFFFFFB0] =	vst v4;
	v2 =	vperm.xlane v0, v2  }
0x15e: {  	v4 =	vperm.xlane v0, v8;
	v8 =	vld [tilespmem:s13+$0xFFFFFFA0];
	[tilespmem:s2+$0xFFFFFFD0] =	vst v1  }
0x15f: {  	s10 =	sadd.s32 $0x100, s10;
	v1 =	vperm.xlane v0, v7;
	v7 =	vld [tilespmem:s6+$0xFFFFFFC0];
	[tilespmem:s1+$0xFFFFFFF0] =	vst v2;
	s1 =	smov.u32 s2;
	s2 =	smov.u32 s7  }
0x160: {  	s7 =	smov.u32 s9;
	s9 =	smov.u32 s10;
	[tilespmem:s10+$0x0] =	vst v4;
	v2 =	vperm.xlane v0, v5;
	v4 =	vld [tilespmem:s5+$0xFFFFFFE0]  }
0x161: {  	v5 =	vld [tilespmem:s12+$0x10];
	[tilespmem:s7+$0x20] =	vst v1;
	v1 =	vperm.xlane v0, v3  }
0x162: {  	v3 =	vperm.xlane v0, v6;
	v9 =	vld [tilespmem:s13+$0x30];
	[tilespmem:s2+$0x40] =	vst v2  }
0x163: {  	v2 =	vperm.xlane v0, v8;
	v8 =	vld [tilespmem:s6+$0x50];
	[tilespmem:s1+$0x60] =	vst v1  }
.Ltmp2:
0x164: {  	[tilespmem:s10+$0xFFFFFF80] =	vst v3;
	v3 =	vperm.xlane v0, v7;
	v1 =	vld [tilespmem:s5+$0x70];
	(pc) =	sbr.rel @p0 .LBB2_6-.Ltmp2, $4  }
0x165: {  	v6 =	vld [tilespmem:s12+$0xFFFFFF90];
	[tilespmem:s7+$0xFFFFFFA0] =	vst v2;
	v2 =	vperm.xlane v0, v4  }
0x166: {  	v4 =	vperm.xlane v0, v5;
	v5 =	vld [tilespmem:s13+$0xFFFFFFB0];
	[tilespmem:s2+$0xFFFFFFC0] =	vst v3  }
0x167: {  	v7 =	vperm.xlane v0, v9;
	v3 =	vld [tilespmem:s6+$0xFFFFFFD0];
	[tilespmem:s1+$0xFFFFFFE0] =	vst v2  }
0x168: {  	s12 =	sadd.s32 $0x100, s12;
	[tilespmem:s10+$0x10] =	vst v4;
	v4 =	vperm.xlane v0, v8;
	v2 =	vld [tilespmem:s5+$0xFFFFFFF0];
	s5 =	smov.u32 s6;
	s6 =	smov.u32 s13  }
0x169: {  	_ = 	snop  }
0x16a: {  	v6 =	vperm.xlane v0, v6;
	_ =	sdelay $0x1  }
0x16b: {  	v8 =	vld [tilespmem:s8+$0x20];
	[tilespmem:s10+$0xFFFFFF90] =	vst v6  }
0x16c: {  	v6 =	vld [tilespmem:s8+$0xFFFFFFA0];
	_ =	sdelay $0x3  }
0x16d: {  	v8 =	vperm.xlane v0, v8  }
0x16e: {  	v6 =	vperm.xlane v0, v6  }
0x16f: {  	[tilespmem:s9+$0x20] =	vst v8  }
0x170: {  	v8 =	vld [tilespmem:s8+$0x30];
	[tilespmem:s9+$0xFFFFFFA0] =	vst v6  }
0x171: {  	v6 =	vld [tilespmem:s8+$0xFFFFFFB0];
	_ =	sdelay $0x2  }
0x172: {  	v5 =	vperm.xlane v0, v5  }
0x173: {  	[tilespmem:s7+$0x30] =	vst v7;
	v7 =	vperm.xlane v0, v8  }
0x174: {  	[tilespmem:s7+$0xFFFFFFB0] =	vst v5;
	v8 =	vld [tilespmem:s6+$0x40];
	v5 =	vperm.xlane v0, v6  }
0x175: {  	[tilespmem:s9+$0x30] =	vst v7;
	v6 =	vld [tilespmem:s6+$0xFFFFFFC0]  }
0x176: {  	v7 =	vld [tilespmem:s8+$0x40];
	[tilespmem:s9+$0xFFFFFFB0] =	vst v5  }
0x177: {  	v5 =	vld [tilespmem:s8+$0xFFFFFFC0];
	_ =	sdelay $0x1  }
0x178: {  	v8 =	vperm.xlane v0, v8  }
0x179: {  	v6 =	vperm.xlane v0, v6  }
0x17a: {  	[tilespmem:s7+$0x40] =	vst v8;
	v7 =	vperm.xlane v0, v7  }
0x17b: {  	v8 =	vld [tilespmem:s6+$0x50];
	[tilespmem:s7+$0xFFFFFFC0] =	vst v6;
	v5 =	vperm.xlane v0, v5  }
0x17c: {  	[tilespmem:s9+$0x40] =	vst v7;
	v6 =	vld [tilespmem:s6+$0xFFFFFFD0]  }
0x17d: {  	v7 =	vld [tilespmem:s8+$0x50];
	[tilespmem:s9+$0xFFFFFFC0] =	vst v5  }
0x17e: {  	v5 =	vld [tilespmem:s8+$0xFFFFFFD0]  }
0x17f: {  	v3 =	vperm.xlane v0, v3  }
0x180: {  	[tilespmem:s2+$0x50] =	vst v4;
	v4 =	vperm.xlane v0, v8  }
0x181: {  	[tilespmem:s2+$0xFFFFFFD0] =	vst v3;
	v8 =	vld [tilespmem:s5+$0x60];
	v3 =	vperm.xlane v0, v6  }
0x182: {  	[tilespmem:s7+$0x50] =	vst v4;
	v4 =	vperm.xlane v0, v7;
	v6 =	vld [tilespmem:s5+$0xFFFFFFE0]  }
0x183: {  	v7 =	vld [tilespmem:s6+$0x60];
	[tilespmem:s7+$0xFFFFFFD0] =	vst v3;
	v3 =	vperm.xlane v0, v5  }
0x184: {  	[tilespmem:s9+$0x50] =	vst v4;
	v5 =	vld [tilespmem:s6+$0xFFFFFFE0]  }
0x185: {  	v4 =	vld [tilespmem:s8+$0x60];
	[tilespmem:s9+$0xFFFFFFD0] =	vst v3  }
0x186: {  	v3 =	vperm.xlane v0, v8;
	v8 =	vld [tilespmem:s8+$0xFFFFFFE0]  }
0x187: {  	v6 =	vperm.xlane v0, v6  }
0x188: {  	[tilespmem:s2+$0x60] =	vst v3;
	v3 =	vperm.xlane v0, v7  }
0x189: {  	[tilespmem:s2+$0xFFFFFFE0] =	vst v6;
	v7 =	vld [tilespmem:s5+$0x70];
	v5 =	vperm.xlane v0, v5  }
0x18a: {  	v6 =	vld [tilespmem:s5+$0xFFFFFFF0];
	[tilespmem:s7+$0x60] =	vst v3;
	v3 =	vperm.xlane v0, v4  }
0x18b: {  	v4 =	vld [tilespmem:s6+$0x70];
	[tilespmem:s7+$0xFFFFFFE0] =	vst v5;
	v5 =	vperm.xlane v0, v8  }
0x18c: {  	v1 =	vperm.xlane v0, v1;
	v8 =	vld [tilespmem:s6+$0xFFFFFFF0];
	[tilespmem:s9+$0x60] =	vst v3  }
0x18d: {  	v2 =	vperm.xlane v0, v2;
	v3 =	vld [tilespmem:s8+$0x70];
	[tilespmem:s9+$0xFFFFFFE0] =	vst v5  }
0x18e: {  	[tilespmem:s1+$0x70] =	vst v1;
	v1 =	vperm.xlane v0, v7;
	v5 =	vld [tilespmem:s8+$0xFFFFFFF0]  }
0x18f: {  	[tilespmem:s1+$0xFFFFFFF0] =	vst v2;
	v2 =	vperm.xlane v0, v6  }
0x190: {  	[tilespmem:s2+$0x70] =	vst v1;
	v1 =	vperm.xlane v0, v4  }
0x191: {  	[tilespmem:s2+$0xFFFFFFF0] =	vst v2;
	v2 =	vperm.xlane v0, v8  }
0x192: {  	[tilespmem:s7+$0x70] =	vst v1;
	v1 =	vperm.xlane v0, v3  }
0x193: {  	[tilespmem:s7+$0xFFFFFFF0] =	vst v2;
	v2 =	vperm.xlane v0, v5  }
0x194: {  	[tilespmem:s9+$0x70] =	vst v1  }
0x195: {  	[tilespmem:s9+$0xFFFFFFF0] =	vst v2  }
0x196: {  	s1 =	rddreg [dreg:$0xd]  }
0x197: {  	[hbm4b:s1+s4] =	stream.linear.scatter [tilespmem:s28], [sflag:$0x3], $0x6400, $0x38;
	[tilespmem:$0x19180] =	vst v63  }
0x198: {  	_ =	swait.ge [sflag:s29], $0x6400  }
0x199: {  	[sflag:s29] =	ssyncset.done $0x0  }
0x19a: {  	[sflag:s29] =	ssyncadd.s32 $0xFFFF9C00  }
0x19b: {  	_ =	swait.ge [sflag:s3], $0x6400  }
0x19c: {  	[sflag:s3] =	ssyncset.done $0x0  }
0x19d: {  	s15 =	simm.s32 $0x6600;
	[sflag:s3] =	ssyncadd.s32 $0xFFFF9C00  }
0x19e: {  	v1 =	vld [tilespmem:s15+$0x0];
	_ =	sdelay $0x3  }
0x19f: {  	v2 =	vld [tilespmem:s15+$0xFFFFFF80]  }
0x1a0: {  	v1 =	vperm.xlane v0, v1  }
0x1a1: {  	s1 =	simm.s32 $0x12E00  }
0x1a2: {  	[tilespmem:s1+$0x0] =	vst v1  }
0x1a3: {  	v1 =	vld [tilespmem:s15+$0x10]  }
0x1a4: {  	v2 =	vperm.xlane v0, v2;
	_ =	sdelay $0x1  }
0x1a5: {  	[tilespmem:s1+$0xFFFFFF80] =	vst v2  }
0x1a6: {  	v2 =	vld [tilespmem:s15+$0xFFFFFF90]  }
0x1a7: {  	v1 =	vperm.xlane v0, v1  }
0x1a8: {  	s5 =	simm.s32 $0x6700  }
0x1a9: {  	[tilespmem:s1+$0x10] =	vst v1;
	v1 =	vld [tilespmem:s5+$0x0]  }
0x1aa: {  	v3 =	vld [tilespmem:s15+$0x20]  }
0x1ab: {  	v2 =	vperm.xlane v0, v2;
	_ =	sdelay $0x1  }
0x1ac: {  	[tilespmem:s1+$0xFFFFFF90] =	vst v2;
	v2 =	vld [tilespmem:s5+$0xFFFFFF80]  }
0x1ad: {  	v4 =	vld [tilespmem:s15+$0xFFFFFFA0];
	v1 =	vperm.xlane v0, v1  }
0x1ae: {  	s2 =	simm.s32 $0x12F00;
	v3 =	vperm.xlane v0, v3  }
0x1af: {  	[tilespmem:s2+$0x0] =	vst v1  }
0x1b0: {  	v1 =	vld [tilespmem:s5+$0x10];
	[tilespmem:s1+$0x20] =	vst v3  }
0x1b1: {  	v2 =	vperm.xlane v0, v2;
	v3 =	vld [tilespmem:s15+$0x30]  }
0x1b2: {  	v4 =	vperm.xlane v0, v4  }
0x1b3: {  	[tilespmem:s2+$0xFFFFFF80] =	vst v2  }
0x1b4: {  	v2 =	vld [tilespmem:s5+$0xFFFFFF90];
	[tilespmem:s1+$0xFFFFFFA0] =	vst v4  }
0x1b5: {  	v4 =	vld [tilespmem:s15+$0xFFFFFFB0];
	v1 =	vperm.xlane v0, v1  }
0x1b6: {  	s6 =	simm.s32 $0x6800;
	v3 =	vperm.xlane v0, v3  }
0x1b7: {  	[tilespmem:s2+$0x10] =	vst v1;
	v1 =	vld [tilespmem:s6+$0x0]  }
0x1b8: {  	[tilespmem:s1+$0x30] =	vst v3;
	v3 =	vld [tilespmem:s5+$0x20]  }
0x1b9: {  	v2 =	vperm.xlane v0, v2;
	v5 =	vld [tilespmem:s15+$0x40]  }
0x1ba: {  	v4 =	vperm.xlane v0, v4  }
0x1bb: {  	[tilespmem:s2+$0xFFFFFF90] =	vst v2;
	v2 =	vld [tilespmem:s6+$0xFFFFFF80]  }
0x1bc: {  	[tilespmem:s1+$0xFFFFFFB0] =	vst v4;
	v4 =	vld [tilespmem:s5+$0xFFFFFFA0];
	v1 =	vperm.xlane v0, v1  }
0x1bd: {  	s7 =	simm.s32 $0x13000;
	v6 =	vld [tilespmem:s15+$0xFFFFFFC0];
	v3 =	vperm.xlane v0, v3  }
0x1be: {  	[tilespmem:s7+$0x0] =	vst v1;
	v1 =	vperm.xlane v0, v5  }
0x1bf: {  	v5 =	vld [tilespmem:s6+$0x10];
	[tilespmem:s2+$0x20] =	vst v3  }
0x1c0: {  	v2 =	vperm.xlane v0, v2;
	v3 =	vld [tilespmem:s5+$0x30];
	[tilespmem:s1+$0x40] =	vst v1  }
0x1c1: {  	v1 =	vperm.xlane v0, v4;
	v4 =	vld [tilespmem:s15+$0x50]  }
0x1c2: {  	[tilespmem:s7+$0xFFFFFF80] =	vst v2;
	v2 =	vperm.xlane v0, v6  }
0x1c3: {  	v6 =	vld [tilespmem:s6+$0xFFFFFF90];
	[tilespmem:s2+$0xFFFFFFA0] =	vst v1  }
0x1c4: {  	[tilespmem:s1+$0xFFFFFFC0] =	vst v2;
	v1 =	vperm.xlane v0, v5;
	v5 =	vld [tilespmem:s5+$0xFFFFFFB0]  }
0x1c5: {  	s8 =	simm.s32 $0x6900;
	v2 =	vperm.xlane v0, v3;
	v3 =	vld [tilespmem:s15+$0xFFFFFFD0]  }
0x1c6: {  	[tilespmem:s7+$0x10] =	vst v1;
	v1 =	vperm.xlane v0, v4;
	v4 =	vld [tilespmem:s8+$0x0]  }
0x1c7: {  	[tilespmem:s2+$0x30] =	vst v2;
	v2 =	vld [tilespmem:s6+$0x20]  }
0x1c8: {  	v6 =	vperm.xlane v0, v6;
	[tilespmem:s1+$0x50] =	vst v1;
	v1 =	vld [tilespmem:s5+$0x40]  }
0x1c9: {  	v5 =	vperm.xlane v0, v5;
	v7 =	vld [tilespmem:s15+$0x60]  }
0x1ca: {  	[tilespmem:s7+$0xFFFFFF90] =	vst v6;
	v6 =	vld [tilespmem:s8+$0xFFFFFF80];
	v3 =	vperm.xlane v0, v3  }
0x1cb: {  	[tilespmem:s2+$0xFFFFFFB0] =	vst v5;
	v4 =	vperm.xlane v0, v4;
	v5 =	vld [tilespmem:s6+$0xFFFFFFA0]  }
0x1cc: {  	s10 =	simm.s32 $0x13100;
	[tilespmem:s1+$0xFFFFFFD0] =	vst v3;
	v2 =	vperm.xlane v0, v2;
	v3 =	vld [tilespmem:s5+$0xFFFFFFC0]  }
0x1cd: {  	[tilespmem:s10+$0x0] =	vst v4;
	v1 =	vperm.xlane v0, v1;
	v4 =	vld [tilespmem:s15+$0xFFFFFFE0]  }
0x1ce: {  	v8 =	vld [tilespmem:s8+$0x10];
	[tilespmem:s7+$0x20] =	vst v2;
	v2 =	vperm.xlane v0, v7  }
0x1cf: {  	v6 =	vperm.xlane v0, v6;
	v7 =	vld [tilespmem:s6+$0x30];
	[tilespmem:s2+$0x40] =	vst v1  }
0x1d0: {  	v5 =	vperm.xlane v0, v5;
	v9 =	vld [tilespmem:s5+$0x50];
	[tilespmem:s1+$0x60] =	vst v2  }
0x1d1: {  	[tilespmem:s10+$0xFFFFFF80] =	vst v6;
	v2 =	vperm.xlane v0, v3;
	v1 =	vld [tilespmem:s15+$0x70]  }
0x1d2: {  	v6 =	vld [tilespmem:s8+$0xFFFFFF90];
	[tilespmem:s7+$0xFFFFFFA0] =	vst v5;
	v4 =	vperm.xlane v0, v4  }
0x1d3: {  	v8 =	vperm.xlane v0, v8;
	v5 =	vld [tilespmem:s6+$0xFFFFFFB0];
	[tilespmem:s2+$0xFFFFFFC0] =	vst v2  }
0x1d4: {  	v3 =	vld [tilespmem:s5+$0xFFFFFFD0];
	[tilespmem:s1+$0xFFFFFFE0] =	vst v4;
	v7 =	vperm.xlane v0, v7  }
0x1d5: {  	s11 =	simm.s32 $0x300;
	s12 =	simm.s32 $0x6A00;
	s9 =	simm.s32 $0x13100;
	[tilespmem:s10+$0x10] =	vst v8;
	v4 =	vperm.xlane v0, v9;
	v2 =	vld [tilespmem:s15+$0xFFFFFFF0]  }
.LBB2_8:
0x1d6: {  	v8 =	vld [tilespmem:s12+$0x0];
	[tilespmem:s7+$0x30] =	vst v7;
	v1 =	vperm.xlane v0, v1;
	s13 =	smov.u32 s8;
	s8 =	smov.u32 s12  }
0x1d7: {  	v6 =	vperm.xlane v0, v6;
	v7 =	vld [tilespmem:s13+$0x20];
	[tilespmem:s2+$0x50] =	vst v4  }
0x1d8: {  	v4 =	vperm.xlane v0, v5;
	v5 =	vld [tilespmem:s6+$0x40];
	[tilespmem:s1+$0x70] =	vst v1  }
0x1d9: {  	s11 =	sadd.s32 $0x100, s11;
	[tilespmem:s10+$0xFFFFFF90] =	vst v6;
	v1 =	vperm.xlane v0, v3;
	v3 =	vld [tilespmem:s5+$0x60]  }
0x1da: {  	p0 =	slt.u32 s11, $0x6300;
	v6 =	vld [tilespmem:s12+$0xFFFFFF80];
	[tilespmem:s7+$0xFFFFFFB0] =	vst v4;
	v2 =	vperm.xlane v0, v2  }
0x1db: {  	v4 =	vperm.xlane v0, v8;
	v8 =	vld [tilespmem:s13+$0xFFFFFFA0];
	[tilespmem:s2+$0xFFFFFFD0] =	vst v1  }
0x1dc: {  	s10 =	sadd.s32 $0x100, s10;
	v1 =	vperm.xlane v0, v7;
	v7 =	vld [tilespmem:s6+$0xFFFFFFC0];
	[tilespmem:s1+$0xFFFFFFF0] =	vst v2;
	s1 =	smov.u32 s2;
	s2 =	smov.u32 s7  }
0x1dd: {  	s7 =	smov.u32 s9;
	s9 =	smov.u32 s10;
	[tilespmem:s10+$0x0] =	vst v4;
	v2 =	vperm.xlane v0, v5;
	v4 =	vld [tilespmem:s5+$0xFFFFFFE0]  }
0x1de: {  	v5 =	vld [tilespmem:s12+$0x10];
	[tilespmem:s7+$0x20] =	vst v1;
	v1 =	vperm.xlane v0, v3  }
0x1df: {  	v3 =	vperm.xlane v0, v6;
	v9 =	vld [tilespmem:s13+$0x30];
	[tilespmem:s2+$0x40] =	vst v2  }
0x1e0: {  	v2 =	vperm.xlane v0, v8;
	v8 =	vld [tilespmem:s6+$0x50];
	[tilespmem:s1+$0x60] =	vst v1  }
.Ltmp3:
0x1e1: {  	[tilespmem:s10+$0xFFFFFF80] =	vst v3;
	v3 =	vperm.xlane v0, v7;
	v1 =	vld [tilespmem:s5+$0x70];
	(pc) =	sbr.rel @p0 .LBB2_8-.Ltmp3, $4  }
0x1e2: {  	v6 =	vld [tilespmem:s12+$0xFFFFFF90];
	[tilespmem:s7+$0xFFFFFFA0] =	vst v2;
	v2 =	vperm.xlane v0, v4  }
0x1e3: {  	v4 =	vperm.xlane v0, v5;
	v5 =	vld [tilespmem:s13+$0xFFFFFFB0];
	[tilespmem:s2+$0xFFFFFFC0] =	vst v3  }
0x1e4: {  	v7 =	vperm.xlane v0, v9;
	v3 =	vld [tilespmem:s6+$0xFFFFFFD0];
	[tilespmem:s1+$0xFFFFFFE0] =	vst v2  }
0x1e5: {  	s12 =	sadd.s32 $0x100, s12;
	[tilespmem:s10+$0x10] =	vst v4;
	v4 =	vperm.xlane v0, v8;
	v2 =	vld [tilespmem:s5+$0xFFFFFFF0];
	s5 =	smov.u32 s6;
	s6 =	smov.u32 s13  }
0x1e6: {  	_ = 	snop  }
0x1e7: {  	v6 =	vperm.xlane v0, v6;
	_ =	sdelay $0x1  }
0x1e8: {  	v8 =	vld [tilespmem:s8+$0x20];
	[tilespmem:s10+$0xFFFFFF90] =	vst v6  }
0x1e9: {  	v6 =	vld [tilespmem:s8+$0xFFFFFFA0];
	_ =	sdelay $0x3  }
0x1ea: {  	v8 =	vperm.xlane v0, v8  }
0x1eb: {  	v6 =	vperm.xlane v0, v6  }
0x1ec: {  	[tilespmem:s9+$0x20] =	vst v8  }
0x1ed: {  	v8 =	vld [tilespmem:s8+$0x30];
	[tilespmem:s9+$0xFFFFFFA0] =	vst v6  }
0x1ee: {  	v6 =	vld [tilespmem:s8+$0xFFFFFFB0];
	_ =	sdelay $0x2  }
0x1ef: {  	v5 =	vperm.xlane v0, v5  }
0x1f0: {  	[tilespmem:s7+$0x30] =	vst v7;
	v7 =	vperm.xlane v0, v8  }
0x1f1: {  	[tilespmem:s7+$0xFFFFFFB0] =	vst v5;
	v8 =	vld [tilespmem:s6+$0x40];
	v5 =	vperm.xlane v0, v6  }
0x1f2: {  	[tilespmem:s9+$0x30] =	vst v7;
	v6 =	vld [tilespmem:s6+$0xFFFFFFC0]  }
0x1f3: {  	v7 =	vld [tilespmem:s8+$0x40];
	[tilespmem:s9+$0xFFFFFFB0] =	vst v5  }
0x1f4: {  	v5 =	vld [tilespmem:s8+$0xFFFFFFC0];
	_ =	sdelay $0x1  }
0x1f5: {  	v8 =	vperm.xlane v0, v8  }
0x1f6: {  	v6 =	vperm.xlane v0, v6  }
0x1f7: {  	[tilespmem:s7+$0x40] =	vst v8;
	v7 =	vperm.xlane v0, v7  }
0x1f8: {  	v8 =	vld [tilespmem:s6+$0x50];
	[tilespmem:s7+$0xFFFFFFC0] =	vst v6;
	v5 =	vperm.xlane v0, v5  }
0x1f9: {  	[tilespmem:s9+$0x40] =	vst v7;
	v6 =	vld [tilespmem:s6+$0xFFFFFFD0]  }
0x1fa: {  	v7 =	vld [tilespmem:s8+$0x50];
	[tilespmem:s9+$0xFFFFFFC0] =	vst v5  }
0x1fb: {  	v5 =	vld [tilespmem:s8+$0xFFFFFFD0]  }
0x1fc: {  	v3 =	vperm.xlane v0, v3  }
0x1fd: {  	[tilespmem:s2+$0x50] =	vst v4;
	v4 =	vperm.xlane v0, v8  }
0x1fe: {  	[tilespmem:s2+$0xFFFFFFD0] =	vst v3;
	v8 =	vld [tilespmem:s5+$0x60];
	v3 =	vperm.xlane v0, v6  }
0x1ff: {  	[tilespmem:s7+$0x50] =	vst v4;
	v4 =	vperm.xlane v0, v7;
	v6 =	vld [tilespmem:s5+$0xFFFFFFE0]  }
0x200: {  	v7 =	vld [tilespmem:s6+$0x60];
	[tilespmem:s7+$0xFFFFFFD0] =	vst v3;
	v3 =	vperm.xlane v0, v5  }
0x201: {  	[tilespmem:s9+$0x50] =	vst v4;
	v5 =	vld [tilespmem:s6+$0xFFFFFFE0]  }
0x202: {  	v4 =	vld [tilespmem:s8+$0x60];
	[tilespmem:s9+$0xFFFFFFD0] =	vst v3  }
0x203: {  	v3 =	vperm.xlane v0, v8;
	v8 =	vld [tilespmem:s8+$0xFFFFFFE0]  }
0x204: {  	v6 =	vperm.xlane v0, v6  }
0x205: {  	[tilespmem:s2+$0x60] =	vst v3;
	v3 =	vperm.xlane v0, v7  }
0x206: {  	[tilespmem:s2+$0xFFFFFFE0] =	vst v6;
	v7 =	vld [tilespmem:s5+$0x70];
	v5 =	vperm.xlane v0, v5  }
0x207: {  	v6 =	vld [tilespmem:s5+$0xFFFFFFF0];
	[tilespmem:s7+$0x60] =	vst v3;
	v3 =	vperm.xlane v0, v4  }
0x208: {  	v4 =	vld [tilespmem:s6+$0x70];
	[tilespmem:s7+$0xFFFFFFE0] =	vst v5;
	v5 =	vperm.xlane v0, v8  }
0x209: {  	v1 =	vperm.xlane v0, v1;
	v8 =	vld [tilespmem:s6+$0xFFFFFFF0];
	[tilespmem:s9+$0x60] =	vst v3  }
0x20a: {  	v2 =	vperm.xlane v0, v2;
	v3 =	vld [tilespmem:s8+$0x70];
	[tilespmem:s9+$0xFFFFFFE0] =	vst v5  }
0x20b: {  	[tilespmem:s1+$0x70] =	vst v1;
	v1 =	vperm.xlane v0, v7;
	v5 =	vld [tilespmem:s8+$0xFFFFFFF0]  }
0x20c: {  	[tilespmem:s1+$0xFFFFFFF0] =	vst v2;
	v2 =	vperm.xlane v0, v6  }
0x20d: {  	[tilespmem:s2+$0x70] =	vst v1;
	v1 =	vperm.xlane v0, v4  }
0x20e: {  	[tilespmem:s2+$0xFFFFFFF0] =	vst v2;
	v2 =	vperm.xlane v0, v8  }
0x20f: {  	[tilespmem:s7+$0x70] =	vst v1;
	v1 =	vperm.xlane v0, v3  }
0x210: {  	[tilespmem:s7+$0xFFFFFFF0] =	vst v2;
	v0 =	vperm.xlane v0, v5  }
0x211: {  	[tilespmem:s9+$0x70] =	vst v1  }
0x212: {  	[tilespmem:s9+$0xFFFFFFF0] =	vst v0  }
0x213: {  	s1 =	rddreg [dreg:$0xe]  }
0x214: {  	[hbm4b:s1+s4] =	stream.linear.scatter [tilespmem:s30], [sflag:$0x4], $0x6400, $0x38;
	[tilespmem:$0x19180] =	vst v63  }
0x215: {  	_ =	swait.ge [sflag:s31], $0x6400  }
0x216: {  	[sflag:s31] =	ssyncset.done $0x0  }
0x217: {  	[sflag:s31] =	ssyncadd.s32 $0xFFFF9C00  }
0x218: {  	_ =	swait.ge [sflag:s3], $0x6400  }
0x219: {  	[sflag:s3] =	ssyncset.done $0x0  }
0x21a: {  	s14 =	rddreg [dreg:$0xf];
	[sflag:s3] =	ssyncadd.s32 $0xFFFF9C00  }
0x21b: {  	[tilespmem:s24], [sflag:$0x1] =	stream.linear.gather [hbm4b:s14+s4], $0x6400, $0x38;
	[tilespmem:$0x19180] =	vst v63  }
0x21c: {  	s15 =	rddreg [dreg:$0x10]  }
0x21d: {  	[tilespmem:s25], [sflag:$0x2] =	stream.linear.gather [hbm4b:s15+s4], $0x6400, $0x38;
	[tilespmem:$0x19180] =	vst v63  }
0x21e: {  	_ =	swait.ge [sflag:s26], $0x6400  }
0x21f: {  	[sflag:s26] =	ssyncset.done $0x0  }
0x220: {  	s13 =	simm.s32 $0x200;
	[sflag:s26] =	ssyncadd.s32 $0xFFFF9C00  }
0x221: {  	v0 =	vld [tilespmem:s13+$0x0];
	_ =	sdelay $0x4  }
0x222: {  	v0 =	vand.u32 $0xFF, v0;
	_ =	sdelay $0x3  }
0x223: {  	v1 =	vld [tilespmem:s13+$0xFFFFFF80]  }
0x224: {  	v0 =	vld.idx.msk [tilespmem:v0+s23+$0x0], $0xffff;
	_ =	sdelay $0x3  }
0x225: {  	s1 =	simm.s32 $0xCA00;
	v1 =	vand.u32 $0xFF, v1  }
0x226: {  	[tilespmem:s1+$0x0] =	vst v0  }
0x227: {  	v0 =	vld [tilespmem:s13+$0x10];
	_ =	sdelay $0x2  }
0x228: {  	v1 =	vld.idx.msk [tilespmem:v1+s23+$0x0], $0xffff;
	_ =	sdelay $0x1  }
0x229: {  	v0 =	vand.u32 $0xFF, v0  }
0x22a: {  	s5 =	simm.s32 $0x300  }
0x22b: {  	v2 =	vld [tilespmem:s5+$0x0]  }
0x22c: {  	[tilespmem:s1+$0xFFFFFF80] =	vst v1  }
0x22d: {  	v1 =	vld [tilespmem:s13+$0xFFFFFF90]  }
0x22e: {  	v0 =	vld.idx.msk [tilespmem:v0+s23+$0x0], $0xffff  }
0x22f: {  	v3 =	vld [tilespmem:s5+$0xFFFFFF80]  }
0x230: {  	v2 =	vand.u32 $0xFF, v2;
	_ =	sdelay $0x1  }
0x231: {  	v1 =	vand.u32 $0xFF, v1  }
0x232: {  	[tilespmem:s1+$0x10] =	vst v0  }
0x233: {  	v3 =	vand.u32 $0xFF, v3;
	v0 =	vld [tilespmem:s13+$0x20]  }
0x234: {  	v2 =	vld.idx.msk [tilespmem:v2+s23+$0x0], $0xffff;
	_ =	sdelay $0x1  }
0x235: {  	v1 =	vld.idx.msk [tilespmem:v1+s23+$0x0], $0xffff;
	_ =	sdelay $0x1  }
0x236: {  	s2 =	simm.s32 $0xCB00;
	v3 =	vld.idx.msk [tilespmem:v3+s23+$0x0], $0xffff;
	v0 =	vand.u32 $0xFF, v0  }
0x237: {  	[tilespmem:s2+$0x0] =	vst v2  }
0x238: {  	v2 =	vld [tilespmem:s5+$0x10]  }
0x239: {  	[tilespmem:s1+$0xFFFFFF90] =	vst v1  }
0x23a: {  	v1 =	vld [tilespmem:s13+$0xFFFFFFA0]  }
0x23b: {  	[tilespmem:s2+$0xFFFFFF80] =	vst v3;
	v0 =	vld.idx.msk [tilespmem:v0+s23+$0x0], $0xffff  }
0x23c: {  	v3 =	vld [tilespmem:s5+$0xFFFFFF90]  }
0x23d: {  	v2 =	vand.u32 $0xFF, v2;
	_ =	sdelay $0x1  }
0x23e: {  	v1 =	vand.u32 $0xFF, v1  }
0x23f: {  	[tilespmem:s1+$0x20] =	vst v0  }
0x240: {  	v3 =	vand.u32 $0xFF, v3;
	v0 =	vld [tilespmem:s13+$0x30]  }
0x241: {  	v2 =	vld.idx.msk [tilespmem:v2+s23+$0x0], $0xffff;
	_ =	sdelay $0x1  }
0x242: {  	s7 =	simm.s32 $0x400;
	v1 =	vld.idx.msk [tilespmem:v1+s23+$0x0], $0xffff  }
0x243: {  	v5 =	vld [tilespmem:s7+$0xFFFFFF80]  }
0x244: {  	v3 =	vld.idx.msk [tilespmem:v3+s23+$0x0], $0xffff;
	v0 =	vand.u32 $0xFF, v0  }
0x245: {  	[tilespmem:s2+$0x10] =	vst v2  }
0x246: {  	v2 =	vld [tilespmem:s5+$0x20]  }
0x247: {  	[tilespmem:s1+$0xFFFFFFA0] =	vst v1;
	v1 =	vld [tilespmem:s7+$0x0]  }
0x248: {  	v5 =	vand.u32 $0xFF, v5;
	v4 =	vld [tilespmem:s13+$0xFFFFFFB0]  }
0x249: {  	[tilespmem:s2+$0xFFFFFF90] =	vst v3;
	v0 =	vld.idx.msk [tilespmem:v0+s23+$0x0], $0xffff  }
0x24a: {  	v3 =	vld [tilespmem:s5+$0xFFFFFFA0]  }
0x24b: {  	v2 =	vand.u32 $0xFF, v2  }
0x24c: {  	v1 =	vand.u32 $0xFF, v1  }
0x24d: {  	v5 =	vld.idx.msk [tilespmem:v5+s23+$0x0], $0xffff;
	v4 =	vand.u32 $0xFF, v4  }
0x24e: {  	[tilespmem:s1+$0x30] =	vst v0  }
0x24f: {  	v3 =	vand.u32 $0xFF, v3;
	v0 =	vld [tilespmem:s13+$0x40]  }
0x250: {  	v2 =	vld.idx.msk [tilespmem:v2+s23+$0x0], $0xffff  }
0x251: {  	s6 =	simm.s32 $0xCC00;
	v1 =	vld.idx.msk [tilespmem:v1+s23+$0x0], $0xffff  }
0x252: {  	[tilespmem:s6+$0xFFFFFF80] =	vst v5;
	v4 =	vld.idx.msk [tilespmem:v4+s23+$0x0], $0xffff  }
0x253: {  	v5 =	vld [tilespmem:s7+$0xFFFFFF90]  }
0x254: {  	v3 =	vld.idx.msk [tilespmem:v3+s23+$0x0], $0xffff;
	v0 =	vand.u32 $0xFF, v0  }
0x255: {  	[tilespmem:s2+$0x20] =	vst v2  }
0x256: {  	[tilespmem:s6+$0x0] =	vst v1  }
0x257: {  	[tilespmem:s1+$0xFFFFFFB0] =	vst v4;
	v4 =	vld [tilespmem:s5+$0x30]  }
0x258: {  	v1 =	vld [tilespmem:s7+$0x10]  }
0x259: {  	[tilespmem:s2+$0xFFFFFFA0] =	vst v3;
	v3 =	vand.u32 $0xFF, v5;
	v0 =	vld.idx.msk [tilespmem:v0+s23+$0x0], $0xffff;
	_ =	sdelay $0x1  }
0x25a: {  	s9 =	simm.s32 $0x500  }
0x25b: {  	v7 =	vld [tilespmem:s9+$0xFFFFFF80];
	v4 =	vand.u32 $0xFF, v4  }
0x25c: {  	v1 =	vand.u32 $0xFF, v1  }
0x25d: {  	v3 =	vld.idx.msk [tilespmem:v3+s23+$0x0], $0xffff;
	[tilespmem:s1+$0x40] =	vst v0  }
0x25e: {  	v0 =	vld [tilespmem:s13+$0x50]  }
0x25f: {  	v2 =	vld [tilespmem:s13+$0xFFFFFFC0]  }
0x260: {  	v7 =	vand.u32 $0xFF, v7;
	v4 =	vld.idx.msk [tilespmem:v4+s23+$0x0], $0xffff  }
0x261: {  	v1 =	vld.idx.msk [tilespmem:v1+s23+$0x0], $0xffff;
	_ =	sdelay $0x1  }
0x262: {  	v6 =	vld [tilespmem:s9+$0x0];
	v0 =	vand.u32 $0xFF, v0  }
0x263: {  	v5 =	vld [tilespmem:s5+$0xFFFFFFB0];
	[tilespmem:s6+$0xFFFFFF90] =	vst v3;
	v2 =	vand.u32 $0xFF, v2  }
0x264: {  	v7 =	vld.idx.msk [tilespmem:v7+s23+$0x0], $0xffff;
	[tilespmem:s2+$0x30] =	vst v4  }
0x265: {  	[tilespmem:s6+$0x10] =	vst v1;
	v3 =	vld [tilespmem:s5+$0x40]  }
0x266: {  	v1 =	vld [tilespmem:s7+$0x20]  }
0x267: {  	v0 =	vld.idx.msk [tilespmem:v0+s23+$0x0], $0xffff  }
0x268: {  	s8 =	simm.s32 $0xCD00;
	v2 =	vld.idx.msk [tilespmem:v2+s23+$0x0], $0xffff;
	v4 =	vand.u32 $0xFF, v5;
	v5 =	vand.u32 $0xFF, v6  }
0x269: {  	[tilespmem:s8+$0xFFFFFF80] =	vst v7  }
0x26a: {  	v7 =	vld [tilespmem:s9+$0xFFFFFF90];
	v3 =	vand.u32 $0xFF, v3  }
0x26b: {  	v6 =	vld [tilespmem:s7+$0xFFFFFFA0]  }
0x26c: {  	[tilespmem:s1+$0x50] =	vst v0;
	v0 =	vand.u32 $0xFF, v1  }
0x26d: {  	[tilespmem:s1+$0xFFFFFFC0] =	vst v2;
	v2 =	vld.idx.msk [tilespmem:v5+s23+$0x0], $0xffff;
	_ =	sdelay $0x1  }
0x26e: {  	v7 =	vand.u32 $0xFF, v7;
	v3 =	vld.idx.msk [tilespmem:v3+s23+$0x0], $0xffff  }
0x26f: {  	v5 =	vand.u32 $0xFF, v6;
	v6 =	vld [tilespmem:s13+$0xFFFFFFD0]  }
0x270: {  	v0 =	vld.idx.msk [tilespmem:v0+s23+$0x0], $0xffff  }
0x271: {  	v4 =	vld.idx.msk [tilespmem:v4+s23+$0x0], $0xffff;
	[tilespmem:s8+$0x0] =	vst v2  }
0x272: {  	v2 =	vld [tilespmem:s9+$0x10]  }
0x273: {  	v7 =	vld.idx.msk [tilespmem:v7+s23+$0x0], $0xffff;
	[tilespmem:s2+$0x40] =	vst v3  }
0x274: {  	v3 =	vand.u32 $0xFF, v6;
	v6 =	vld [tilespmem:s5+$0x50]  }
0x275: {  	v1 =	vld [tilespmem:s13+$0x60];
	[tilespmem:s6+$0x20] =	vst v0  }
0x276: {  	[tilespmem:s2+$0xFFFFFFB0] =	vst v4;
	v4 =	vld [tilespmem:s7+$0x30]  }
0x277: {  	s10 =	simm.s32 $0x600;
	v5 =	vld.idx.msk [tilespmem:v5+s23+$0x0], $0xffff;
	v2 =	vand.u32 $0xFF, v2  }
0x278: {  	v8 =	vld [tilespmem:s10+$0x0]  }
0x279: {  	v9 =	vld [tilespmem:s10+$0xFFFFFF80];
	v6 =	vand.u32 $0xFF, v6  }
0x27a: {  	[tilespmem:s8+$0xFFFFFF90] =	vst v7;
	v1 =	vand.u32 $0xFF, v1;
	v0 =	vld [tilespmem:s5+$0xFFFFFFC0]  }
0x27b: {  	v7 =	vld [tilespmem:s9+$0xFFFFFFA0];
	v4 =	vand.u32 $0xFF, v4  }
0x27c: {  	[tilespmem:s6+$0xFFFFFFA0] =	vst v5;
	v2 =	vld.idx.msk [tilespmem:v2+s23+$0x0], $0xffff  }
0x27d: {  	v5 =	vld [tilespmem:s7+$0xFFFFFFB0]  }
0x27e: {  	v6 =	vld.idx.msk [tilespmem:v6+s23+$0x0], $0xffff  }
0x27f: {  	v1 =	vld.idx.msk [tilespmem:v1+s23+$0x0], $0xffff;
	v0 =	vand.u32 $0xFF, v0  }
0x280: {  	s12 =	simm.s32 $0x700;
	v4 =	vld.idx.msk [tilespmem:v4+s23+$0x0], $0xffff  }
0x281: {  	v10 =	vld [tilespmem:s12+$0x0];
	[tilespmem:s8+$0x10] =	vst v2  }
0x282: {  	v7 =	vand.u32 $0xFF, v7;
	v2 =	vld [tilespmem:s9+$0x20]  }
0x283: {  	v11 =	vld [tilespmem:s12+$0xFFFFFF80];
	[tilespmem:s2+$0x50] =	vst v6  }
0x284: {  	v5 =	vand.u32 $0xFF, v5;
	[tilespmem:s1+$0x60] =	vst v1;
	v0 =	vld.idx.msk [tilespmem:v0+s23+$0x0], $0xffff  }
0x285: {  	v1 =	vand.u32 $0xFF, v8;
	v6 =	vld [tilespmem:s5+$0x60];
	[tilespmem:s6+$0x30] =	vst v4  }
0x286: {  	v4 =	vld [tilespmem:s7+$0x40]  }
0x287: {  	v7 =	vld.idx.msk [tilespmem:v7+s23+$0x0], $0xffff;
	v2 =	vand.u32 $0xFF, v2  }
0x288: {  	v3 =	vld.idx.msk [tilespmem:v3+s23+$0x0], $0xffff  }
0x289: {  	[tilespmem:s2+$0xFFFFFFC0] =	vst v0;
	v0 =	vld.idx.msk [tilespmem:v5+s23+$0x0], $0xffff;
	v5 =	vand.u32 $0xFF, v9  }
0x28a: {  	v1 =	vld.idx.msk [tilespmem:v1+s23+$0x0], $0xffff;
	v6 =	vand.u32 $0xFF, v6  }
0x28b: {  	v8 =	vld [tilespmem:s13+$0x70];
	v4 =	vand.u32 $0xFF, v4  }
0x28c: {  	v2 =	vld.idx.msk [tilespmem:v2+s23+$0x0], $0xffff  }
0x28d: {  	[tilespmem:s1+$0xFFFFFFD0] =	vst v3;
	v3 =	vld [tilespmem:s5+$0xFFFFFFD0]  }
0x28e: {  	s11 =	simm.s32 $0xCE00;
	v5 =	vld.idx.msk [tilespmem:v5+s23+$0x0], $0xffff  }
0x28f: {  	[tilespmem:s11+$0x0] =	vst v1;
	v1 =	vld.idx.msk [tilespmem:v6+s23+$0x0], $0xffff  }
0x290: {  	v4 =	vld.idx.msk [tilespmem:v4+s23+$0x0], $0xffff  }
0x291: {  	[tilespmem:s6+$0xFFFFFFB0] =	vst v0;
	v0 =	vld [tilespmem:s10+$0x10]  }
0x292: {  	[tilespmem:s8+$0x20] =	vst v2;
	v2 =	vld [tilespmem:s7+$0xFFFFFFC0]  }
0x293: {  	v6 =	vand.u32 $0xFF, v8;
	[tilespmem:s11+$0xFFFFFF80] =	vst v5;
	v5 =	vld [tilespmem:s9+$0x30]  }
0x294: {  	[tilespmem:s8+$0xFFFFFFA0] =	vst v7;
	v3 =	vand.u32 $0xFF, v3;
	v8 =	vld [tilespmem:s10+$0xFFFFFF90]  }
0x295: {  	v7 =	vld [tilespmem:s9+$0xFFFFFFB0];
	[tilespmem:s6+$0x40] =	vst v4  }
0x296: {  	v0 =	vand.u32 $0xFF, v0;
	v57 =	vld [tilespmem:s7+$0x50]  }
0x297: {  	v56 =	vld [tilespmem:s13+$0xFFFFFFE0];
	[tilespmem:s2+$0x60] =	vst v1;
	v1 =	vand.u32 $0xFF, v2  }
0x298: {  	v6 =	vld.idx.msk [tilespmem:v6+s23+$0x0], $0xffff;
	v5 =	vand.u32 $0xFF, v5  }
0x299: {  	v3 =	vld.idx.msk [tilespmem:v3+s23+$0x0], $0xffff;
	v8 =	vand.u32 $0xFF, v8  }
0x29a: {  	v2 =	vld [tilespmem:s5+$0x70]  }
0x29b: {  	v0 =	vld.idx.msk [tilespmem:v0+s23+$0x0], $0xffff;
	v9 =	vand.u32 $0xFF, v57  }
0x29c: {  	v1 =	vld.idx.msk [tilespmem:v1+s23+$0x0], $0xffff  }
0x29d: {  	v4 =	vand.u32 $0xFF, v56;
	v5 =	vld.idx.msk [tilespmem:v5+s23+$0x0], $0xffff  }
0x29e: {  	[tilespmem:s2+$0xFFFFFFD0] =	vst v3;
	v8 =	vld.idx.msk [tilespmem:v8+s23+$0x0], $0xffff  }
0x29f: {  	v59 =	vld [tilespmem:s5+$0xFFFFFFE0]  }
0x2a0: {  	v2 =	vand.u32 $0xFF, v2;
	[tilespmem:s11+$0x10] =	vst v0;
	v9 =	vld.idx.msk [tilespmem:v9+s23+$0x0], $0xffff  }
0x2a1: {  	v0 =	vand.u32 $0xFF, v7;
	v7 =	vld [tilespmem:s10+$0x20]  }
0x2a2: {  	v3 =	vand.u32 $0xFF, v11;
	v4 =	vld.idx.msk [tilespmem:v4+s23+$0x0], $0xffff;
	[tilespmem:s8+$0x30] =	vst v5  }
0x2a3: {  	[tilespmem:s11+$0xFFFFFF90] =	vst v8;
	v5 =	vld [tilespmem:s9+$0x40]  }
0x2a4: {  	v8 =	vand.u32 $0xFF, v10;
	v58 =	vld [tilespmem:s10+$0xFFFFFFA0]  }
0x2a5: {  	v2 =	vld.idx.msk [tilespmem:v2+s23+$0x0], $0xffff;
	[tilespmem:s6+$0x50] =	vst v9  }
0x2a6: {  	v9 =	vld [tilespmem:s7+$0x60]  }
0x2a7: {  	[tilespmem:s6+$0xFFFFFFC0] =	vst v1;
	v3 =	vld.idx.msk [tilespmem:v3+s23+$0x0], $0xffff;
	v1 =	vand.u32 $0xFF, v7  }
0x2a8: {  	v0 =	vld.idx.msk [tilespmem:v0+s23+$0x0], $0xffff;
	v5 =	vand.u32 $0xFF, v5  }
0x2a9: {  	[tilespmem:s1+$0xFFFFFFE0] =	vst v4;
	v4 =	vld.idx.msk [tilespmem:v8+s23+$0x0], $0xffff;
	v8 =	vand.u32 $0xFF, v58  }
0x2aa: {  	v7 =	vld [tilespmem:s7+$0xFFFFFFD0]  }
0x2ab: {  	v60 =	vld [tilespmem:s13+$0xFFFFFFF0];
	v9 =	vand.u32 $0xFF, v9  }
0x2ac: {  	v1 =	vld.idx.msk [tilespmem:v1+s23+$0x0], $0xffff  }
0x2ad: {  	s13 =	simm.s32 $0xCF00;
	v5 =	vld.idx.msk [tilespmem:v5+s23+$0x0], $0xffff  }
0x2ae: {  	[tilespmem:s13+$0x0] =	vst v4;
	v8 =	vld.idx.msk [tilespmem:v8+s23+$0x0], $0xffff  }
0x2af: {  	[tilespmem:s8+$0xFFFFFFB0] =	vst v0;
	v0 =	vld [tilespmem:s12+$0x10]  }
0x2b0: {  	[tilespmem:s13+$0xFFFFFF80] =	vst v3;
	v7 =	vand.u32 $0xFF, v7;
	v4 =	vld.idx.msk [tilespmem:v9+s23+$0x0], $0xffff  }
0x2b1: {  	[tilespmem:s11+$0x20] =	vst v1;
	v1 =	vld [tilespmem:s9+$0xFFFFFFC0]  }
0x2b2: {  	v62 =	vld [tilespmem:s12+$0xFFFFFF90]  }
0x2b3: {  	v61 =	vand.u32 $0xFF, v59;
	v3 =	vld [tilespmem:s10+$0x30];
	[tilespmem:s8+$0x40] =	vst v5  }
0x2b4: {  	v5 =	vand.u32 $0xFF, v60;
	[tilespmem:s11+$0xFFFFFFA0] =	vst v8;
	v8 =	vld [tilespmem:s9+$0x50]  }
0x2b5: {  	v14 =	vld.idx.msk [tilespmem:v7+s23+$0x0], $0xffff;
	v63 =	vand.u32 $0xFF, v0;
	[tilespmem:s6+$0x60] =	vst v4  }
0x2b6: {  	v1 =	vand.u32 $0xFF, v1;
	v13 =	vld [tilespmem:s7+$0x70]  }
0x2b7: {  	v11 =	vand.u32 $0xFF, v62;
	v12 =	vld [tilespmem:s10+$0xFFFFFFB0]  }
0x2b8: {  	v9 =	vld.idx.msk [tilespmem:v61+s23+$0x0], $0xffff;
	v4 =	vand.u32 $0xFF, v3  }
0x2b9: {  	v0 =	vld.idx.msk [tilespmem:v5+s23+$0x0], $0xffff;
	v8 =	vand.u32 $0xFF, v8  }
0x2ba: {  	v7 =	vld.idx.msk [tilespmem:v63+s23+$0x0], $0xffff  }
0x2bb: {  	[tilespmem:s1+$0x70] =	vst v6;
	v3 =	vld.idx.msk [tilespmem:v1+s23+$0x0], $0xffff;
	v1 =	vand.u32 $0xFF, v13  }
0x2bc: {  	[tilespmem:s2+$0x70] =	vst v2;
	v6 =	vld.idx.msk [tilespmem:v11+s23+$0x0], $0xffff  }
0x2bd: {  	[tilespmem:s6+$0xFFFFFFD0] =	vst v14;
	v5 =	vld.idx.msk [tilespmem:v4+s23+$0x0], $0xffff  }
0x2be: {  	s14 =	simm.s32 $0x500;
	s15 =	simm.s32 $0x800;
	[tilespmem:s2+$0xFFFFFFE0] =	vst v9;
	v2 =	vld.idx.msk [tilespmem:v8+s23+$0x0], $0xffff;
	v4 =	vand.u32 $0xFF, v12  }
.LBB2_10:
0x2bf: {  	v8 =	vld [tilespmem:s15+$0x0];
	s14 =	sadd.s32 $0x100, s14;
	[tilespmem:s1+$0xFFFFFFF0] =	vst v0;
	s1 =	smov.u32 s2;
	s2 =	smov.u32 s6  }
0x2c0: {  	s6 =	smov.u32 s8;
	s8 =	smov.u32 s11;
	p0 =	slt.u32 s14, $0x6300;
	[tilespmem:s13+$0x10] =	vst v7;
	v0 =	vld.idx.msk [tilespmem:v1+s23+$0x0], $0xffff  }
0x2c1: {  	s11 =	smov.u32 s13;
	v1 =	vld [tilespmem:s12+$0x20];
	[tilespmem:s6+$0xFFFFFFC0] =	vst v3  }
0x2c2: {  	v3 =	vld [tilespmem:s15+$0xFFFFFF80];
	[tilespmem:s8+$0x30] =	vst v5  }
0x2c3: {  	[tilespmem:s13+$0xFFFFFF90] =	vst v6;
	v5 =	vld [tilespmem:s10+$0x40]  }
0x2c4: {  	v6 =	vand.u32 $0xFF, v8;
	v7 =	vld [tilespmem:s12+$0xFFFFFFA0];
	[tilespmem:s6+$0x50] =	vst v2  }
0x2c5: {  	v2 =	vld [tilespmem:s9+$0x60]  }
0x2c6: {  	v1 =	vand.u32 $0xFF, v1;
	v4 =	vld.idx.msk [tilespmem:v4+s23+$0x0], $0xffff;
	[tilespmem:s2+$0x70] =	vst v0  }
0x2c7: {  	v0 =	vand.u32 $0xFF, v3;
	v3 =	vld [tilespmem:s9+$0xFFFFFFD0]  }
0x2c8: {  	v5 =	vand.u32 $0xFF, v5;
	v8 =	vld [tilespmem:s7+$0xFFFFFFE0]  }
0x2c9: {  	v6 =	vld.idx.msk [tilespmem:v6+s23+$0x0], $0xffff;
	v7 =	vand.u32 $0xFF, v7  }
0x2ca: {  	v2 =	vand.u32 $0xFF, v2;
	v9 =	vld [tilespmem:s5+$0xFFFFFFF0];
	s5 =	smov.u32 s7;
	s7 =	smov.u32 s9;
	s9 =	smov.u32 s10  }
0x2cb: {  	s10 =	smov.u32 s12;
	s12 =	smov.u32 s15;
	v1 =	vld.idx.msk [tilespmem:v1+s23+$0x0], $0xffff  }
0x2cc: {  	v0 =	vld.idx.msk [tilespmem:v0+s23+$0x0], $0xffff;
	[tilespmem:s8+$0xFFFFFFB0] =	vst v4;
	v3 =	vand.u32 $0xFF, v3  }
0x2cd: {  	v4 =	vld.idx.msk [tilespmem:v5+s23+$0x0], $0xffff;
	v5 =	vand.u32 $0xFF, v8  }
0x2ce: {  	s13 =	sadd.s32 $0x100, s13;
	v7 =	vld.idx.msk [tilespmem:v7+s23+$0x0], $0xffff  }
0x2cf: {  	[tilespmem:s13+$0x0] =	vst v6;
	v2 =	vld.idx.msk [tilespmem:v2+s23+$0x0], $0xffff;
	v6 =	vand.u32 $0xFF, v9  }
0x2d0: {  	v8 =	vld [tilespmem:s15+$0x10]  }
0x2d1: {  	[tilespmem:s11+$0x20] =	vst v1;
	v1 =	vld [tilespmem:s9+$0xFFFFFFC0]  }
0x2d2: {  	[tilespmem:s13+$0xFFFFFF80] =	vst v0;
	v0 =	vld [tilespmem:s10+$0x30]  }
0x2d3: {  	v9 =	vld [tilespmem:s15+$0xFFFFFF90];
	[tilespmem:s8+$0x40] =	vst v4  }
0x2d4: {  	[tilespmem:s11+$0xFFFFFFA0] =	vst v7;
	v4 =	vld [tilespmem:s9+$0x50]  }
0x2d5: {  	v7 =	vand.u32 $0xFF, v8;
	v8 =	vld [tilespmem:s10+$0xFFFFFFB0];
	[tilespmem:s6+$0x60] =	vst v2  }
0x2d6: {  	v1 =	vand.u32 $0xFF, v1;
	v2 =	vld [tilespmem:s7+$0x70]  }
0x2d7: {  	v10 =	vand.u32 $0xFF, v0;
	v11 =	vld.idx.msk [tilespmem:v3+s23+$0x0], $0xffff  }
0x2d8: {  	v9 =	vand.u32 $0xFF, v9;
	v12 =	vld.idx.msk [tilespmem:v5+s23+$0x0], $0xffff  }
0x2d9: {  	v13 =	vand.u32 $0xFF, v4;
	v0 =	vld.idx.msk [tilespmem:v6+s23+$0x0], $0xffff  }
.Ltmp4:
0x2da: {  	v7 =	vld.idx.msk [tilespmem:v7+s23+$0x0], $0xffff;
	v4 =	vand.u32 $0xFF, v8;
	(pc) =	sbr.rel @p0 .LBB2_10-.Ltmp4, $4  }
0x2db: {  	v3 =	vld.idx.msk [tilespmem:v1+s23+$0x0], $0xffff;
	v1 =	vand.u32 $0xFF, v2  }
0x2dc: {  	v5 =	vld.idx.msk [tilespmem:v10+s23+$0x0], $0xffff  }
0x2dd: {  	v6 =	vld.idx.msk [tilespmem:v9+s23+$0x0], $0xffff;
	[tilespmem:s6+$0xFFFFFFD0] =	vst v11  }
0x2de: {  	s15 =	sadd.s32 $0x100, s15;
	v2 =	vld.idx.msk [tilespmem:v13+s23+$0x0], $0xffff;
	[tilespmem:s2+$0xFFFFFFE0] =	vst v12  }
0x2df: {  	_ =	sdelay $0x1  }
0x2e0: {  	[tilespmem:s13+$0x10] =	vst v7  }
0x2e1: {  	v7 =	vld [tilespmem:s12+$0x20];
	[tilespmem:s13+$0xFFFFFF90] =	vst v6  }
0x2e2: {  	v6 =	vld [tilespmem:s12+$0xFFFFFFA0];
	_ =	sdelay $0x3  }
0x2e3: {  	v7 =	vand.u32 $0xFF, v7  }
0x2e4: {  	v6 =	vand.u32 $0xFF, v6;
	_ =	sdelay $0x3  }
0x2e5: {  	v7 =	vld.idx.msk [tilespmem:v7+s23+$0x0], $0xffff  }
0x2e6: {  	v6 =	vld.idx.msk [tilespmem:v6+s23+$0x0], $0xffff;
	_ =	sdelay $0x3  }
0x2e7: {  	[tilespmem:s13+$0x20] =	vst v7  }
0x2e8: {  	v7 =	vld [tilespmem:s12+$0x30];
	[tilespmem:s13+$0xFFFFFFA0] =	vst v6  }
0x2e9: {  	v6 =	vld [tilespmem:s12+$0xFFFFFFB0];
	_ =	sdelay $0x1  }
0x2ea: {  	[tilespmem:s11+$0x30] =	vst v5  }
0x2eb: {  	v5 =	vld [tilespmem:s10+$0x40]  }
0x2ec: {  	v7 =	vand.u32 $0xFF, v7  }
0x2ed: {  	v6 =	vand.u32 $0xFF, v6;
	_ =	sdelay $0x2  }
0x2ee: {  	v4 =	vld.idx.msk [tilespmem:v4+s23+$0x0], $0xffff;
	v5 =	vand.u32 $0xFF, v5  }
0x2ef: {  	v7 =	vld.idx.msk [tilespmem:v7+s23+$0x0], $0xffff  }
0x2f0: {  	v6 =	vld.idx.msk [tilespmem:v6+s23+$0x0], $0xffff;
	_ =	sdelay $0x2  }
0x2f1: {  	[tilespmem:s11+$0xFFFFFFB0] =	vst v4;
	v5 =	vld.idx.msk [tilespmem:v5+s23+$0x0], $0xffff  }
0x2f2: {  	[tilespmem:s13+$0x30] =	vst v7;
	v7 =	vld [tilespmem:s10+$0xFFFFFFC0]  }
0x2f3: {  	v4 =	vld [tilespmem:s12+$0x40];
	[tilespmem:s13+$0xFFFFFFB0] =	vst v6  }
0x2f4: {  	v6 =	vld [tilespmem:s12+$0xFFFFFFC0]  }
0x2f5: {  	[tilespmem:s8+$0xFFFFFFC0] =	vst v3  }
0x2f6: {  	[tilespmem:s11+$0x40] =	vst v5;
	v5 =	vld [tilespmem:s9+$0xFFFFFFD0]  }
0x2f7: {  	v7 =	vand.u32 $0xFF, v7  }
0x2f8: {  	v4 =	vand.u32 $0xFF, v4  }
0x2f9: {  	v6 =	vand.u32 $0xFF, v6;
	_ =	sdelay $0x1  }
0x2fa: {  	v3 =	vld [tilespmem:s10+$0x50];
	v5 =	vand.u32 $0xFF, v5  }
0x2fb: {  	v7 =	vld.idx.msk [tilespmem:v7+s23+$0x0], $0xffff  }
0x2fc: {  	v4 =	vld.idx.msk [tilespmem:v4+s23+$0x0], $0xffff  }
0x2fd: {  	v6 =	vld.idx.msk [tilespmem:v6+s23+$0x0], $0xffff;
	_ =	sdelay $0x1  }
0x2fe: {  	v3 =	vand.u32 $0xFF, v3;
	v5 =	vld.idx.msk [tilespmem:v5+s23+$0x0], $0xffff  }
0x2ff: {  	[tilespmem:s11+$0xFFFFFFC0] =	vst v7  }
0x300: {  	[tilespmem:s13+$0x40] =	vst v4;
	v7 =	vld [tilespmem:s10+$0xFFFFFFD0]  }
0x301: {  	v4 =	vld [tilespmem:s12+$0x50];
	[tilespmem:s13+$0xFFFFFFC0] =	vst v6  }
0x302: {  	[tilespmem:s8+$0x50] =	vst v2;
	v2 =	vld [tilespmem:s12+$0xFFFFFFD0]  }
0x303: {  	v3 =	vld.idx.msk [tilespmem:v3+s23+$0x0], $0xffff;
	[tilespmem:s8+$0xFFFFFFD0] =	vst v5  }
0x304: {  	v5 =	vld [tilespmem:s9+$0xFFFFFFE0]  }
0x305: {  	v7 =	vand.u32 $0xFF, v7  }
0x306: {  	v4 =	vand.u32 $0xFF, v4  }
0x307: {  	v2 =	vand.u32 $0xFF, v2  }
0x308: {  	[tilespmem:s11+$0x50] =	vst v3  }
0x309: {  	v3 =	vld [tilespmem:s10+$0x60];
	v5 =	vand.u32 $0xFF, v5  }
0x30a: {  	v7 =	vld.idx.msk [tilespmem:v7+s23+$0x0], $0xffff  }
0x30b: {  	v4 =	vld.idx.msk [tilespmem:v4+s23+$0x0], $0xffff  }
0x30c: {  	v2 =	vld.idx.msk [tilespmem:v2+s23+$0x0], $0xffff  }
0x30d: {  	v8 =	vld [tilespmem:s7+$0xFFFFFFE0]  }
0x30e: {  	v5 =	vld.idx.msk [tilespmem:v5+s23+$0x0], $0xffff  }
0x30f: {  	v6 =	vld [tilespmem:s9+$0x60];
	[tilespmem:s11+$0xFFFFFFD0] =	vst v7  }
0x310: {  	[tilespmem:s13+$0x50] =	vst v4;
	v7 =	vld [tilespmem:s10+$0xFFFFFFE0]  }
0x311: {  	v3 =	vand.u32 $0xFF, v3;
	v4 =	vld [tilespmem:s12+$0x60];
	[tilespmem:s13+$0xFFFFFFD0] =	vst v2  }
0x312: {  	v2 =	vand.u32 $0xFF, v8;
	v8 =	vld [tilespmem:s12+$0xFFFFFFE0];
	_ =	sdelay $0x1  }
0x313: {  	v9 =	vld [tilespmem:s5+$0xFFFFFFF0];
	v6 =	vand.u32 $0xFF, v6  }
0x314: {  	v1 =	vld.idx.msk [tilespmem:v1+s23+$0x0], $0xffff;
	v7 =	vand.u32 $0xFF, v7  }
0x315: {  	v3 =	vld.idx.msk [tilespmem:v3+s23+$0x0], $0xffff;
	v4 =	vand.u32 $0xFF, v4  }
0x316: {  	[tilespmem:s8+$0xFFFFFFE0] =	vst v5;
	v2 =	vld.idx.msk [tilespmem:v2+s23+$0x0], $0xffff;
	v8 =	vand.u32 $0xFF, v8  }
0x317: {  	v5 =	vld [tilespmem:s9+$0xFFFFFFF0]  }
0x318: {  	v6 =	vld.idx.msk [tilespmem:v6+s23+$0x0], $0xffff  }
0x319: {  	v7 =	vld.idx.msk [tilespmem:v7+s23+$0x0], $0xffff  }
0x31a: {  	v4 =	vld.idx.msk [tilespmem:v4+s23+$0x0], $0xffff  }
0x31b: {  	[tilespmem:s6+$0xFFFFFFE0] =	vst v2;
	v2 =	vld.idx.msk [tilespmem:v8+s23+$0x0], $0xffff  }
0x31c: {  	[tilespmem:s11+$0x60] =	vst v3;
	v8 =	vld [tilespmem:s7+$0xFFFFFFF0]  }
0x31d: {  	v3 =	vld [tilespmem:s10+$0x70];
	[tilespmem:s8+$0x60] =	vst v6  }
0x31e: {  	v6 =	vld [tilespmem:s9+$0x70];
	[tilespmem:s11+$0xFFFFFFE0] =	vst v7  }
0x31f: {  	[tilespmem:s13+$0x60] =	vst v4;
	v4 =	vand.u32 $0xFF, v9;
	v7 =	vld [tilespmem:s10+$0xFFFFFFF0]  }
0x320: {  	v5 =	vand.u32 $0xFF, v5;
	v54 =	vld [tilespmem:s12+$0x70];
	[tilespmem:s13+$0xFFFFFFE0] =	vst v2  }
0x321: {  	v2 =	vand.u32 $0xFF, v8;
	v8 =	vld [tilespmem:s12+$0xFFFFFFF0]  }
0x322: {  	v3 =	vand.u32 $0xFF, v3  }
0x323: {  	v6 =	vand.u32 $0xFF, v6  }
0x324: {  	v4 =	vld.idx.msk [tilespmem:v4+s23+$0x0], $0xffff;
	v7 =	vand.u32 $0xFF, v7  }
0x325: {  	[tilespmem:s6+$0x70] =	vst v1;
	v1 =	vld.idx.msk [tilespmem:v5+s23+$0x0], $0xffff;
	v9 =	vand.u32 $0xFF, v54  }
0x326: {  	v2 =	vld.idx.msk [tilespmem:v2+s23+$0x0], $0xffff;
	v8 =	vand.u32 $0xFF, v8  }
0x327: {  	[tilespmem:s1+$0xFFFFFFF0] =	vst v0;
	v0 =	vld.idx.msk [tilespmem:v3+s23+$0x0], $0xffff  }
0x328: {  	v6 =	vld.idx.msk [tilespmem:v6+s23+$0x0], $0xffff  }
0x329: {  	[tilespmem:s2+$0xFFFFFFF0] =	vst v4;
	v4 =	vld.idx.msk [tilespmem:v7+s23+$0x0], $0xffff  }
0x32a: {  	[tilespmem:s8+$0xFFFFFFF0] =	vst v1;
	v3 =	vld.idx.msk [tilespmem:v9+s23+$0x0], $0xffff  }
0x32b: {  	[tilespmem:s6+$0xFFFFFFF0] =	vst v2;
	v2 =	vld.idx.msk [tilespmem:v8+s23+$0x0], $0xffff  }
0x32c: {  	[tilespmem:s11+$0x70] =	vst v0  }
0x32d: {  	[tilespmem:s8+$0x70] =	vst v6  }
0x32e: {  	[tilespmem:s11+$0xFFFFFFF0] =	vst v4  }
0x32f: {  	[tilespmem:s13+$0x70] =	vst v3  }
0x330: {  	[tilespmem:s13+$0xFFFFFFF0] =	vst v2  }
0x331: {  	s1 =	rddreg [dreg:$0x11]  }
0x332: {  	[hbm4b:s1+s4] =	stream.linear.scatter [tilespmem:s28], [sflag:$0x3], $0x6400, $0x38;
	[tilespmem:$0x19180] =	vst v63  }
0x333: {  	_ = 	snop  }
0x334: {  	[tilespmem:s24], [sflag:$0x1] =	stream.linear.gather [hbm4b:s16+s4], $0x6400, $0x38;
	[tilespmem:$0x19180] =	vst v63  }
0x335: {  	_ =	swait.ge [sflag:s29], $0x6400  }
0x336: {  	[sflag:s29] =	ssyncset.done $0x0  }
0x337: {  	s15 =	simm.s32 $0x6600;
	[sflag:s29] =	ssyncadd.s32 $0xFFFF9C00  }
0x338: {  	v0 =	vld [tilespmem:s15+$0x0];
	_ =	sdelay $0x4  }
0x339: {  	v0 =	vand.u32 $0xFF, v0;
	_ =	sdelay $0x3  }
0x33a: {  	v1 =	vld [tilespmem:s15+$0xFFFFFF80]  }
0x33b: {  	v0 =	vld.idx.msk [tilespmem:v0+s23+$0x0], $0xffff;
	_ =	sdelay $0x3  }
0x33c: {  	s1 =	simm.s32 $0x12E00;
	v1 =	vand.u32 $0xFF, v1  }
0x33d: {  	[tilespmem:s1+$0x0] =	vst v0  }
0x33e: {  	v0 =	vld [tilespmem:s15+$0x10];
	_ =	sdelay $0x2  }
0x33f: {  	v1 =	vld.idx.msk [tilespmem:v1+s23+$0x0], $0xffff;
	_ =	sdelay $0x1  }
0x340: {  	v0 =	vand.u32 $0xFF, v0  }
0x341: {  	s5 =	simm.s32 $0x6700  }
0x342: {  	v2 =	vld [tilespmem:s5+$0x0]  }
0x343: {  	[tilespmem:s1+$0xFFFFFF80] =	vst v1  }
0x344: {  	v1 =	vld [tilespmem:s15+$0xFFFFFF90]  }
0x345: {  	v0 =	vld.idx.msk [tilespmem:v0+s23+$0x0], $0xffff  }
0x346: {  	v3 =	vld [tilespmem:s5+$0xFFFFFF80]  }
0x347: {  	v2 =	vand.u32 $0xFF, v2;
	_ =	sdelay $0x1  }
0x348: {  	v1 =	vand.u32 $0xFF, v1  }
0x349: {  	[tilespmem:s1+$0x10] =	vst v0  }
0x34a: {  	v3 =	vand.u32 $0xFF, v3;
	v0 =	vld [tilespmem:s15+$0x20]  }
0x34b: {  	v2 =	vld.idx.msk [tilespmem:v2+s23+$0x0], $0xffff;
	_ =	sdelay $0x1  }
0x34c: {  	v1 =	vld.idx.msk [tilespmem:v1+s23+$0x0], $0xffff;
	_ =	sdelay $0x1  }
0x34d: {  	s2 =	simm.s32 $0x12F00;
	v3 =	vld.idx.msk [tilespmem:v3+s23+$0x0], $0xffff;
	v0 =	vand.u32 $0xFF, v0  }
0x34e: {  	[tilespmem:s2+$0x0] =	vst v2  }
0x34f: {  	v2 =	vld [tilespmem:s5+$0x10]  }
0x350: {  	[tilespmem:s1+$0xFFFFFF90] =	vst v1  }
0x351: {  	v1 =	vld [tilespmem:s15+$0xFFFFFFA0]  }
0x352: {  	[tilespmem:s2+$0xFFFFFF80] =	vst v3;
	v0 =	vld.idx.msk [tilespmem:v0+s23+$0x0], $0xffff  }
0x353: {  	v3 =	vld [tilespmem:s5+$0xFFFFFF90]  }
0x354: {  	v2 =	vand.u32 $0xFF, v2;
	_ =	sdelay $0x1  }
0x355: {  	v1 =	vand.u32 $0xFF, v1  }
0x356: {  	[tilespmem:s1+$0x20] =	vst v0  }
0x357: {  	v3 =	vand.u32 $0xFF, v3;
	v0 =	vld [tilespmem:s15+$0x30]  }
0x358: {  	v2 =	vld.idx.msk [tilespmem:v2+s23+$0x0], $0xffff;
	_ =	sdelay $0x1  }
0x359: {  	s7 =	simm.s32 $0x6800;
	v1 =	vld.idx.msk [tilespmem:v1+s23+$0x0], $0xffff  }
0x35a: {  	v5 =	vld [tilespmem:s7+$0xFFFFFF80]  }
0x35b: {  	v3 =	vld.idx.msk [tilespmem:v3+s23+$0x0], $0xffff;
	v0 =	vand.u32 $0xFF, v0  }
0x35c: {  	[tilespmem:s2+$0x10] =	vst v2  }
0x35d: {  	v2 =	vld [tilespmem:s5+$0x20]  }
0x35e: {  	[tilespmem:s1+$0xFFFFFFA0] =	vst v1;
	v1 =	vld [tilespmem:s7+$0x0]  }
0x35f: {  	v5 =	vand.u32 $0xFF, v5;
	v4 =	vld [tilespmem:s15+$0xFFFFFFB0]  }
0x360: {  	[tilespmem:s2+$0xFFFFFF90] =	vst v3;
	v0 =	vld.idx.msk [tilespmem:v0+s23+$0x0], $0xffff  }
0x361: {  	v3 =	vld [tilespmem:s5+$0xFFFFFFA0]  }
0x362: {  	v2 =	vand.u32 $0xFF, v2  }
0x363: {  	v1 =	vand.u32 $0xFF, v1  }
0x364: {  	v5 =	vld.idx.msk [tilespmem:v5+s23+$0x0], $0xffff;
	v4 =	vand.u32 $0xFF, v4  }
0x365: {  	[tilespmem:s1+$0x30] =	vst v0  }
0x366: {  	v3 =	vand.u32 $0xFF, v3;
	v0 =	vld [tilespmem:s15+$0x40]  }
0x367: {  	v2 =	vld.idx.msk [tilespmem:v2+s23+$0x0], $0xffff  }
0x368: {  	s6 =	simm.s32 $0x13000;
	v1 =	vld.idx.msk [tilespmem:v1+s23+$0x0], $0xffff  }
0x369: {  	[tilespmem:s6+$0xFFFFFF80] =	vst v5;
	v4 =	vld.idx.msk [tilespmem:v4+s23+$0x0], $0xffff  }
0x36a: {  	v5 =	vld [tilespmem:s7+$0xFFFFFF90]  }
0x36b: {  	v3 =	vld.idx.msk [tilespmem:v3+s23+$0x0], $0xffff;
	v0 =	vand.u32 $0xFF, v0  }
0x36c: {  	[tilespmem:s2+$0x20] =	vst v2  }
0x36d: {  	[tilespmem:s6+$0x0] =	vst v1  }
0x36e: {  	[tilespmem:s1+$0xFFFFFFB0] =	vst v4;
	v4 =	vld [tilespmem:s5+$0x30]  }
0x36f: {  	v1 =	vld [tilespmem:s7+$0x10]  }
0x370: {  	[tilespmem:s2+$0xFFFFFFA0] =	vst v3;
	v3 =	vand.u32 $0xFF, v5;
	v0 =	vld.idx.msk [tilespmem:v0+s23+$0x0], $0xffff;
	_ =	sdelay $0x1  }
0x371: {  	s9 =	simm.s32 $0x6900  }
0x372: {  	v7 =	vld [tilespmem:s9+$0xFFFFFF80];
	v4 =	vand.u32 $0xFF, v4  }
0x373: {  	v1 =	vand.u32 $0xFF, v1  }
0x374: {  	v3 =	vld.idx.msk [tilespmem:v3+s23+$0x0], $0xffff;
	[tilespmem:s1+$0x40] =	vst v0  }
0x375: {  	v0 =	vld [tilespmem:s15+$0x50]  }
0x376: {  	v2 =	vld [tilespmem:s15+$0xFFFFFFC0]  }
0x377: {  	v7 =	vand.u32 $0xFF, v7;
	v4 =	vld.idx.msk [tilespmem:v4+s23+$0x0], $0xffff  }
0x378: {  	v1 =	vld.idx.msk [tilespmem:v1+s23+$0x0], $0xffff;
	_ =	sdelay $0x1  }
0x379: {  	v6 =	vld [tilespmem:s9+$0x0];
	v0 =	vand.u32 $0xFF, v0  }
0x37a: {  	v5 =	vld [tilespmem:s5+$0xFFFFFFB0];
	[tilespmem:s6+$0xFFFFFF90] =	vst v3;
	v2 =	vand.u32 $0xFF, v2  }
0x37b: {  	v7 =	vld.idx.msk [tilespmem:v7+s23+$0x0], $0xffff;
	[tilespmem:s2+$0x30] =	vst v4  }
0x37c: {  	[tilespmem:s6+$0x10] =	vst v1;
	v3 =	vld [tilespmem:s5+$0x40]  }
0x37d: {  	v1 =	vld [tilespmem:s7+$0x20]  }
0x37e: {  	v0 =	vld.idx.msk [tilespmem:v0+s23+$0x0], $0xffff  }
0x37f: {  	s8 =	simm.s32 $0x13100;
	v2 =	vld.idx.msk [tilespmem:v2+s23+$0x0], $0xffff;
	v4 =	vand.u32 $0xFF, v5;
	v5 =	vand.u32 $0xFF, v6  }
0x380: {  	[tilespmem:s8+$0xFFFFFF80] =	vst v7  }
0x381: {  	v7 =	vld [tilespmem:s9+$0xFFFFFF90];
	v3 =	vand.u32 $0xFF, v3  }
0x382: {  	v6 =	vld [tilespmem:s7+$0xFFFFFFA0]  }
0x383: {  	[tilespmem:s1+$0x50] =	vst v0;
	v0 =	vand.u32 $0xFF, v1  }
0x384: {  	[tilespmem:s1+$0xFFFFFFC0] =	vst v2;
	v2 =	vld.idx.msk [tilespmem:v5+s23+$0x0], $0xffff;
	_ =	sdelay $0x1  }
0x385: {  	v7 =	vand.u32 $0xFF, v7;
	v3 =	vld.idx.msk [tilespmem:v3+s23+$0x0], $0xffff  }
0x386: {  	v5 =	vand.u32 $0xFF, v6;
	v6 =	vld [tilespmem:s15+$0xFFFFFFD0]  }
0x387: {  	v0 =	vld.idx.msk [tilespmem:v0+s23+$0x0], $0xffff  }
0x388: {  	v4 =	vld.idx.msk [tilespmem:v4+s23+$0x0], $0xffff;
	[tilespmem:s8+$0x0] =	vst v2  }
0x389: {  	v2 =	vld [tilespmem:s9+$0x10]  }
0x38a: {  	v7 =	vld.idx.msk [tilespmem:v7+s23+$0x0], $0xffff;
	[tilespmem:s2+$0x40] =	vst v3  }
0x38b: {  	v3 =	vand.u32 $0xFF, v6;
	v6 =	vld [tilespmem:s5+$0x50]  }
0x38c: {  	v1 =	vld [tilespmem:s15+$0x60];
	[tilespmem:s6+$0x20] =	vst v0  }
0x38d: {  	[tilespmem:s2+$0xFFFFFFB0] =	vst v4;
	v4 =	vld [tilespmem:s7+$0x30]  }
0x38e: {  	s10 =	simm.s32 $0x6A00;
	v5 =	vld.idx.msk [tilespmem:v5+s23+$0x0], $0xffff;
	v2 =	vand.u32 $0xFF, v2  }
0x38f: {  	v8 =	vld [tilespmem:s10+$0x0]  }
0x390: {  	v55 =	vld [tilespmem:s10+$0xFFFFFF80];
	v6 =	vand.u32 $0xFF, v6  }
0x391: {  	[tilespmem:s8+$0xFFFFFF90] =	vst v7;
	v1 =	vand.u32 $0xFF, v1;
	v0 =	vld [tilespmem:s5+$0xFFFFFFC0]  }
0x392: {  	v7 =	vld [tilespmem:s9+$0xFFFFFFA0];
	v4 =	vand.u32 $0xFF, v4  }
0x393: {  	[tilespmem:s6+$0xFFFFFFA0] =	vst v5;
	v2 =	vld.idx.msk [tilespmem:v2+s23+$0x0], $0xffff  }
0x394: {  	v5 =	vld [tilespmem:s7+$0xFFFFFFB0]  }
0x395: {  	v6 =	vld.idx.msk [tilespmem:v6+s23+$0x0], $0xffff  }
0x396: {  	v1 =	vld.idx.msk [tilespmem:v1+s23+$0x0], $0xffff;
	v0 =	vand.u32 $0xFF, v0  }
0x397: {  	s12 =	simm.s32 $0x6B00;
	v4 =	vld.idx.msk [tilespmem:v4+s23+$0x0], $0xffff  }
0x398: {  	v10 =	vld [tilespmem:s12+$0x0];
	[tilespmem:s8+$0x10] =	vst v2  }
0x399: {  	v7 =	vand.u32 $0xFF, v7;
	v2 =	vld [tilespmem:s9+$0x20]  }
0x39a: {  	v11 =	vld [tilespmem:s12+$0xFFFFFF80];
	[tilespmem:s2+$0x50] =	vst v6  }
0x39b: {  	v5 =	vand.u32 $0xFF, v5;
	[tilespmem:s1+$0x60] =	vst v1;
	v0 =	vld.idx.msk [tilespmem:v0+s23+$0x0], $0xffff  }
0x39c: {  	v1 =	vand.u32 $0xFF, v8;
	v6 =	vld [tilespmem:s5+$0x60];
	[tilespmem:s6+$0x30] =	vst v4  }
0x39d: {  	v4 =	vld [tilespmem:s7+$0x40]  }
0x39e: {  	v7 =	vld.idx.msk [tilespmem:v7+s23+$0x0], $0xffff;
	v2 =	vand.u32 $0xFF, v2  }
0x39f: {  	v3 =	vld.idx.msk [tilespmem:v3+s23+$0x0], $0xffff  }
0x3a0: {  	[tilespmem:s2+$0xFFFFFFC0] =	vst v0;
	v0 =	vld.idx.msk [tilespmem:v5+s23+$0x0], $0xffff;
	v5 =	vand.u32 $0xFF, v55  }
0x3a1: {  	v1 =	vld.idx.msk [tilespmem:v1+s23+$0x0], $0xffff;
	v6 =	vand.u32 $0xFF, v6  }
0x3a2: {  	v8 =	vld [tilespmem:s15+$0x70];
	v4 =	vand.u32 $0xFF, v4  }
0x3a3: {  	v2 =	vld.idx.msk [tilespmem:v2+s23+$0x0], $0xffff  }
0x3a4: {  	[tilespmem:s1+$0xFFFFFFD0] =	vst v3;
	v3 =	vld [tilespmem:s5+$0xFFFFFFD0]  }
0x3a5: {  	s11 =	simm.s32 $0x13200;
	v5 =	vld.idx.msk [tilespmem:v5+s23+$0x0], $0xffff  }
0x3a6: {  	[tilespmem:s11+$0x0] =	vst v1;
	v1 =	vld.idx.msk [tilespmem:v6+s23+$0x0], $0xffff  }
0x3a7: {  	v4 =	vld.idx.msk [tilespmem:v4+s23+$0x0], $0xffff  }
0x3a8: {  	[tilespmem:s6+$0xFFFFFFB0] =	vst v0;
	v0 =	vld [tilespmem:s10+$0x10]  }
0x3a9: {  	[tilespmem:s8+$0x20] =	vst v2;
	v2 =	vld [tilespmem:s7+$0xFFFFFFC0]  }
0x3aa: {  	v6 =	vand.u32 $0xFF, v8;
	[tilespmem:s11+$0xFFFFFF80] =	vst v5;
	v5 =	vld [tilespmem:s9+$0x30]  }
0x3ab: {  	[tilespmem:s8+$0xFFFFFFA0] =	vst v7;
	v3 =	vand.u32 $0xFF, v3;
	v8 =	vld [tilespmem:s10+$0xFFFFFF90]  }
0x3ac: {  	v7 =	vld [tilespmem:s9+$0xFFFFFFB0];
	[tilespmem:s6+$0x40] =	vst v4  }
0x3ad: {  	v0 =	vand.u32 $0xFF, v0;
	v57 =	vld [tilespmem:s7+$0x50]  }
0x3ae: {  	v56 =	vld [tilespmem:s15+$0xFFFFFFE0];
	[tilespmem:s2+$0x60] =	vst v1;
	v1 =	vand.u32 $0xFF, v2  }
0x3af: {  	v6 =	vld.idx.msk [tilespmem:v6+s23+$0x0], $0xffff;
	v5 =	vand.u32 $0xFF, v5  }
0x3b0: {  	v3 =	vld.idx.msk [tilespmem:v3+s23+$0x0], $0xffff;
	v8 =	vand.u32 $0xFF, v8  }
0x3b1: {  	v2 =	vld [tilespmem:s5+$0x70]  }
0x3b2: {  	v0 =	vld.idx.msk [tilespmem:v0+s23+$0x0], $0xffff;
	v9 =	vand.u32 $0xFF, v57  }
0x3b3: {  	v1 =	vld.idx.msk [tilespmem:v1+s23+$0x0], $0xffff  }
0x3b4: {  	v4 =	vand.u32 $0xFF, v56;
	v5 =	vld.idx.msk [tilespmem:v5+s23+$0x0], $0xffff  }
0x3b5: {  	[tilespmem:s2+$0xFFFFFFD0] =	vst v3;
	v8 =	vld.idx.msk [tilespmem:v8+s23+$0x0], $0xffff  }
0x3b6: {  	v59 =	vld [tilespmem:s5+$0xFFFFFFE0]  }
0x3b7: {  	v2 =	vand.u32 $0xFF, v2;
	[tilespmem:s11+$0x10] =	vst v0;
	v9 =	vld.idx.msk [tilespmem:v9+s23+$0x0], $0xffff  }
0x3b8: {  	v0 =	vand.u32 $0xFF, v7;
	v7 =	vld [tilespmem:s10+$0x20]  }
0x3b9: {  	v3 =	vand.u32 $0xFF, v11;
	v4 =	vld.idx.msk [tilespmem:v4+s23+$0x0], $0xffff;
	[tilespmem:s8+$0x30] =	vst v5  }
0x3ba: {  	[tilespmem:s11+$0xFFFFFF90] =	vst v8;
	v5 =	vld [tilespmem:s9+$0x40]  }
0x3bb: {  	v8 =	vand.u32 $0xFF, v10;
	v58 =	vld [tilespmem:s10+$0xFFFFFFA0]  }
0x3bc: {  	v2 =	vld.idx.msk [tilespmem:v2+s23+$0x0], $0xffff;
	[tilespmem:s6+$0x50] =	vst v9  }
0x3bd: {  	v9 =	vld [tilespmem:s7+$0x60]  }
0x3be: {  	[tilespmem:s6+$0xFFFFFFC0] =	vst v1;
	v3 =	vld.idx.msk [tilespmem:v3+s23+$0x0], $0xffff;
	v1 =	vand.u32 $0xFF, v7  }
0x3bf: {  	v0 =	vld.idx.msk [tilespmem:v0+s23+$0x0], $0xffff;
	v5 =	vand.u32 $0xFF, v5  }
0x3c0: {  	[tilespmem:s1+$0xFFFFFFE0] =	vst v4;
	v4 =	vld.idx.msk [tilespmem:v8+s23+$0x0], $0xffff;
	v8 =	vand.u32 $0xFF, v58  }
0x3c1: {  	v7 =	vld [tilespmem:s7+$0xFFFFFFD0]  }
0x3c2: {  	v60 =	vld [tilespmem:s15+$0xFFFFFFF0];
	v9 =	vand.u32 $0xFF, v9  }
0x3c3: {  	v1 =	vld.idx.msk [tilespmem:v1+s23+$0x0], $0xffff  }
0x3c4: {  	s13 =	simm.s32 $0x13300;
	v5 =	vld.idx.msk [tilespmem:v5+s23+$0x0], $0xffff  }
0x3c5: {  	[tilespmem:s13+$0x0] =	vst v4;
	v8 =	vld.idx.msk [tilespmem:v8+s23+$0x0], $0xffff  }
0x3c6: {  	[tilespmem:s8+$0xFFFFFFB0] =	vst v0;
	v0 =	vld [tilespmem:s12+$0x10]  }
0x3c7: {  	[tilespmem:s13+$0xFFFFFF80] =	vst v3;
	v7 =	vand.u32 $0xFF, v7;
	v4 =	vld.idx.msk [tilespmem:v9+s23+$0x0], $0xffff  }
0x3c8: {  	[tilespmem:s11+$0x20] =	vst v1;
	v1 =	vld [tilespmem:s9+$0xFFFFFFC0]  }
0x3c9: {  	v62 =	vld [tilespmem:s12+$0xFFFFFF90]  }
0x3ca: {  	v61 =	vand.u32 $0xFF, v59;
	v3 =	vld [tilespmem:s10+$0x30];
	[tilespmem:s8+$0x40] =	vst v5  }
0x3cb: {  	v5 =	vand.u32 $0xFF, v60;
	[tilespmem:s11+$0xFFFFFFA0] =	vst v8;
	v8 =	vld [tilespmem:s9+$0x50]  }
0x3cc: {  	v14 =	vld.idx.msk [tilespmem:v7+s23+$0x0], $0xffff;
	v63 =	vand.u32 $0xFF, v0;
	[tilespmem:s6+$0x60] =	vst v4  }
0x3cd: {  	v1 =	vand.u32 $0xFF, v1;
	v13 =	vld [tilespmem:s7+$0x70]  }
0x3ce: {  	v11 =	vand.u32 $0xFF, v62;
	v12 =	vld [tilespmem:s10+$0xFFFFFFB0]  }
0x3cf: {  	v9 =	vld.idx.msk [tilespmem:v61+s23+$0x0], $0xffff;
	v4 =	vand.u32 $0xFF, v3  }
0x3d0: {  	v0 =	vld.idx.msk [tilespmem:v5+s23+$0x0], $0xffff;
	v8 =	vand.u32 $0xFF, v8  }
0x3d1: {  	v7 =	vld.idx.msk [tilespmem:v63+s23+$0x0], $0xffff  }
0x3d2: {  	[tilespmem:s1+$0x70] =	vst v6;
	v3 =	vld.idx.msk [tilespmem:v1+s23+$0x0], $0xffff;
	v1 =	vand.u32 $0xFF, v13  }
0x3d3: {  	[tilespmem:s2+$0x70] =	vst v2;
	v6 =	vld.idx.msk [tilespmem:v11+s23+$0x0], $0xffff  }
0x3d4: {  	[tilespmem:s6+$0xFFFFFFD0] =	vst v14;
	v5 =	vld.idx.msk [tilespmem:v4+s23+$0x0], $0xffff  }
0x3d5: {  	s14 =	simm.s32 $0x500;
	s15 =	simm.s32 $0x6C00;
	[tilespmem:s2+$0xFFFFFFE0] =	vst v9;
	v2 =	vld.idx.msk [tilespmem:v8+s23+$0x0], $0xffff;
	v4 =	vand.u32 $0xFF, v12  }
.LBB2_12:
0x3d6: {  	v8 =	vld [tilespmem:s15+$0x0];
	s14 =	sadd.s32 $0x100, s14;
	[tilespmem:s1+$0xFFFFFFF0] =	vst v0;
	s1 =	smov.u32 s2;
	s2 =	smov.u32 s6  }
0x3d7: {  	s6 =	smov.u32 s8;
	s8 =	smov.u32 s11;
	p0 =	slt.u32 s14, $0x6300;
	[tilespmem:s13+$0x10] =	vst v7;
	v0 =	vld.idx.msk [tilespmem:v1+s23+$0x0], $0xffff  }
0x3d8: {  	s11 =	smov.u32 s13;
	v1 =	vld [tilespmem:s12+$0x20];
	[tilespmem:s6+$0xFFFFFFC0] =	vst v3  }
0x3d9: {  	v3 =	vld [tilespmem:s15+$0xFFFFFF80];
	[tilespmem:s8+$0x30] =	vst v5  }
0x3da: {  	[tilespmem:s13+$0xFFFFFF90] =	vst v6;
	v5 =	vld [tilespmem:s10+$0x40]  }
0x3db: {  	v6 =	vand.u32 $0xFF, v8;
	v7 =	vld [tilespmem:s12+$0xFFFFFFA0];
	[tilespmem:s6+$0x50] =	vst v2  }
0x3dc: {  	v2 =	vld [tilespmem:s9+$0x60]  }
0x3dd: {  	v1 =	vand.u32 $0xFF, v1;
	v4 =	vld.idx.msk [tilespmem:v4+s23+$0x0], $0xffff;
	[tilespmem:s2+$0x70] =	vst v0  }
0x3de: {  	v0 =	vand.u32 $0xFF, v3;
	v3 =	vld [tilespmem:s9+$0xFFFFFFD0]  }
0x3df: {  	v5 =	vand.u32 $0xFF, v5;
	v8 =	vld [tilespmem:s7+$0xFFFFFFE0]  }
0x3e0: {  	v6 =	vld.idx.msk [tilespmem:v6+s23+$0x0], $0xffff;
	v7 =	vand.u32 $0xFF, v7  }
0x3e1: {  	v2 =	vand.u32 $0xFF, v2;
	v9 =	vld [tilespmem:s5+$0xFFFFFFF0];
	s5 =	smov.u32 s7;
	s7 =	smov.u32 s9;
	s9 =	smov.u32 s10  }
0x3e2: {  	s10 =	smov.u32 s12;
	s12 =	smov.u32 s15;
	v1 =	vld.idx.msk [tilespmem:v1+s23+$0x0], $0xffff  }
0x3e3: {  	v0 =	vld.idx.msk [tilespmem:v0+s23+$0x0], $0xffff;
	[tilespmem:s8+$0xFFFFFFB0] =	vst v4;
	v3 =	vand.u32 $0xFF, v3  }
0x3e4: {  	v4 =	vld.idx.msk [tilespmem:v5+s23+$0x0], $0xffff;
	v5 =	vand.u32 $0xFF, v8  }
0x3e5: {  	s13 =	sadd.s32 $0x100, s13;
	v7 =	vld.idx.msk [tilespmem:v7+s23+$0x0], $0xffff  }
0x3e6: {  	[tilespmem:s13+$0x0] =	vst v6;
	v2 =	vld.idx.msk [tilespmem:v2+s23+$0x0], $0xffff;
	v6 =	vand.u32 $0xFF, v9  }
0x3e7: {  	v8 =	vld [tilespmem:s15+$0x10]  }
0x3e8: {  	[tilespmem:s11+$0x20] =	vst v1;
	v1 =	vld [tilespmem:s9+$0xFFFFFFC0]  }
0x3e9: {  	[tilespmem:s13+$0xFFFFFF80] =	vst v0;
	v0 =	vld [tilespmem:s10+$0x30]  }
0x3ea: {  	v9 =	vld [tilespmem:s15+$0xFFFFFF90];
	[tilespmem:s8+$0x40] =	vst v4  }
0x3eb: {  	[tilespmem:s11+$0xFFFFFFA0] =	vst v7;
	v4 =	vld [tilespmem:s9+$0x50]  }
0x3ec: {  	v7 =	vand.u32 $0xFF, v8;
	v8 =	vld [tilespmem:s10+$0xFFFFFFB0];
	[tilespmem:s6+$0x60] =	vst v2  }
0x3ed: {  	v1 =	vand.u32 $0xFF, v1;
	v2 =	vld [tilespmem:s7+$0x70]  }
0x3ee: {  	v10 =	vand.u32 $0xFF, v0;
	v11 =	vld.idx.msk [tilespmem:v3+s23+$0x0], $0xffff  }
0x3ef: {  	v9 =	vand.u32 $0xFF, v9;
	v12 =	vld.idx.msk [tilespmem:v5+s23+$0x0], $0xffff  }
0x3f0: {  	v13 =	vand.u32 $0xFF, v4;
	v0 =	vld.idx.msk [tilespmem:v6+s23+$0x0], $0xffff  }
.Ltmp5:
0x3f1: {  	v7 =	vld.idx.msk [tilespmem:v7+s23+$0x0], $0xffff;
	v4 =	vand.u32 $0xFF, v8;
	(pc) =	sbr.rel @p0 .LBB2_12-.Ltmp5, $4  }
0x3f2: {  	v3 =	vld.idx.msk [tilespmem:v1+s23+$0x0], $0xffff;
	v1 =	vand.u32 $0xFF, v2  }
0x3f3: {  	v5 =	vld.idx.msk [tilespmem:v10+s23+$0x0], $0xffff  }
0x3f4: {  	v6 =	vld.idx.msk [tilespmem:v9+s23+$0x0], $0xffff;
	[tilespmem:s6+$0xFFFFFFD0] =	vst v11  }
0x3f5: {  	s15 =	sadd.s32 $0x100, s15;
	v2 =	vld.idx.msk [tilespmem:v13+s23+$0x0], $0xffff;
	[tilespmem:s2+$0xFFFFFFE0] =	vst v12  }
0x3f6: {  	_ =	sdelay $0x1  }
0x3f7: {  	[tilespmem:s13+$0x10] =	vst v7  }
0x3f8: {  	v7 =	vld [tilespmem:s12+$0x20];
	[tilespmem:s13+$0xFFFFFF90] =	vst v6  }
0x3f9: {  	v6 =	vld [tilespmem:s12+$0xFFFFFFA0];
	_ =	sdelay $0x3  }
0x3fa: {  	v7 =	vand.u32 $0xFF, v7  }
0x3fb: {  	v6 =	vand.u32 $0xFF, v6;
	_ =	sdelay $0x3  }
0x3fc: {  	v7 =	vld.idx.msk [tilespmem:v7+s23+$0x0], $0xffff  }
0x3fd: {  	v6 =	vld.idx.msk [tilespmem:v6+s23+$0x0], $0xffff;
	_ =	sdelay $0x3  }
0x3fe: {  	[tilespmem:s13+$0x20] =	vst v7  }
0x3ff: {  	v7 =	vld [tilespmem:s12+$0x30];
	[tilespmem:s13+$0xFFFFFFA0] =	vst v6  }
0x400: {  	v6 =	vld [tilespmem:s12+$0xFFFFFFB0];
	_ =	sdelay $0x1  }
0x401: {  	[tilespmem:s11+$0x30] =	vst v5  }
0x402: {  	v5 =	vld [tilespmem:s10+$0x40]  }
0x403: {  	v7 =	vand.u32 $0xFF, v7  }
0x404: {  	v6 =	vand.u32 $0xFF, v6;
	_ =	sdelay $0x2  }
0x405: {  	v4 =	vld.idx.msk [tilespmem:v4+s23+$0x0], $0xffff;
	v5 =	vand.u32 $0xFF, v5  }
0x406: {  	v7 =	vld.idx.msk [tilespmem:v7+s23+$0x0], $0xffff  }
0x407: {  	v6 =	vld.idx.msk [tilespmem:v6+s23+$0x0], $0xffff;
	_ =	sdelay $0x2  }
0x408: {  	[tilespmem:s11+$0xFFFFFFB0] =	vst v4;
	v5 =	vld.idx.msk [tilespmem:v5+s23+$0x0], $0xffff  }
0x409: {  	[tilespmem:s13+$0x30] =	vst v7;
	v7 =	vld [tilespmem:s10+$0xFFFFFFC0]  }
0x40a: {  	v4 =	vld [tilespmem:s12+$0x40];
	[tilespmem:s13+$0xFFFFFFB0] =	vst v6  }
0x40b: {  	v6 =	vld [tilespmem:s12+$0xFFFFFFC0]  }
0x40c: {  	[tilespmem:s8+$0xFFFFFFC0] =	vst v3  }
0x40d: {  	[tilespmem:s11+$0x40] =	vst v5;
	v5 =	vld [tilespmem:s9+$0xFFFFFFD0]  }
0x40e: {  	v7 =	vand.u32 $0xFF, v7  }
0x40f: {  	v4 =	vand.u32 $0xFF, v4  }
0x410: {  	v6 =	vand.u32 $0xFF, v6;
	_ =	sdelay $0x1  }
0x411: {  	v3 =	vld [tilespmem:s10+$0x50];
	v5 =	vand.u32 $0xFF, v5  }
0x412: {  	v7 =	vld.idx.msk [tilespmem:v7+s23+$0x0], $0xffff  }
0x413: {  	v4 =	vld.idx.msk [tilespmem:v4+s23+$0x0], $0xffff  }
0x414: {  	v6 =	vld.idx.msk [tilespmem:v6+s23+$0x0], $0xffff;
	_ =	sdelay $0x1  }
0x415: {  	v3 =	vand.u32 $0xFF, v3;
	v5 =	vld.idx.msk [tilespmem:v5+s23+$0x0], $0xffff  }
0x416: {  	[tilespmem:s11+$0xFFFFFFC0] =	vst v7  }
0x417: {  	[tilespmem:s13+$0x40] =	vst v4;
	v7 =	vld [tilespmem:s10+$0xFFFFFFD0]  }
0x418: {  	v4 =	vld [tilespmem:s12+$0x50];
	[tilespmem:s13+$0xFFFFFFC0] =	vst v6  }
0x419: {  	[tilespmem:s8+$0x50] =	vst v2;
	v2 =	vld [tilespmem:s12+$0xFFFFFFD0]  }
0x41a: {  	v3 =	vld.idx.msk [tilespmem:v3+s23+$0x0], $0xffff;
	[tilespmem:s8+$0xFFFFFFD0] =	vst v5  }
0x41b: {  	v5 =	vld [tilespmem:s9+$0xFFFFFFE0]  }
0x41c: {  	v7 =	vand.u32 $0xFF, v7  }
0x41d: {  	v4 =	vand.u32 $0xFF, v4  }
0x41e: {  	v2 =	vand.u32 $0xFF, v2  }
0x41f: {  	[tilespmem:s11+$0x50] =	vst v3  }
0x420: {  	v3 =	vld [tilespmem:s10+$0x60];
	v5 =	vand.u32 $0xFF, v5  }
0x421: {  	v7 =	vld.idx.msk [tilespmem:v7+s23+$0x0], $0xffff  }
0x422: {  	v4 =	vld.idx.msk [tilespmem:v4+s23+$0x0], $0xffff  }
0x423: {  	v2 =	vld.idx.msk [tilespmem:v2+s23+$0x0], $0xffff  }
0x424: {  	v8 =	vld [tilespmem:s7+$0xFFFFFFE0]  }
0x425: {  	v5 =	vld.idx.msk [tilespmem:v5+s23+$0x0], $0xffff  }
0x426: {  	v6 =	vld [tilespmem:s9+$0x60];
	[tilespmem:s11+$0xFFFFFFD0] =	vst v7  }
0x427: {  	[tilespmem:s13+$0x50] =	vst v4;
	v7 =	vld [tilespmem:s10+$0xFFFFFFE0]  }
0x428: {  	v3 =	vand.u32 $0xFF, v3;
	v4 =	vld [tilespmem:s12+$0x60];
	[tilespmem:s13+$0xFFFFFFD0] =	vst v2  }
0x429: {  	v2 =	vand.u32 $0xFF, v8;
	v8 =	vld [tilespmem:s12+$0xFFFFFFE0];
	_ =	sdelay $0x1  }
0x42a: {  	v9 =	vld [tilespmem:s5+$0xFFFFFFF0];
	v6 =	vand.u32 $0xFF, v6  }
0x42b: {  	v1 =	vld.idx.msk [tilespmem:v1+s23+$0x0], $0xffff;
	v7 =	vand.u32 $0xFF, v7  }
0x42c: {  	v3 =	vld.idx.msk [tilespmem:v3+s23+$0x0], $0xffff;
	v4 =	vand.u32 $0xFF, v4  }
0x42d: {  	[tilespmem:s8+$0xFFFFFFE0] =	vst v5;
	v2 =	vld.idx.msk [tilespmem:v2+s23+$0x0], $0xffff;
	v8 =	vand.u32 $0xFF, v8  }
0x42e: {  	v5 =	vld [tilespmem:s9+$0xFFFFFFF0]  }
0x42f: {  	v6 =	vld.idx.msk [tilespmem:v6+s23+$0x0], $0xffff  }
0x430: {  	v7 =	vld.idx.msk [tilespmem:v7+s23+$0x0], $0xffff  }
0x431: {  	v4 =	vld.idx.msk [tilespmem:v4+s23+$0x0], $0xffff  }
0x432: {  	[tilespmem:s6+$0xFFFFFFE0] =	vst v2;
	v2 =	vld.idx.msk [tilespmem:v8+s23+$0x0], $0xffff  }
0x433: {  	[tilespmem:s11+$0x60] =	vst v3;
	v8 =	vld [tilespmem:s7+$0xFFFFFFF0]  }
0x434: {  	v3 =	vld [tilespmem:s10+$0x70];
	[tilespmem:s8+$0x60] =	vst v6  }
0x435: {  	v6 =	vld [tilespmem:s9+$0x70];
	[tilespmem:s11+$0xFFFFFFE0] =	vst v7  }
0x436: {  	[tilespmem:s13+$0x60] =	vst v4;
	v4 =	vand.u32 $0xFF, v9;
	v7 =	vld [tilespmem:s10+$0xFFFFFFF0]  }
0x437: {  	v5 =	vand.u32 $0xFF, v5;
	v54 =	vld [tilespmem:s12+$0x70];
	[tilespmem:s13+$0xFFFFFFE0] =	vst v2  }
0x438: {  	v2 =	vand.u32 $0xFF, v8;
	v8 =	vld [tilespmem:s12+$0xFFFFFFF0]  }
0x439: {  	v3 =	vand.u32 $0xFF, v3  }
0x43a: {  	v6 =	vand.u32 $0xFF, v6  }
0x43b: {  	v4 =	vld.idx.msk [tilespmem:v4+s23+$0x0], $0xffff;
	v7 =	vand.u32 $0xFF, v7  }
0x43c: {  	[tilespmem:s6+$0x70] =	vst v1;
	v1 =	vld.idx.msk [tilespmem:v5+s23+$0x0], $0xffff;
	v9 =	vand.u32 $0xFF, v54  }
0x43d: {  	v2 =	vld.idx.msk [tilespmem:v2+s23+$0x0], $0xffff;
	v8 =	vand.u32 $0xFF, v8  }
0x43e: {  	[tilespmem:s1+$0xFFFFFFF0] =	vst v0;
	v0 =	vld.idx.msk [tilespmem:v3+s23+$0x0], $0xffff  }
0x43f: {  	v6 =	vld.idx.msk [tilespmem:v6+s23+$0x0], $0xffff  }
0x440: {  	[tilespmem:s2+$0xFFFFFFF0] =	vst v4;
	v4 =	vld.idx.msk [tilespmem:v7+s23+$0x0], $0xffff  }
0x441: {  	[tilespmem:s8+$0xFFFFFFF0] =	vst v1;
	v3 =	vld.idx.msk [tilespmem:v9+s23+$0x0], $0xffff  }
0x442: {  	[tilespmem:s6+$0xFFFFFFF0] =	vst v2;
	v2 =	vld.idx.msk [tilespmem:v8+s23+$0x0], $0xffff  }
0x443: {  	[tilespmem:s11+$0x70] =	vst v0  }
0x444: {  	[tilespmem:s8+$0x70] =	vst v6  }
0x445: {  	[tilespmem:s11+$0xFFFFFFF0] =	vst v4  }
0x446: {  	[tilespmem:s13+$0x70] =	vst v3  }
0x447: {  	[tilespmem:s13+$0xFFFFFFF0] =	vst v2  }
0x448: {  	[hbm4b:s17+s4] =	stream.linear.scatter [tilespmem:s30], [sflag:$0x4], $0x6400, $0x38;
	[tilespmem:$0x19180] =	vst v63  }
0x449: {  	_ = 	snop  }
0x44a: {  	[tilespmem:s25], [sflag:$0x2] =	stream.linear.gather [hbm4b:s18+s4], $0x6400, $0x38;
	[tilespmem:$0x19180] =	vst v63  }
0x44b: {  	_ =	swait.ge [sflag:s26], $0x6400  }
0x44c: {  	[sflag:s26] =	ssyncset.done $0x0  }
0x44d: {  	[sflag:s26] =	ssyncadd.s32 $0xFFFF9C00  }
0x44e: {  	_ =	swait.ge [sflag:s31], $0x6400  }
0x44f: {  	[sflag:s31] =	ssyncset.done $0x0  }
0x450: {  	s15 =	simm.s32 $0x200;
	[sflag:s31] =	ssyncadd.s32 $0xFFFF9C00  }
0x451: {  	v0 =	vld [tilespmem:s15+$0x0];
	_ =	sdelay $0x4  }
0x452: {  	v0 =	vand.u32 $0xFF, v0;
	_ =	sdelay $0x3  }
0x453: {  	v1 =	vld [tilespmem:s15+$0xFFFFFF80]  }
0x454: {  	v0 =	vld.idx.msk [tilespmem:v0+s23+$0x0], $0xffff;
	_ =	sdelay $0x3  }
0x455: {  	s1 =	simm.s32 $0xCA00;
	v1 =	vand.u32 $0xFF, v1  }
0x456: {  	[tilespmem:s1+$0x0] =	vst v0  }
0x457: {  	v0 =	vld [tilespmem:s15+$0x10];
	_ =	sdelay $0x2  }
0x458: {  	v1 =	vld.idx.msk [tilespmem:v1+s23+$0x0], $0xffff;
	_ =	sdelay $0x1  }
0x459: {  	v0 =	vand.u32 $0xFF, v0  }
0x45a: {  	s5 =	simm.s32 $0x300  }
0x45b: {  	v2 =	vld [tilespmem:s5+$0x0]  }
0x45c: {  	[tilespmem:s1+$0xFFFFFF80] =	vst v1  }
0x45d: {  	v1 =	vld [tilespmem:s15+$0xFFFFFF90]  }
0x45e: {  	v0 =	vld.idx.msk [tilespmem:v0+s23+$0x0], $0xffff  }
0x45f: {  	v3 =	vld [tilespmem:s5+$0xFFFFFF80]  }
0x460: {  	v2 =	vand.u32 $0xFF, v2;
	_ =	sdelay $0x1  }
0x461: {  	v1 =	vand.u32 $0xFF, v1  }
0x462: {  	[tilespmem:s1+$0x10] =	vst v0  }
0x463: {  	v3 =	vand.u32 $0xFF, v3;
	v0 =	vld [tilespmem:s15+$0x20]  }
0x464: {  	v2 =	vld.idx.msk [tilespmem:v2+s23+$0x0], $0xffff;
	_ =	sdelay $0x1  }
0x465: {  	v1 =	vld.idx.msk [tilespmem:v1+s23+$0x0], $0xffff;
	_ =	sdelay $0x1  }
0x466: {  	s2 =	simm.s32 $0xCB00;
	v3 =	vld.idx.msk [tilespmem:v3+s23+$0x0], $0xffff;
	v0 =	vand.u32 $0xFF, v0  }
0x467: {  	[tilespmem:s2+$0x0] =	vst v2  }
0x468: {  	v2 =	vld [tilespmem:s5+$0x10]  }
0x469: {  	[tilespmem:s1+$0xFFFFFF90] =	vst v1  }
0x46a: {  	v1 =	vld [tilespmem:s15+$0xFFFFFFA0]  }
0x46b: {  	[tilespmem:s2+$0xFFFFFF80] =	vst v3;
	v0 =	vld.idx.msk [tilespmem:v0+s23+$0x0], $0xffff  }
0x46c: {  	v3 =	vld [tilespmem:s5+$0xFFFFFF90]  }
0x46d: {  	v2 =	vand.u32 $0xFF, v2;
	_ =	sdelay $0x1  }
0x46e: {  	v1 =	vand.u32 $0xFF, v1  }
0x46f: {  	[tilespmem:s1+$0x20] =	vst v0  }
0x470: {  	v3 =	vand.u32 $0xFF, v3;
	v0 =	vld [tilespmem:s15+$0x30]  }
0x471: {  	v2 =	vld.idx.msk [tilespmem:v2+s23+$0x0], $0xffff;
	_ =	sdelay $0x1  }
0x472: {  	s7 =	simm.s32 $0x400;
	v1 =	vld.idx.msk [tilespmem:v1+s23+$0x0], $0xffff  }
0x473: {  	v5 =	vld [tilespmem:s7+$0xFFFFFF80]  }
0x474: {  	v3 =	vld.idx.msk [tilespmem:v3+s23+$0x0], $0xffff;
	v0 =	vand.u32 $0xFF, v0  }
0x475: {  	[tilespmem:s2+$0x10] =	vst v2  }
0x476: {  	v2 =	vld [tilespmem:s5+$0x20]  }
0x477: {  	[tilespmem:s1+$0xFFFFFFA0] =	vst v1;
	v1 =	vld [tilespmem:s7+$0x0]  }
0x478: {  	v5 =	vand.u32 $0xFF, v5;
	v4 =	vld [tilespmem:s15+$0xFFFFFFB0]  }
0x479: {  	[tilespmem:s2+$0xFFFFFF90] =	vst v3;
	v0 =	vld.idx.msk [tilespmem:v0+s23+$0x0], $0xffff  }
0x47a: {  	v3 =	vld [tilespmem:s5+$0xFFFFFFA0]  }
0x47b: {  	v2 =	vand.u32 $0xFF, v2  }
0x47c: {  	v1 =	vand.u32 $0xFF, v1  }
0x47d: {  	v5 =	vld.idx.msk [tilespmem:v5+s23+$0x0], $0xffff;
	v4 =	vand.u32 $0xFF, v4  }
0x47e: {  	[tilespmem:s1+$0x30] =	vst v0  }
0x47f: {  	v3 =	vand.u32 $0xFF, v3;
	v0 =	vld [tilespmem:s15+$0x40]  }
0x480: {  	v2 =	vld.idx.msk [tilespmem:v2+s23+$0x0], $0xffff  }
0x481: {  	s6 =	simm.s32 $0xCC00;
	v1 =	vld.idx.msk [tilespmem:v1+s23+$0x0], $0xffff  }
0x482: {  	[tilespmem:s6+$0xFFFFFF80] =	vst v5;
	v4 =	vld.idx.msk [tilespmem:v4+s23+$0x0], $0xffff  }
0x483: {  	v5 =	vld [tilespmem:s7+$0xFFFFFF90]  }
0x484: {  	v3 =	vld.idx.msk [tilespmem:v3+s23+$0x0], $0xffff;
	v0 =	vand.u32 $0xFF, v0  }
0x485: {  	[tilespmem:s2+$0x20] =	vst v2  }
0x486: {  	[tilespmem:s6+$0x0] =	vst v1  }
0x487: {  	[tilespmem:s1+$0xFFFFFFB0] =	vst v4;
	v4 =	vld [tilespmem:s5+$0x30]  }
0x488: {  	v1 =	vld [tilespmem:s7+$0x10]  }
0x489: {  	[tilespmem:s2+$0xFFFFFFA0] =	vst v3;
	v3 =	vand.u32 $0xFF, v5;
	v0 =	vld.idx.msk [tilespmem:v0+s23+$0x0], $0xffff;
	_ =	sdelay $0x1  }
0x48a: {  	s9 =	simm.s32 $0x500  }
0x48b: {  	v7 =	vld [tilespmem:s9+$0xFFFFFF80];
	v4 =	vand.u32 $0xFF, v4  }
0x48c: {  	v1 =	vand.u32 $0xFF, v1  }
0x48d: {  	v3 =	vld.idx.msk [tilespmem:v3+s23+$0x0], $0xffff;
	[tilespmem:s1+$0x40] =	vst v0  }
0x48e: {  	v0 =	vld [tilespmem:s15+$0x50]  }
0x48f: {  	v2 =	vld [tilespmem:s15+$0xFFFFFFC0]  }
0x490: {  	v7 =	vand.u32 $0xFF, v7;
	v4 =	vld.idx.msk [tilespmem:v4+s23+$0x0], $0xffff  }
0x491: {  	v1 =	vld.idx.msk [tilespmem:v1+s23+$0x0], $0xffff;
	_ =	sdelay $0x1  }
0x492: {  	v6 =	vld [tilespmem:s9+$0x0];
	v0 =	vand.u32 $0xFF, v0  }
0x493: {  	v5 =	vld [tilespmem:s5+$0xFFFFFFB0];
	[tilespmem:s6+$0xFFFFFF90] =	vst v3;
	v2 =	vand.u32 $0xFF, v2  }
0x494: {  	v7 =	vld.idx.msk [tilespmem:v7+s23+$0x0], $0xffff;
	[tilespmem:s2+$0x30] =	vst v4  }
0x495: {  	[tilespmem:s6+$0x10] =	vst v1;
	v3 =	vld [tilespmem:s5+$0x40]  }
0x496: {  	v1 =	vld [tilespmem:s7+$0x20]  }
0x497: {  	v0 =	vld.idx.msk [tilespmem:v0+s23+$0x0], $0xffff  }
0x498: {  	s8 =	simm.s32 $0xCD00;
	v2 =	vld.idx.msk [tilespmem:v2+s23+$0x0], $0xffff;
	v4 =	vand.u32 $0xFF, v5;
	v5 =	vand.u32 $0xFF, v6  }
0x499: {  	[tilespmem:s8+$0xFFFFFF80] =	vst v7  }
0x49a: {  	v7 =	vld [tilespmem:s9+$0xFFFFFF90];
	v3 =	vand.u32 $0xFF, v3  }
0x49b: {  	v6 =	vld [tilespmem:s7+$0xFFFFFFA0]  }
0x49c: {  	[tilespmem:s1+$0x50] =	vst v0;
	v0 =	vand.u32 $0xFF, v1  }
0x49d: {  	[tilespmem:s1+$0xFFFFFFC0] =	vst v2;
	v2 =	vld.idx.msk [tilespmem:v5+s23+$0x0], $0xffff;
	_ =	sdelay $0x1  }
0x49e: {  	v7 =	vand.u32 $0xFF, v7;
	v3 =	vld.idx.msk [tilespmem:v3+s23+$0x0], $0xffff  }
0x49f: {  	v5 =	vand.u32 $0xFF, v6;
	v6 =	vld [tilespmem:s15+$0xFFFFFFD0]  }
0x4a0: {  	v0 =	vld.idx.msk [tilespmem:v0+s23+$0x0], $0xffff  }
0x4a1: {  	v4 =	vld.idx.msk [tilespmem:v4+s23+$0x0], $0xffff;
	[tilespmem:s8+$0x0] =	vst v2  }
0x4a2: {  	v2 =	vld [tilespmem:s9+$0x10]  }
0x4a3: {  	v7 =	vld.idx.msk [tilespmem:v7+s23+$0x0], $0xffff;
	[tilespmem:s2+$0x40] =	vst v3  }
0x4a4: {  	v3 =	vand.u32 $0xFF, v6;
	v6 =	vld [tilespmem:s5+$0x50]  }
0x4a5: {  	v1 =	vld [tilespmem:s15+$0x60];
	[tilespmem:s6+$0x20] =	vst v0  }
0x4a6: {  	[tilespmem:s2+$0xFFFFFFB0] =	vst v4;
	v4 =	vld [tilespmem:s7+$0x30]  }
0x4a7: {  	s10 =	simm.s32 $0x600;
	v5 =	vld.idx.msk [tilespmem:v5+s23+$0x0], $0xffff;
	v2 =	vand.u32 $0xFF, v2  }
0x4a8: {  	v8 =	vld [tilespmem:s10+$0x0]  }
0x4a9: {  	v55 =	vld [tilespmem:s10+$0xFFFFFF80];
	v6 =	vand.u32 $0xFF, v6  }
0x4aa: {  	[tilespmem:s8+$0xFFFFFF90] =	vst v7;
	v1 =	vand.u32 $0xFF, v1;
	v0 =	vld [tilespmem:s5+$0xFFFFFFC0]  }
0x4ab: {  	v7 =	vld [tilespmem:s9+$0xFFFFFFA0];
	v4 =	vand.u32 $0xFF, v4  }
0x4ac: {  	[tilespmem:s6+$0xFFFFFFA0] =	vst v5;
	v2 =	vld.idx.msk [tilespmem:v2+s23+$0x0], $0xffff  }
0x4ad: {  	v5 =	vld [tilespmem:s7+$0xFFFFFFB0]  }
0x4ae: {  	v6 =	vld.idx.msk [tilespmem:v6+s23+$0x0], $0xffff  }
0x4af: {  	v1 =	vld.idx.msk [tilespmem:v1+s23+$0x0], $0xffff;
	v0 =	vand.u32 $0xFF, v0  }
0x4b0: {  	s12 =	simm.s32 $0x700;
	v4 =	vld.idx.msk [tilespmem:v4+s23+$0x0], $0xffff  }
0x4b1: {  	v10 =	vld [tilespmem:s12+$0x0];
	[tilespmem:s8+$0x10] =	vst v2  }
0x4b2: {  	v7 =	vand.u32 $0xFF, v7;
	v2 =	vld [tilespmem:s9+$0x20]  }
0x4b3: {  	v11 =	vld [tilespmem:s12+$0xFFFFFF80];
	[tilespmem:s2+$0x50] =	vst v6  }
0x4b4: {  	v5 =	vand.u32 $0xFF, v5;
	[tilespmem:s1+$0x60] =	vst v1;
	v0 =	vld.idx.msk [tilespmem:v0+s23+$0x0], $0xffff  }
0x4b5: {  	v1 =	vand.u32 $0xFF, v8;
	v6 =	vld [tilespmem:s5+$0x60];
	[tilespmem:s6+$0x30] =	vst v4  }
0x4b6: {  	v4 =	vld [tilespmem:s7+$0x40]  }
0x4b7: {  	v7 =	vld.idx.msk [tilespmem:v7+s23+$0x0], $0xffff;
	v2 =	vand.u32 $0xFF, v2  }
0x4b8: {  	v3 =	vld.idx.msk [tilespmem:v3+s23+$0x0], $0xffff  }
0x4b9: {  	[tilespmem:s2+$0xFFFFFFC0] =	vst v0;
	v0 =	vld.idx.msk [tilespmem:v5+s23+$0x0], $0xffff;
	v5 =	vand.u32 $0xFF, v55  }
0x4ba: {  	v1 =	vld.idx.msk [tilespmem:v1+s23+$0x0], $0xffff;
	v6 =	vand.u32 $0xFF, v6  }
0x4bb: {  	v8 =	vld [tilespmem:s15+$0x70];
	v4 =	vand.u32 $0xFF, v4  }
0x4bc: {  	v2 =	vld.idx.msk [tilespmem:v2+s23+$0x0], $0xffff  }
0x4bd: {  	[tilespmem:s1+$0xFFFFFFD0] =	vst v3;
	v3 =	vld [tilespmem:s5+$0xFFFFFFD0]  }
0x4be: {  	s11 =	simm.s32 $0xCE00;
	v5 =	vld.idx.msk [tilespmem:v5+s23+$0x0], $0xffff  }
0x4bf: {  	[tilespmem:s11+$0x0] =	vst v1;
	v1 =	vld.idx.msk [tilespmem:v6+s23+$0x0], $0xffff  }
0x4c0: {  	v4 =	vld.idx.msk [tilespmem:v4+s23+$0x0], $0xffff  }
0x4c1: {  	[tilespmem:s6+$0xFFFFFFB0] =	vst v0;
	v0 =	vld [tilespmem:s10+$0x10]  }
0x4c2: {  	[tilespmem:s8+$0x20] =	vst v2;
	v2 =	vld [tilespmem:s7+$0xFFFFFFC0]  }
0x4c3: {  	v6 =	vand.u32 $0xFF, v8;
	[tilespmem:s11+$0xFFFFFF80] =	vst v5;
	v5 =	vld [tilespmem:s9+$0x30]  }
0x4c4: {  	[tilespmem:s8+$0xFFFFFFA0] =	vst v7;
	v3 =	vand.u32 $0xFF, v3;
	v8 =	vld [tilespmem:s10+$0xFFFFFF90]  }
0x4c5: {  	v7 =	vld [tilespmem:s9+$0xFFFFFFB0];
	[tilespmem:s6+$0x40] =	vst v4  }
0x4c6: {  	v0 =	vand.u32 $0xFF, v0;
	v57 =	vld [tilespmem:s7+$0x50]  }
0x4c7: {  	v56 =	vld [tilespmem:s15+$0xFFFFFFE0];
	[tilespmem:s2+$0x60] =	vst v1;
	v1 =	vand.u32 $0xFF, v2  }
0x4c8: {  	v6 =	vld.idx.msk [tilespmem:v6+s23+$0x0], $0xffff;
	v5 =	vand.u32 $0xFF, v5  }
0x4c9: {  	v3 =	vld.idx.msk [tilespmem:v3+s23+$0x0], $0xffff;
	v8 =	vand.u32 $0xFF, v8  }
0x4ca: {  	v2 =	vld [tilespmem:s5+$0x70]  }
0x4cb: {  	v0 =	vld.idx.msk [tilespmem:v0+s23+$0x0], $0xffff;
	v9 =	vand.u32 $0xFF, v57  }
0x4cc: {  	v1 =	vld.idx.msk [tilespmem:v1+s23+$0x0], $0xffff  }
0x4cd: {  	v4 =	vand.u32 $0xFF, v56;
	v5 =	vld.idx.msk [tilespmem:v5+s23+$0x0], $0xffff  }
0x4ce: {  	[tilespmem:s2+$0xFFFFFFD0] =	vst v3;
	v8 =	vld.idx.msk [tilespmem:v8+s23+$0x0], $0xffff  }
0x4cf: {  	v59 =	vld [tilespmem:s5+$0xFFFFFFE0]  }
0x4d0: {  	v2 =	vand.u32 $0xFF, v2;
	[tilespmem:s11+$0x10] =	vst v0;
	v9 =	vld.idx.msk [tilespmem:v9+s23+$0x0], $0xffff  }
0x4d1: {  	v0 =	vand.u32 $0xFF, v7;
	v7 =	vld [tilespmem:s10+$0x20]  }
0x4d2: {  	v3 =	vand.u32 $0xFF, v11;
	v4 =	vld.idx.msk [tilespmem:v4+s23+$0x0], $0xffff;
	[tilespmem:s8+$0x30] =	vst v5  }
0x4d3: {  	[tilespmem:s11+$0xFFFFFF90] =	vst v8;
	v5 =	vld [tilespmem:s9+$0x40]  }
0x4d4: {  	v8 =	vand.u32 $0xFF, v10;
	v58 =	vld [tilespmem:s10+$0xFFFFFFA0]  }
0x4d5: {  	v2 =	vld.idx.msk [tilespmem:v2+s23+$0x0], $0xffff;
	[tilespmem:s6+$0x50] =	vst v9  }
0x4d6: {  	v9 =	vld [tilespmem:s7+$0x60]  }
0x4d7: {  	[tilespmem:s6+$0xFFFFFFC0] =	vst v1;
	v3 =	vld.idx.msk [tilespmem:v3+s23+$0x0], $0xffff;
	v1 =	vand.u32 $0xFF, v7  }
0x4d8: {  	v0 =	vld.idx.msk [tilespmem:v0+s23+$0x0], $0xffff;
	v5 =	vand.u32 $0xFF, v5  }
0x4d9: {  	[tilespmem:s1+$0xFFFFFFE0] =	vst v4;
	v4 =	vld.idx.msk [tilespmem:v8+s23+$0x0], $0xffff;
	v8 =	vand.u32 $0xFF, v58  }
0x4da: {  	v7 =	vld [tilespmem:s7+$0xFFFFFFD0]  }
0x4db: {  	v60 =	vld [tilespmem:s15+$0xFFFFFFF0];
	v9 =	vand.u32 $0xFF, v9  }
0x4dc: {  	v1 =	vld.idx.msk [tilespmem:v1+s23+$0x0], $0xffff  }
0x4dd: {  	s13 =	simm.s32 $0xCF00;
	v5 =	vld.idx.msk [tilespmem:v5+s23+$0x0], $0xffff  }
0x4de: {  	[tilespmem:s13+$0x0] =	vst v4;
	v8 =	vld.idx.msk [tilespmem:v8+s23+$0x0], $0xffff  }
0x4df: {  	[tilespmem:s8+$0xFFFFFFB0] =	vst v0;
	v0 =	vld [tilespmem:s12+$0x10]  }
0x4e0: {  	[tilespmem:s13+$0xFFFFFF80] =	vst v3;
	v7 =	vand.u32 $0xFF, v7;
	v4 =	vld.idx.msk [tilespmem:v9+s23+$0x0], $0xffff  }
0x4e1: {  	[tilespmem:s11+$0x20] =	vst v1;
	v1 =	vld [tilespmem:s9+$0xFFFFFFC0]  }
0x4e2: {  	v62 =	vld [tilespmem:s12+$0xFFFFFF90]  }
0x4e3: {  	v61 =	vand.u32 $0xFF, v59;
	v3 =	vld [tilespmem:s10+$0x30];
	[tilespmem:s8+$0x40] =	vst v5  }
0x4e4: {  	v5 =	vand.u32 $0xFF, v60;
	[tilespmem:s11+$0xFFFFFFA0] =	vst v8;
	v8 =	vld [tilespmem:s9+$0x50]  }
0x4e5: {  	v14 =	vld.idx.msk [tilespmem:v7+s23+$0x0], $0xffff;
	v63 =	vand.u32 $0xFF, v0;
	[tilespmem:s6+$0x60] =	vst v4  }
0x4e6: {  	v1 =	vand.u32 $0xFF, v1;
	v13 =	vld [tilespmem:s7+$0x70]  }
0x4e7: {  	v11 =	vand.u32 $0xFF, v62;
	v12 =	vld [tilespmem:s10+$0xFFFFFFB0]  }
0x4e8: {  	v9 =	vld.idx.msk [tilespmem:v61+s23+$0x0], $0xffff;
	v4 =	vand.u32 $0xFF, v3  }
0x4e9: {  	v0 =	vld.idx.msk [tilespmem:v5+s23+$0x0], $0xffff;
	v8 =	vand.u32 $0xFF, v8  }
0x4ea: {  	v7 =	vld.idx.msk [tilespmem:v63+s23+$0x0], $0xffff  }
0x4eb: {  	[tilespmem:s1+$0x70] =	vst v6;
	v3 =	vld.idx.msk [tilespmem:v1+s23+$0x0], $0xffff;
	v1 =	vand.u32 $0xFF, v13  }
0x4ec: {  	[tilespmem:s2+$0x70] =	vst v2;
	v6 =	vld.idx.msk [tilespmem:v11+s23+$0x0], $0xffff  }
0x4ed: {  	[tilespmem:s6+$0xFFFFFFD0] =	vst v14;
	v5 =	vld.idx.msk [tilespmem:v4+s23+$0x0], $0xffff  }
0x4ee: {  	s14 =	simm.s32 $0x500;
	s15 =	simm.s32 $0x800;
	[tilespmem:s2+$0xFFFFFFE0] =	vst v9;
	v2 =	vld.idx.msk [tilespmem:v8+s23+$0x0], $0xffff;
	v4 =	vand.u32 $0xFF, v12  }
.LBB2_14:
0x4ef: {  	v8 =	vld [tilespmem:s15+$0x0];
	s14 =	sadd.s32 $0x100, s14;
	[tilespmem:s1+$0xFFFFFFF0] =	vst v0;
	s1 =	smov.u32 s2;
	s2 =	smov.u32 s6  }
0x4f0: {  	s6 =	smov.u32 s8;
	s8 =	smov.u32 s11;
	p0 =	slt.u32 s14, $0x6300;
	[tilespmem:s13+$0x10] =	vst v7;
	v0 =	vld.idx.msk [tilespmem:v1+s23+$0x0], $0xffff  }
0x4f1: {  	s11 =	smov.u32 s13;
	v1 =	vld [tilespmem:s12+$0x20];
	[tilespmem:s6+$0xFFFFFFC0] =	vst v3  }
0x4f2: {  	v3 =	vld [tilespmem:s15+$0xFFFFFF80];
	[tilespmem:s8+$0x30] =	vst v5  }
0x4f3: {  	[tilespmem:s13+$0xFFFFFF90] =	vst v6;
	v5 =	vld [tilespmem:s10+$0x40]  }
0x4f4: {  	v6 =	vand.u32 $0xFF, v8;
	v7 =	vld [tilespmem:s12+$0xFFFFFFA0];
	[tilespmem:s6+$0x50] =	vst v2  }
0x4f5: {  	v2 =	vld [tilespmem:s9+$0x60]  }
0x4f6: {  	v1 =	vand.u32 $0xFF, v1;
	v4 =	vld.idx.msk [tilespmem:v4+s23+$0x0], $0xffff;
	[tilespmem:s2+$0x70] =	vst v0  }
0x4f7: {  	v0 =	vand.u32 $0xFF, v3;
	v3 =	vld [tilespmem:s9+$0xFFFFFFD0]  }
0x4f8: {  	v5 =	vand.u32 $0xFF, v5;
	v8 =	vld [tilespmem:s7+$0xFFFFFFE0]  }
0x4f9: {  	v6 =	vld.idx.msk [tilespmem:v6+s23+$0x0], $0xffff;
	v7 =	vand.u32 $0xFF, v7  }
0x4fa: {  	v2 =	vand.u32 $0xFF, v2;
	v9 =	vld [tilespmem:s5+$0xFFFFFFF0];
	s5 =	smov.u32 s7;
	s7 =	smov.u32 s9;
	s9 =	smov.u32 s10  }
0x4fb: {  	s10 =	smov.u32 s12;
	s12 =	smov.u32 s15;
	v1 =	vld.idx.msk [tilespmem:v1+s23+$0x0], $0xffff  }
0x4fc: {  	v0 =	vld.idx.msk [tilespmem:v0+s23+$0x0], $0xffff;
	[tilespmem:s8+$0xFFFFFFB0] =	vst v4;
	v3 =	vand.u32 $0xFF, v3  }
0x4fd: {  	v4 =	vld.idx.msk [tilespmem:v5+s23+$0x0], $0xffff;
	v5 =	vand.u32 $0xFF, v8  }
0x4fe: {  	s13 =	sadd.s32 $0x100, s13;
	v7 =	vld.idx.msk [tilespmem:v7+s23+$0x0], $0xffff  }
0x4ff: {  	[tilespmem:s13+$0x0] =	vst v6;
	v2 =	vld.idx.msk [tilespmem:v2+s23+$0x0], $0xffff;
	v6 =	vand.u32 $0xFF, v9  }
0x500: {  	v8 =	vld [tilespmem:s15+$0x10]  }
0x501: {  	[tilespmem:s11+$0x20] =	vst v1;
	v1 =	vld [tilespmem:s9+$0xFFFFFFC0]  }
0x502: {  	[tilespmem:s13+$0xFFFFFF80] =	vst v0;
	v0 =	vld [tilespmem:s10+$0x30]  }
0x503: {  	v9 =	vld [tilespmem:s15+$0xFFFFFF90];
	[tilespmem:s8+$0x40] =	vst v4  }
0x504: {  	[tilespmem:s11+$0xFFFFFFA0] =	vst v7;
	v4 =	vld [tilespmem:s9+$0x50]  }
0x505: {  	v7 =	vand.u32 $0xFF, v8;
	v8 =	vld [tilespmem:s10+$0xFFFFFFB0];
	[tilespmem:s6+$0x60] =	vst v2  }
0x506: {  	v1 =	vand.u32 $0xFF, v1;
	v2 =	vld [tilespmem:s7+$0x70]  }
0x507: {  	v10 =	vand.u32 $0xFF, v0;
	v11 =	vld.idx.msk [tilespmem:v3+s23+$0x0], $0xffff  }
0x508: {  	v9 =	vand.u32 $0xFF, v9;
	v12 =	vld.idx.msk [tilespmem:v5+s23+$0x0], $0xffff  }
0x509: {  	v13 =	vand.u32 $0xFF, v4;
	v0 =	vld.idx.msk [tilespmem:v6+s23+$0x0], $0xffff  }
.Ltmp6:
0x50a: {  	v7 =	vld.idx.msk [tilespmem:v7+s23+$0x0], $0xffff;
	v4 =	vand.u32 $0xFF, v8;
	(pc) =	sbr.rel @p0 .LBB2_14-.Ltmp6, $4  }
0x50b: {  	v3 =	vld.idx.msk [tilespmem:v1+s23+$0x0], $0xffff;
	v1 =	vand.u32 $0xFF, v2  }
0x50c: {  	v5 =	vld.idx.msk [tilespmem:v10+s23+$0x0], $0xffff  }
0x50d: {  	v6 =	vld.idx.msk [tilespmem:v9+s23+$0x0], $0xffff;
	[tilespmem:s6+$0xFFFFFFD0] =	vst v11  }
0x50e: {  	s15 =	sadd.s32 $0x100, s15;
	v2 =	vld.idx.msk [tilespmem:v13+s23+$0x0], $0xffff;
	[tilespmem:s2+$0xFFFFFFE0] =	vst v12  }
0x50f: {  	_ =	sdelay $0x1  }
0x510: {  	[tilespmem:s13+$0x10] =	vst v7  }
0x511: {  	v7 =	vld [tilespmem:s12+$0x20];
	[tilespmem:s13+$0xFFFFFF90] =	vst v6  }
0x512: {  	v6 =	vld [tilespmem:s12+$0xFFFFFFA0];
	_ =	sdelay $0x3  }
0x513: {  	v7 =	vand.u32 $0xFF, v7  }
0x514: {  	v6 =	vand.u32 $0xFF, v6;
	_ =	sdelay $0x3  }
0x515: {  	v7 =	vld.idx.msk [tilespmem:v7+s23+$0x0], $0xffff  }
0x516: {  	v6 =	vld.idx.msk [tilespmem:v6+s23+$0x0], $0xffff;
	_ =	sdelay $0x3  }
0x517: {  	[tilespmem:s13+$0x20] =	vst v7  }
0x518: {  	v7 =	vld [tilespmem:s12+$0x30];
	[tilespmem:s13+$0xFFFFFFA0] =	vst v6  }
0x519: {  	v6 =	vld [tilespmem:s12+$0xFFFFFFB0];
	_ =	sdelay $0x1  }
0x51a: {  	[tilespmem:s11+$0x30] =	vst v5  }
0x51b: {  	v5 =	vld [tilespmem:s10+$0x40]  }
0x51c: {  	v7 =	vand.u32 $0xFF, v7  }
0x51d: {  	v6 =	vand.u32 $0xFF, v6;
	_ =	sdelay $0x2  }
0x51e: {  	v4 =	vld.idx.msk [tilespmem:v4+s23+$0x0], $0xffff;
	v5 =	vand.u32 $0xFF, v5  }
0x51f: {  	v7 =	vld.idx.msk [tilespmem:v7+s23+$0x0], $0xffff  }
0x520: {  	v6 =	vld.idx.msk [tilespmem:v6+s23+$0x0], $0xffff;
	_ =	sdelay $0x2  }
0x521: {  	[tilespmem:s11+$0xFFFFFFB0] =	vst v4;
	v5 =	vld.idx.msk [tilespmem:v5+s23+$0x0], $0xffff  }
0x522: {  	[tilespmem:s13+$0x30] =	vst v7;
	v7 =	vld [tilespmem:s10+$0xFFFFFFC0]  }
0x523: {  	v4 =	vld [tilespmem:s12+$0x40];
	[tilespmem:s13+$0xFFFFFFB0] =	vst v6  }
0x524: {  	v6 =	vld [tilespmem:s12+$0xFFFFFFC0]  }
0x525: {  	[tilespmem:s8+$0xFFFFFFC0] =	vst v3  }
0x526: {  	[tilespmem:s11+$0x40] =	vst v5;
	v5 =	vld [tilespmem:s9+$0xFFFFFFD0]  }
0x527: {  	v7 =	vand.u32 $0xFF, v7  }
0x528: {  	v4 =	vand.u32 $0xFF, v4  }
0x529: {  	v6 =	vand.u32 $0xFF, v6;
	_ =	sdelay $0x1  }
0x52a: {  	v3 =	vld [tilespmem:s10+$0x50];
	v5 =	vand.u32 $0xFF, v5  }
0x52b: {  	v7 =	vld.idx.msk [tilespmem:v7+s23+$0x0], $0xffff  }
0x52c: {  	v4 =	vld.idx.msk [tilespmem:v4+s23+$0x0], $0xffff  }
0x52d: {  	v6 =	vld.idx.msk [tilespmem:v6+s23+$0x0], $0xffff;
	_ =	sdelay $0x1  }
0x52e: {  	v3 =	vand.u32 $0xFF, v3;
	v5 =	vld.idx.msk [tilespmem:v5+s23+$0x0], $0xffff  }
0x52f: {  	[tilespmem:s11+$0xFFFFFFC0] =	vst v7  }
0x530: {  	[tilespmem:s13+$0x40] =	vst v4;
	v7 =	vld [tilespmem:s10+$0xFFFFFFD0]  }
0x531: {  	v4 =	vld [tilespmem:s12+$0x50];
	[tilespmem:s13+$0xFFFFFFC0] =	vst v6  }
0x532: {  	[tilespmem:s8+$0x50] =	vst v2;
	v2 =	vld [tilespmem:s12+$0xFFFFFFD0]  }
0x533: {  	v3 =	vld.idx.msk [tilespmem:v3+s23+$0x0], $0xffff;
	[tilespmem:s8+$0xFFFFFFD0] =	vst v5  }
0x534: {  	v5 =	vld [tilespmem:s9+$0xFFFFFFE0]  }
0x535: {  	v7 =	vand.u32 $0xFF, v7  }
0x536: {  	v4 =	vand.u32 $0xFF, v4  }
0x537: {  	v2 =	vand.u32 $0xFF, v2  }
0x538: {  	[tilespmem:s11+$0x50] =	vst v3  }
0x539: {  	v3 =	vld [tilespmem:s10+$0x60];
	v5 =	vand.u32 $0xFF, v5  }
0x53a: {  	v7 =	vld.idx.msk [tilespmem:v7+s23+$0x0], $0xffff  }
0x53b: {  	v4 =	vld.idx.msk [tilespmem:v4+s23+$0x0], $0xffff  }
0x53c: {  	v2 =	vld.idx.msk [tilespmem:v2+s23+$0x0], $0xffff  }
0x53d: {  	v8 =	vld [tilespmem:s7+$0xFFFFFFE0]  }
0x53e: {  	v5 =	vld.idx.msk [tilespmem:v5+s23+$0x0], $0xffff  }
0x53f: {  	v6 =	vld [tilespmem:s9+$0x60];
	[tilespmem:s11+$0xFFFFFFD0] =	vst v7  }
0x540: {  	[tilespmem:s13+$0x50] =	vst v4;
	v7 =	vld [tilespmem:s10+$0xFFFFFFE0]  }
0x541: {  	v3 =	vand.u32 $0xFF, v3;
	v4 =	vld [tilespmem:s12+$0x60];
	[tilespmem:s13+$0xFFFFFFD0] =	vst v2  }
0x542: {  	v2 =	vand.u32 $0xFF, v8;
	v8 =	vld [tilespmem:s12+$0xFFFFFFE0];
	_ =	sdelay $0x1  }
0x543: {  	v9 =	vld [tilespmem:s5+$0xFFFFFFF0];
	v6 =	vand.u32 $0xFF, v6  }
0x544: {  	v1 =	vld.idx.msk [tilespmem:v1+s23+$0x0], $0xffff;
	v7 =	vand.u32 $0xFF, v7  }
0x545: {  	v3 =	vld.idx.msk [tilespmem:v3+s23+$0x0], $0xffff;
	v4 =	vand.u32 $0xFF, v4  }
0x546: {  	[tilespmem:s8+$0xFFFFFFE0] =	vst v5;
	v2 =	vld.idx.msk [tilespmem:v2+s23+$0x0], $0xffff;
	v8 =	vand.u32 $0xFF, v8  }
0x547: {  	v5 =	vld [tilespmem:s9+$0xFFFFFFF0]  }
0x548: {  	v6 =	vld.idx.msk [tilespmem:v6+s23+$0x0], $0xffff  }
0x549: {  	v7 =	vld.idx.msk [tilespmem:v7+s23+$0x0], $0xffff  }
0x54a: {  	v4 =	vld.idx.msk [tilespmem:v4+s23+$0x0], $0xffff  }
0x54b: {  	[tilespmem:s6+$0xFFFFFFE0] =	vst v2;
	v2 =	vld.idx.msk [tilespmem:v8+s23+$0x0], $0xffff  }
0x54c: {  	[tilespmem:s11+$0x60] =	vst v3;
	v8 =	vld [tilespmem:s7+$0xFFFFFFF0]  }
0x54d: {  	v3 =	vld [tilespmem:s10+$0x70];
	[tilespmem:s8+$0x60] =	vst v6  }
0x54e: {  	v6 =	vld [tilespmem:s9+$0x70];
	[tilespmem:s11+$0xFFFFFFE0] =	vst v7  }
0x54f: {  	[tilespmem:s13+$0x60] =	vst v4;
	v4 =	vand.u32 $0xFF, v9;
	v7 =	vld [tilespmem:s10+$0xFFFFFFF0]  }
0x550: {  	v5 =	vand.u32 $0xFF, v5;
	v54 =	vld [tilespmem:s12+$0x70];
	[tilespmem:s13+$0xFFFFFFE0] =	vst v2  }
0x551: {  	v2 =	vand.u32 $0xFF, v8;
	v8 =	vld [tilespmem:s12+$0xFFFFFFF0]  }
0x552: {  	v3 =	vand.u32 $0xFF, v3  }
0x553: {  	v6 =	vand.u32 $0xFF, v6  }
0x554: {  	v4 =	vld.idx.msk [tilespmem:v4+s23+$0x0], $0xffff;
	v7 =	vand.u32 $0xFF, v7  }
0x555: {  	[tilespmem:s6+$0x70] =	vst v1;
	v1 =	vld.idx.msk [tilespmem:v5+s23+$0x0], $0xffff;
	v9 =	vand.u32 $0xFF, v54  }
0x556: {  	v2 =	vld.idx.msk [tilespmem:v2+s23+$0x0], $0xffff;
	v8 =	vand.u32 $0xFF, v8  }
0x557: {  	[tilespmem:s1+$0xFFFFFFF0] =	vst v0;
	v0 =	vld.idx.msk [tilespmem:v3+s23+$0x0], $0xffff  }
0x558: {  	v6 =	vld.idx.msk [tilespmem:v6+s23+$0x0], $0xffff  }
0x559: {  	[tilespmem:s2+$0xFFFFFFF0] =	vst v4;
	v4 =	vld.idx.msk [tilespmem:v7+s23+$0x0], $0xffff  }
0x55a: {  	[tilespmem:s8+$0xFFFFFFF0] =	vst v1;
	v3 =	vld.idx.msk [tilespmem:v9+s23+$0x0], $0xffff  }
0x55b: {  	[tilespmem:s6+$0xFFFFFFF0] =	vst v2;
	v2 =	vld.idx.msk [tilespmem:v8+s23+$0x0], $0xffff  }
0x55c: {  	[tilespmem:s11+$0x70] =	vst v0  }
0x55d: {  	[tilespmem:s8+$0x70] =	vst v6  }
0x55e: {  	[tilespmem:s11+$0xFFFFFFF0] =	vst v4  }
0x55f: {  	[tilespmem:s13+$0x70] =	vst v3  }
0x560: {  	[tilespmem:s13+$0xFFFFFFF0] =	vst v2  }
0x561: {  	[hbm4b:s19+s4] =	stream.linear.scatter [tilespmem:s28], [sflag:$0x3], $0x6400, $0x38;
	[tilespmem:$0x19180] =	vst v63  }
0x562: {  	_ =	swait.ge [sflag:s29], $0x6400  }
0x563: {  	[sflag:s29] =	ssyncset.done $0x0  }
0x564: {  	[sflag:s29] =	ssyncadd.s32 $0xFFFF9C00  }
0x565: {  	_ =	swait.ge [sflag:s3], $0x6400  }
0x566: {  	[sflag:s3] =	ssyncset.done $0x0  }
0x567: {  	s15 =	simm.s32 $0x6600;
	[sflag:s3] =	ssyncadd.s32 $0xFFFF9C00  }
0x568: {  	v0 =	vld [tilespmem:s15+$0x0];
	_ =	sdelay $0x4  }
0x569: {  	v0 =	vand.u32 $0xFF, v0;
	_ =	sdelay $0x3  }
0x56a: {  	v1 =	vld [tilespmem:s15+$0xFFFFFF80]  }
0x56b: {  	v0 =	vld.idx.msk [tilespmem:v0+s23+$0x0], $0xffff;
	_ =	sdelay $0x3  }
0x56c: {  	s1 =	simm.s32 $0x12E00;
	v1 =	vand.u32 $0xFF, v1  }
0x56d: {  	[tilespmem:s1+$0x0] =	vst v0  }
0x56e: {  	v0 =	vld [tilespmem:s15+$0x10];
	_ =	sdelay $0x2  }
0x56f: {  	v1 =	vld.idx.msk [tilespmem:v1+s23+$0x0], $0xffff;
	_ =	sdelay $0x1  }
0x570: {  	v0 =	vand.u32 $0xFF, v0  }
0x571: {  	s5 =	simm.s32 $0x6700  }
0x572: {  	v2 =	vld [tilespmem:s5+$0x0]  }
0x573: {  	[tilespmem:s1+$0xFFFFFF80] =	vst v1  }
0x574: {  	v1 =	vld [tilespmem:s15+$0xFFFFFF90]  }
0x575: {  	v0 =	vld.idx.msk [tilespmem:v0+s23+$0x0], $0xffff  }
0x576: {  	v3 =	vld [tilespmem:s5+$0xFFFFFF80]  }
0x577: {  	v2 =	vand.u32 $0xFF, v2;
	_ =	sdelay $0x1  }
0x578: {  	v1 =	vand.u32 $0xFF, v1  }
0x579: {  	[tilespmem:s1+$0x10] =	vst v0  }
0x57a: {  	v3 =	vand.u32 $0xFF, v3;
	v0 =	vld [tilespmem:s15+$0x20]  }
0x57b: {  	v2 =	vld.idx.msk [tilespmem:v2+s23+$0x0], $0xffff;
	_ =	sdelay $0x1  }
0x57c: {  	v1 =	vld.idx.msk [tilespmem:v1+s23+$0x0], $0xffff;
	_ =	sdelay $0x1  }
0x57d: {  	s2 =	simm.s32 $0x12F00;
	v3 =	vld.idx.msk [tilespmem:v3+s23+$0x0], $0xffff;
	v0 =	vand.u32 $0xFF, v0  }
0x57e: {  	[tilespmem:s2+$0x0] =	vst v2  }
0x57f: {  	v2 =	vld [tilespmem:s5+$0x10]  }
0x580: {  	[tilespmem:s1+$0xFFFFFF90] =	vst v1  }
0x581: {  	v1 =	vld [tilespmem:s15+$0xFFFFFFA0]  }
0x582: {  	[tilespmem:s2+$0xFFFFFF80] =	vst v3;
	v0 =	vld.idx.msk [tilespmem:v0+s23+$0x0], $0xffff  }
0x583: {  	v3 =	vld [tilespmem:s5+$0xFFFFFF90]  }
0x584: {  	v2 =	vand.u32 $0xFF, v2;
	_ =	sdelay $0x1  }
0x585: {  	v1 =	vand.u32 $0xFF, v1  }
0x586: {  	[tilespmem:s1+$0x20] =	vst v0  }
0x587: {  	v3 =	vand.u32 $0xFF, v3;
	v0 =	vld [tilespmem:s15+$0x30]  }
0x588: {  	v2 =	vld.idx.msk [tilespmem:v2+s23+$0x0], $0xffff;
	_ =	sdelay $0x1  }
0x589: {  	s7 =	simm.s32 $0x6800;
	v1 =	vld.idx.msk [tilespmem:v1+s23+$0x0], $0xffff  }
0x58a: {  	v5 =	vld [tilespmem:s7+$0xFFFFFF80]  }
0x58b: {  	v3 =	vld.idx.msk [tilespmem:v3+s23+$0x0], $0xffff;
	v0 =	vand.u32 $0xFF, v0  }
0x58c: {  	[tilespmem:s2+$0x10] =	vst v2  }
0x58d: {  	v2 =	vld [tilespmem:s5+$0x20]  }
0x58e: {  	[tilespmem:s1+$0xFFFFFFA0] =	vst v1;
	v1 =	vld [tilespmem:s7+$0x0]  }
0x58f: {  	v5 =	vand.u32 $0xFF, v5;
	v4 =	vld [tilespmem:s15+$0xFFFFFFB0]  }
0x590: {  	[tilespmem:s2+$0xFFFFFF90] =	vst v3;
	v0 =	vld.idx.msk [tilespmem:v0+s23+$0x0], $0xffff  }
0x591: {  	v3 =	vld [tilespmem:s5+$0xFFFFFFA0]  }
0x592: {  	v2 =	vand.u32 $0xFF, v2  }
0x593: {  	v1 =	vand.u32 $0xFF, v1  }
0x594: {  	v5 =	vld.idx.msk [tilespmem:v5+s23+$0x0], $0xffff;
	v4 =	vand.u32 $0xFF, v4  }
0x595: {  	[tilespmem:s1+$0x30] =	vst v0  }
0x596: {  	v3 =	vand.u32 $0xFF, v3;
	v0 =	vld [tilespmem:s15+$0x40]  }
0x597: {  	v2 =	vld.idx.msk [tilespmem:v2+s23+$0x0], $0xffff  }
0x598: {  	s6 =	simm.s32 $0x13000;
	v1 =	vld.idx.msk [tilespmem:v1+s23+$0x0], $0xffff  }
0x599: {  	[tilespmem:s6+$0xFFFFFF80] =	vst v5;
	v4 =	vld.idx.msk [tilespmem:v4+s23+$0x0], $0xffff  }
0x59a: {  	v5 =	vld [tilespmem:s7+$0xFFFFFF90]  }
0x59b: {  	v3 =	vld.idx.msk [tilespmem:v3+s23+$0x0], $0xffff;
	v0 =	vand.u32 $0xFF, v0  }
0x59c: {  	[tilespmem:s2+$0x20] =	vst v2  }
0x59d: {  	[tilespmem:s6+$0x0] =	vst v1  }
0x59e: {  	[tilespmem:s1+$0xFFFFFFB0] =	vst v4;
	v4 =	vld [tilespmem:s5+$0x30]  }
0x59f: {  	v1 =	vld [tilespmem:s7+$0x10]  }
0x5a0: {  	[tilespmem:s2+$0xFFFFFFA0] =	vst v3;
	v3 =	vand.u32 $0xFF, v5;
	v0 =	vld.idx.msk [tilespmem:v0+s23+$0x0], $0xffff;
	_ =	sdelay $0x1  }
0x5a1: {  	s9 =	simm.s32 $0x6900  }
0x5a2: {  	v7 =	vld [tilespmem:s9+$0xFFFFFF80];
	v4 =	vand.u32 $0xFF, v4  }
0x5a3: {  	v1 =	vand.u32 $0xFF, v1  }
0x5a4: {  	v3 =	vld.idx.msk [tilespmem:v3+s23+$0x0], $0xffff;
	[tilespmem:s1+$0x40] =	vst v0  }
0x5a5: {  	v0 =	vld [tilespmem:s15+$0x50]  }
0x5a6: {  	v2 =	vld [tilespmem:s15+$0xFFFFFFC0]  }
0x5a7: {  	v7 =	vand.u32 $0xFF, v7;
	v4 =	vld.idx.msk [tilespmem:v4+s23+$0x0], $0xffff  }
0x5a8: {  	v1 =	vld.idx.msk [tilespmem:v1+s23+$0x0], $0xffff;
	_ =	sdelay $0x1  }
0x5a9: {  	v6 =	vld [tilespmem:s9+$0x0];
	v0 =	vand.u32 $0xFF, v0  }
0x5aa: {  	v5 =	vld [tilespmem:s5+$0xFFFFFFB0];
	[tilespmem:s6+$0xFFFFFF90] =	vst v3;
	v2 =	vand.u32 $0xFF, v2  }
0x5ab: {  	v7 =	vld.idx.msk [tilespmem:v7+s23+$0x0], $0xffff;
	[tilespmem:s2+$0x30] =	vst v4  }
0x5ac: {  	[tilespmem:s6+$0x10] =	vst v1;
	v3 =	vld [tilespmem:s5+$0x40]  }
0x5ad: {  	v1 =	vld [tilespmem:s7+$0x20]  }
0x5ae: {  	v0 =	vld.idx.msk [tilespmem:v0+s23+$0x0], $0xffff  }
0x5af: {  	s8 =	simm.s32 $0x13100;
	v2 =	vld.idx.msk [tilespmem:v2+s23+$0x0], $0xffff;
	v4 =	vand.u32 $0xFF, v5;
	v5 =	vand.u32 $0xFF, v6  }
0x5b0: {  	[tilespmem:s8+$0xFFFFFF80] =	vst v7  }
0x5b1: {  	v7 =	vld [tilespmem:s9+$0xFFFFFF90];
	v3 =	vand.u32 $0xFF, v3  }
0x5b2: {  	v6 =	vld [tilespmem:s7+$0xFFFFFFA0]  }
0x5b3: {  	[tilespmem:s1+$0x50] =	vst v0;
	v0 =	vand.u32 $0xFF, v1  }
0x5b4: {  	[tilespmem:s1+$0xFFFFFFC0] =	vst v2;
	v2 =	vld.idx.msk [tilespmem:v5+s23+$0x0], $0xffff;
	_ =	sdelay $0x1  }
0x5b5: {  	v7 =	vand.u32 $0xFF, v7;
	v3 =	vld.idx.msk [tilespmem:v3+s23+$0x0], $0xffff  }
0x5b6: {  	v5 =	vand.u32 $0xFF, v6;
	v6 =	vld [tilespmem:s15+$0xFFFFFFD0]  }
0x5b7: {  	v0 =	vld.idx.msk [tilespmem:v0+s23+$0x0], $0xffff  }
0x5b8: {  	v4 =	vld.idx.msk [tilespmem:v4+s23+$0x0], $0xffff;
	[tilespmem:s8+$0x0] =	vst v2  }
0x5b9: {  	v2 =	vld [tilespmem:s9+$0x10]  }
0x5ba: {  	v7 =	vld.idx.msk [tilespmem:v7+s23+$0x0], $0xffff;
	[tilespmem:s2+$0x40] =	vst v3  }
0x5bb: {  	v3 =	vand.u32 $0xFF, v6;
	v6 =	vld [tilespmem:s5+$0x50]  }
0x5bc: {  	v1 =	vld [tilespmem:s15+$0x60];
	[tilespmem:s6+$0x20] =	vst v0  }
0x5bd: {  	[tilespmem:s2+$0xFFFFFFB0] =	vst v4;
	v4 =	vld [tilespmem:s7+$0x30]  }
0x5be: {  	s10 =	simm.s32 $0x6A00;
	v5 =	vld.idx.msk [tilespmem:v5+s23+$0x0], $0xffff;
	v2 =	vand.u32 $0xFF, v2  }
0x5bf: {  	v8 =	vld [tilespmem:s10+$0x0]  }
0x5c0: {  	v55 =	vld [tilespmem:s10+$0xFFFFFF80];
	v6 =	vand.u32 $0xFF, v6  }
0x5c1: {  	[tilespmem:s8+$0xFFFFFF90] =	vst v7;
	v1 =	vand.u32 $0xFF, v1;
	v0 =	vld [tilespmem:s5+$0xFFFFFFC0]  }
0x5c2: {  	v7 =	vld [tilespmem:s9+$0xFFFFFFA0];
	v4 =	vand.u32 $0xFF, v4  }
0x5c3: {  	[tilespmem:s6+$0xFFFFFFA0] =	vst v5;
	v2 =	vld.idx.msk [tilespmem:v2+s23+$0x0], $0xffff  }
0x5c4: {  	v5 =	vld [tilespmem:s7+$0xFFFFFFB0]  }
0x5c5: {  	v6 =	vld.idx.msk [tilespmem:v6+s23+$0x0], $0xffff  }
0x5c6: {  	v1 =	vld.idx.msk [tilespmem:v1+s23+$0x0], $0xffff;
	v0 =	vand.u32 $0xFF, v0  }
0x5c7: {  	s12 =	simm.s32 $0x6B00;
	v4 =	vld.idx.msk [tilespmem:v4+s23+$0x0], $0xffff  }
0x5c8: {  	v10 =	vld [tilespmem:s12+$0x0];
	[tilespmem:s8+$0x10] =	vst v2  }
0x5c9: {  	v7 =	vand.u32 $0xFF, v7;
	v2 =	vld [tilespmem:s9+$0x20]  }
0x5ca: {  	v11 =	vld [tilespmem:s12+$0xFFFFFF80];
	[tilespmem:s2+$0x50] =	vst v6  }
0x5cb: {  	v5 =	vand.u32 $0xFF, v5;
	[tilespmem:s1+$0x60] =	vst v1;
	v0 =	vld.idx.msk [tilespmem:v0+s23+$0x0], $0xffff  }
0x5cc: {  	v1 =	vand.u32 $0xFF, v8;
	v6 =	vld [tilespmem:s5+$0x60];
	[tilespmem:s6+$0x30] =	vst v4  }
0x5cd: {  	v4 =	vld [tilespmem:s7+$0x40]  }
0x5ce: {  	v7 =	vld.idx.msk [tilespmem:v7+s23+$0x0], $0xffff;
	v2 =	vand.u32 $0xFF, v2  }
0x5cf: {  	v3 =	vld.idx.msk [tilespmem:v3+s23+$0x0], $0xffff  }
0x5d0: {  	[tilespmem:s2+$0xFFFFFFC0] =	vst v0;
	v0 =	vld.idx.msk [tilespmem:v5+s23+$0x0], $0xffff;
	v5 =	vand.u32 $0xFF, v55  }
0x5d1: {  	v1 =	vld.idx.msk [tilespmem:v1+s23+$0x0], $0xffff;
	v6 =	vand.u32 $0xFF, v6  }
0x5d2: {  	v8 =	vld [tilespmem:s15+$0x70];
	v4 =	vand.u32 $0xFF, v4  }
0x5d3: {  	v2 =	vld.idx.msk [tilespmem:v2+s23+$0x0], $0xffff  }
0x5d4: {  	[tilespmem:s1+$0xFFFFFFD0] =	vst v3;
	v3 =	vld [tilespmem:s5+$0xFFFFFFD0]  }
0x5d5: {  	s11 =	simm.s32 $0x13200;
	v5 =	vld.idx.msk [tilespmem:v5+s23+$0x0], $0xffff  }
0x5d6: {  	[tilespmem:s11+$0x0] =	vst v1;
	v1 =	vld.idx.msk [tilespmem:v6+s23+$0x0], $0xffff  }
0x5d7: {  	v4 =	vld.idx.msk [tilespmem:v4+s23+$0x0], $0xffff  }
0x5d8: {  	[tilespmem:s6+$0xFFFFFFB0] =	vst v0;
	v0 =	vld [tilespmem:s10+$0x10]  }
0x5d9: {  	[tilespmem:s8+$0x20] =	vst v2;
	v2 =	vld [tilespmem:s7+$0xFFFFFFC0]  }
0x5da: {  	v6 =	vand.u32 $0xFF, v8;
	[tilespmem:s11+$0xFFFFFF80] =	vst v5;
	v5 =	vld [tilespmem:s9+$0x30]  }
0x5db: {  	[tilespmem:s8+$0xFFFFFFA0] =	vst v7;
	v3 =	vand.u32 $0xFF, v3;
	v8 =	vld [tilespmem:s10+$0xFFFFFF90]  }
0x5dc: {  	v7 =	vld [tilespmem:s9+$0xFFFFFFB0];
	[tilespmem:s6+$0x40] =	vst v4  }
0x5dd: {  	v0 =	vand.u32 $0xFF, v0;
	v57 =	vld [tilespmem:s7+$0x50]  }
0x5de: {  	v56 =	vld [tilespmem:s15+$0xFFFFFFE0];
	[tilespmem:s2+$0x60] =	vst v1;
	v1 =	vand.u32 $0xFF, v2  }
0x5df: {  	v6 =	vld.idx.msk [tilespmem:v6+s23+$0x0], $0xffff;
	v5 =	vand.u32 $0xFF, v5  }
0x5e0: {  	v3 =	vld.idx.msk [tilespmem:v3+s23+$0x0], $0xffff;
	v8 =	vand.u32 $0xFF, v8  }
0x5e1: {  	v2 =	vld [tilespmem:s5+$0x70]  }
0x5e2: {  	v0 =	vld.idx.msk [tilespmem:v0+s23+$0x0], $0xffff;
	v9 =	vand.u32 $0xFF, v57  }
0x5e3: {  	v1 =	vld.idx.msk [tilespmem:v1+s23+$0x0], $0xffff  }
0x5e4: {  	v4 =	vand.u32 $0xFF, v56;
	v5 =	vld.idx.msk [tilespmem:v5+s23+$0x0], $0xffff  }
0x5e5: {  	[tilespmem:s2+$0xFFFFFFD0] =	vst v3;
	v8 =	vld.idx.msk [tilespmem:v8+s23+$0x0], $0xffff  }
0x5e6: {  	v59 =	vld [tilespmem:s5+$0xFFFFFFE0]  }
0x5e7: {  	v2 =	vand.u32 $0xFF, v2;
	[tilespmem:s11+$0x10] =	vst v0;
	v9 =	vld.idx.msk [tilespmem:v9+s23+$0x0], $0xffff  }
0x5e8: {  	v0 =	vand.u32 $0xFF, v7;
	v7 =	vld [tilespmem:s10+$0x20]  }
0x5e9: {  	v3 =	vand.u32 $0xFF, v11;
	v4 =	vld.idx.msk [tilespmem:v4+s23+$0x0], $0xffff;
	[tilespmem:s8+$0x30] =	vst v5  }
0x5ea: {  	[tilespmem:s11+$0xFFFFFF90] =	vst v8;
	v5 =	vld [tilespmem:s9+$0x40]  }
0x5eb: {  	v8 =	vand.u32 $0xFF, v10;
	v58 =	vld [tilespmem:s10+$0xFFFFFFA0]  }
0x5ec: {  	v2 =	vld.idx.msk [tilespmem:v2+s23+$0x0], $0xffff;
	[tilespmem:s6+$0x50] =	vst v9  }
0x5ed: {  	v9 =	vld [tilespmem:s7+$0x60]  }
0x5ee: {  	[tilespmem:s6+$0xFFFFFFC0] =	vst v1;
	v3 =	vld.idx.msk [tilespmem:v3+s23+$0x0], $0xffff;
	v1 =	vand.u32 $0xFF, v7  }
0x5ef: {  	v0 =	vld.idx.msk [tilespmem:v0+s23+$0x0], $0xffff;
	v5 =	vand.u32 $0xFF, v5  }
0x5f0: {  	[tilespmem:s1+$0xFFFFFFE0] =	vst v4;
	v4 =	vld.idx.msk [tilespmem:v8+s23+$0x0], $0xffff;
	v8 =	vand.u32 $0xFF, v58  }
0x5f1: {  	v7 =	vld [tilespmem:s7+$0xFFFFFFD0]  }
0x5f2: {  	v60 =	vld [tilespmem:s15+$0xFFFFFFF0];
	v9 =	vand.u32 $0xFF, v9  }
0x5f3: {  	v1 =	vld.idx.msk [tilespmem:v1+s23+$0x0], $0xffff  }
0x5f4: {  	s13 =	simm.s32 $0x13300;
	v5 =	vld.idx.msk [tilespmem:v5+s23+$0x0], $0xffff  }
0x5f5: {  	[tilespmem:s13+$0x0] =	vst v4;
	v8 =	vld.idx.msk [tilespmem:v8+s23+$0x0], $0xffff  }
0x5f6: {  	[tilespmem:s8+$0xFFFFFFB0] =	vst v0;
	v0 =	vld [tilespmem:s12+$0x10]  }
0x5f7: {  	[tilespmem:s13+$0xFFFFFF80] =	vst v3;
	v7 =	vand.u32 $0xFF, v7;
	v4 =	vld.idx.msk [tilespmem:v9+s23+$0x0], $0xffff  }
0x5f8: {  	[tilespmem:s11+$0x20] =	vst v1;
	v1 =	vld [tilespmem:s9+$0xFFFFFFC0]  }
0x5f9: {  	v62 =	vld [tilespmem:s12+$0xFFFFFF90]  }
0x5fa: {  	v61 =	vand.u32 $0xFF, v59;
	v3 =	vld [tilespmem:s10+$0x30];
	[tilespmem:s8+$0x40] =	vst v5  }
0x5fb: {  	v5 =	vand.u32 $0xFF, v60;
	[tilespmem:s11+$0xFFFFFFA0] =	vst v8;
	v8 =	vld [tilespmem:s9+$0x50]  }
0x5fc: {  	v14 =	vld.idx.msk [tilespmem:v7+s23+$0x0], $0xffff;
	v63 =	vand.u32 $0xFF, v0;
	[tilespmem:s6+$0x60] =	vst v4  }
0x5fd: {  	v1 =	vand.u32 $0xFF, v1;
	v13 =	vld [tilespmem:s7+$0x70]  }
0x5fe: {  	v11 =	vand.u32 $0xFF, v62;
	v12 =	vld [tilespmem:s10+$0xFFFFFFB0]  }
0x5ff: {  	v9 =	vld.idx.msk [tilespmem:v61+s23+$0x0], $0xffff;
	v4 =	vand.u32 $0xFF, v3  }
0x600: {  	v0 =	vld.idx.msk [tilespmem:v5+s23+$0x0], $0xffff;
	v8 =	vand.u32 $0xFF, v8  }
0x601: {  	v7 =	vld.idx.msk [tilespmem:v63+s23+$0x0], $0xffff  }
0x602: {  	[tilespmem:s1+$0x70] =	vst v6;
	v3 =	vld.idx.msk [tilespmem:v1+s23+$0x0], $0xffff;
	v1 =	vand.u32 $0xFF, v13  }
0x603: {  	[tilespmem:s2+$0x70] =	vst v2;
	v6 =	vld.idx.msk [tilespmem:v11+s23+$0x0], $0xffff  }
0x604: {  	[tilespmem:s6+$0xFFFFFFD0] =	vst v14;
	v5 =	vld.idx.msk [tilespmem:v4+s23+$0x0], $0xffff  }
0x605: {  	s14 =	simm.s32 $0x500;
	s15 =	simm.s32 $0x6C00;
	[tilespmem:s2+$0xFFFFFFE0] =	vst v9;
	v2 =	vld.idx.msk [tilespmem:v8+s23+$0x0], $0xffff;
	v4 =	vand.u32 $0xFF, v12  }
.LBB2_16:
0x606: {  	v8 =	vld [tilespmem:s15+$0x0];
	s14 =	sadd.s32 $0x100, s14;
	[tilespmem:s1+$0xFFFFFFF0] =	vst v0;
	s1 =	smov.u32 s2;
	s2 =	smov.u32 s6  }
0x607: {  	s6 =	smov.u32 s8;
	s8 =	smov.u32 s11;
	p0 =	slt.u32 s14, $0x6300;
	[tilespmem:s13+$0x10] =	vst v7;
	v0 =	vld.idx.msk [tilespmem:v1+s23+$0x0], $0xffff  }
0x608: {  	s11 =	smov.u32 s13;
	v1 =	vld [tilespmem:s12+$0x20];
	[tilespmem:s6+$0xFFFFFFC0] =	vst v3  }
0x609: {  	v3 =	vld [tilespmem:s15+$0xFFFFFF80];
	[tilespmem:s8+$0x30] =	vst v5  }
0x60a: {  	[tilespmem:s13+$0xFFFFFF90] =	vst v6;
	v5 =	vld [tilespmem:s10+$0x40]  }
0x60b: {  	v6 =	vand.u32 $0xFF, v8;
	v7 =	vld [tilespmem:s12+$0xFFFFFFA0];
	[tilespmem:s6+$0x50] =	vst v2  }
0x60c: {  	v2 =	vld [tilespmem:s9+$0x60]  }
0x60d: {  	v1 =	vand.u32 $0xFF, v1;
	v4 =	vld.idx.msk [tilespmem:v4+s23+$0x0], $0xffff;
	[tilespmem:s2+$0x70] =	vst v0  }
0x60e: {  	v0 =	vand.u32 $0xFF, v3;
	v3 =	vld [tilespmem:s9+$0xFFFFFFD0]  }
0x60f: {  	v5 =	vand.u32 $0xFF, v5;
	v8 =	vld [tilespmem:s7+$0xFFFFFFE0]  }
0x610: {  	v6 =	vld.idx.msk [tilespmem:v6+s23+$0x0], $0xffff;
	v7 =	vand.u32 $0xFF, v7  }
0x611: {  	v2 =	vand.u32 $0xFF, v2;
	v9 =	vld [tilespmem:s5+$0xFFFFFFF0];
	s5 =	smov.u32 s7;
	s7 =	smov.u32 s9;
	s9 =	smov.u32 s10  }
0x612: {  	s10 =	smov.u32 s12;
	s12 =	smov.u32 s15;
	v1 =	vld.idx.msk [tilespmem:v1+s23+$0x0], $0xffff  }
0x613: {  	v0 =	vld.idx.msk [tilespmem:v0+s23+$0x0], $0xffff;
	[tilespmem:s8+$0xFFFFFFB0] =	vst v4;
	v3 =	vand.u32 $0xFF, v3  }
0x614: {  	v4 =	vld.idx.msk [tilespmem:v5+s23+$0x0], $0xffff;
	v5 =	vand.u32 $0xFF, v8  }
0x615: {  	s13 =	sadd.s32 $0x100, s13;
	v7 =	vld.idx.msk [tilespmem:v7+s23+$0x0], $0xffff  }
0x616: {  	[tilespmem:s13+$0x0] =	vst v6;
	v2 =	vld.idx.msk [tilespmem:v2+s23+$0x0], $0xffff;
	v6 =	vand.u32 $0xFF, v9  }
0x617: {  	v8 =	vld [tilespmem:s15+$0x10]  }
0x618: {  	[tilespmem:s11+$0x20] =	vst v1;
	v1 =	vld [tilespmem:s9+$0xFFFFFFC0]  }
0x619: {  	[tilespmem:s13+$0xFFFFFF80] =	vst v0;
	v0 =	vld [tilespmem:s10+$0x30]  }
0x61a: {  	v9 =	vld [tilespmem:s15+$0xFFFFFF90];
	[tilespmem:s8+$0x40] =	vst v4  }
0x61b: {  	[tilespmem:s11+$0xFFFFFFA0] =	vst v7;
	v4 =	vld [tilespmem:s9+$0x50]  }
0x61c: {  	v7 =	vand.u32 $0xFF, v8;
	v8 =	vld [tilespmem:s10+$0xFFFFFFB0];
	[tilespmem:s6+$0x60] =	vst v2  }
0x61d: {  	v1 =	vand.u32 $0xFF, v1;
	v2 =	vld [tilespmem:s7+$0x70]  }
0x61e: {  	v10 =	vand.u32 $0xFF, v0;
	v11 =	vld.idx.msk [tilespmem:v3+s23+$0x0], $0xffff  }
0x61f: {  	v9 =	vand.u32 $0xFF, v9;
	v12 =	vld.idx.msk [tilespmem:v5+s23+$0x0], $0xffff  }
0x620: {  	v13 =	vand.u32 $0xFF, v4;
	v0 =	vld.idx.msk [tilespmem:v6+s23+$0x0], $0xffff  }
.Ltmp7:
0x621: {  	v7 =	vld.idx.msk [tilespmem:v7+s23+$0x0], $0xffff;
	v4 =	vand.u32 $0xFF, v8;
	(pc) =	sbr.rel @p0 .LBB2_16-.Ltmp7, $4  }
0x622: {  	v3 =	vld.idx.msk [tilespmem:v1+s23+$0x0], $0xffff;
	v1 =	vand.u32 $0xFF, v2  }
0x623: {  	v5 =	vld.idx.msk [tilespmem:v10+s23+$0x0], $0xffff  }
0x624: {  	v6 =	vld.idx.msk [tilespmem:v9+s23+$0x0], $0xffff;
	[tilespmem:s6+$0xFFFFFFD0] =	vst v11  }
0x625: {  	s15 =	sadd.s32 $0x100, s15;
	v2 =	vld.idx.msk [tilespmem:v13+s23+$0x0], $0xffff;
	[tilespmem:s2+$0xFFFFFFE0] =	vst v12  }
0x626: {  	_ =	sdelay $0x1  }
0x627: {  	[tilespmem:s13+$0x10] =	vst v7  }
0x628: {  	v7 =	vld [tilespmem:s12+$0x20];
	[tilespmem:s13+$0xFFFFFF90] =	vst v6  }
0x629: {  	v6 =	vld [tilespmem:s12+$0xFFFFFFA0];
	_ =	sdelay $0x3  }
0x62a: {  	v7 =	vand.u32 $0xFF, v7  }
0x62b: {  	v6 =	vand.u32 $0xFF, v6;
	_ =	sdelay $0x3  }
0x62c: {  	v7 =	vld.idx.msk [tilespmem:v7+s23+$0x0], $0xffff  }
0x62d: {  	v6 =	vld.idx.msk [tilespmem:v6+s23+$0x0], $0xffff;
	_ =	sdelay $0x3  }
0x62e: {  	[tilespmem:s13+$0x20] =	vst v7  }
0x62f: {  	v7 =	vld [tilespmem:s12+$0x30];
	[tilespmem:s13+$0xFFFFFFA0] =	vst v6  }
0x630: {  	v6 =	vld [tilespmem:s12+$0xFFFFFFB0];
	_ =	sdelay $0x1  }
0x631: {  	[tilespmem:s11+$0x30] =	vst v5  }
0x632: {  	v5 =	vld [tilespmem:s10+$0x40]  }
0x633: {  	v7 =	vand.u32 $0xFF, v7  }
0x634: {  	v6 =	vand.u32 $0xFF, v6;
	_ =	sdelay $0x2  }
0x635: {  	v4 =	vld.idx.msk [tilespmem:v4+s23+$0x0], $0xffff;
	v5 =	vand.u32 $0xFF, v5  }
0x636: {  	v7 =	vld.idx.msk [tilespmem:v7+s23+$0x0], $0xffff  }
0x637: {  	v6 =	vld.idx.msk [tilespmem:v6+s23+$0x0], $0xffff;
	_ =	sdelay $0x2  }
0x638: {  	[tilespmem:s11+$0xFFFFFFB0] =	vst v4;
	v5 =	vld.idx.msk [tilespmem:v5+s23+$0x0], $0xffff  }
0x639: {  	v46 =	vld [tilespmem:s10+$0xFFFFFFC0];
	[tilespmem:s13+$0x30] =	vst v7  }
0x63a: {  	v45 =	vld [tilespmem:s12+$0x40];
	[tilespmem:s13+$0xFFFFFFB0] =	vst v6  }
0x63b: {  	v6 =	vld [tilespmem:s12+$0xFFFFFFC0]  }
0x63c: {  	[tilespmem:s8+$0xFFFFFFC0] =	vst v3  }
0x63d: {  	v48 =	vld [tilespmem:s9+$0xFFFFFFD0];
	[tilespmem:s11+$0x40] =	vst v5  }
0x63e: {  	v47 =	vld [tilespmem:s10+$0x50];
	v7 =	vand.u32 $0xFF, v46  }
0x63f: {  	v4 =	vand.u32 $0xFF, v45  }
0x640: {  	v6 =	vand.u32 $0xFF, v6;
	_ =	sdelay $0x1  }
0x641: {  	v5 =	vand.u32 $0xFF, v48  }
0x642: {  	v3 =	vand.u32 $0xFF, v47;
	v7 =	vld.idx.msk [tilespmem:v7+s23+$0x0], $0xffff  }
0x643: {  	v4 =	vld.idx.msk [tilespmem:v4+s23+$0x0], $0xffff  }
0x644: {  	v6 =	vld.idx.msk [tilespmem:v6+s23+$0x0], $0xffff;
	_ =	sdelay $0x1  }
0x645: {  	v5 =	vld.idx.msk [tilespmem:v5+s23+$0x0], $0xffff  }
0x646: {  	v3 =	vld.idx.msk [tilespmem:v3+s23+$0x0], $0xffff;
	[tilespmem:s11+$0xFFFFFFC0] =	vst v7  }
0x647: {  	v7 =	vld [tilespmem:s10+$0xFFFFFFD0];
	[tilespmem:s13+$0x40] =	vst v4  }
0x648: {  	v4 =	vld [tilespmem:s12+$0x50];
	[tilespmem:s13+$0xFFFFFFC0] =	vst v6  }
0x649: {  	v49 =	vld [tilespmem:s12+$0xFFFFFFD0]  }
0x64a: {  	[tilespmem:s8+$0xFFFFFFD0] =	vst v5  }
0x64b: {  	v5 =	vld [tilespmem:s9+$0xFFFFFFE0];
	[tilespmem:s11+$0x50] =	vst v3  }
0x64c: {  	v3 =	vld [tilespmem:s10+$0x60];
	v7 =	vand.u32 $0xFF, v7  }
0x64d: {  	v4 =	vand.u32 $0xFF, v4  }
0x64e: {  	[tilespmem:s8+$0x50] =	vst v2;
	v2 =	vand.u32 $0xFF, v49;
	_ =	sdelay $0x1  }
0x64f: {  	v8 =	vld [tilespmem:s7+$0xFFFFFFE0];
	v5 =	vand.u32 $0xFF, v5  }
0x650: {  	v3 =	vand.u32 $0xFF, v3;
	v7 =	vld.idx.msk [tilespmem:v7+s23+$0x0], $0xffff  }
0x651: {  	v4 =	vld.idx.msk [tilespmem:v4+s23+$0x0], $0xffff  }
0x652: {  	v2 =	vld.idx.msk [tilespmem:v2+s23+$0x0], $0xffff  }
0x653: {  	v50 =	vld [tilespmem:s9+$0x60]  }
0x654: {  	v5 =	vld.idx.msk [tilespmem:v5+s23+$0x0], $0xffff  }
0x655: {  	v3 =	vld.idx.msk [tilespmem:v3+s23+$0x0], $0xffff;
	[tilespmem:s11+$0xFFFFFFD0] =	vst v7  }
0x656: {  	v7 =	vld [tilespmem:s10+$0xFFFFFFE0];
	[tilespmem:s13+$0x50] =	vst v4  }
0x657: {  	v4 =	vld [tilespmem:s12+$0x60];
	[tilespmem:s13+$0xFFFFFFD0] =	vst v2  }
0x658: {  	v6 =	vand.u32 $0xFF, v50;
	v52 =	vld [tilespmem:s12+$0xFFFFFFE0];
	_ =	sdelay $0x1  }
0x659: {  	v51 =	vand.u32 $0xFF, v8  }
0x65a: {  	[tilespmem:s8+$0xFFFFFFE0] =	vst v5;
	v7 =	vand.u32 $0xFF, v7  }
0x65b: {  	v5 =	vld [tilespmem:s9+$0xFFFFFFF0];
	v4 =	vand.u32 $0xFF, v4  }
0x65c: {  	[tilespmem:s11+$0x60] =	vst v3;
	v6 =	vld.idx.msk [tilespmem:v6+s23+$0x0], $0xffff;
	v8 =	vand.u32 $0xFF, v52  }
0x65d: {  	v3 =	vld [tilespmem:s10+$0x70]  }
0x65e: {  	v2 =	vld.idx.msk [tilespmem:v51+s23+$0x0], $0xffff  }
0x65f: {  	v7 =	vld.idx.msk [tilespmem:v7+s23+$0x0], $0xffff  }
0x660: {  	v4 =	vld.idx.msk [tilespmem:v4+s23+$0x0], $0xffff  }
0x661: {  	[tilespmem:s8+$0x60] =	vst v6;
	v53 =	vld.idx.msk [tilespmem:v8+s23+$0x0], $0xffff  }
0x662: {  	v6 =	vld [tilespmem:s9+$0x70]  }
0x663: {  	v9 =	vld [tilespmem:s5+$0xFFFFFFF0];
	[tilespmem:s6+$0xFFFFFFE0] =	vst v2  }
0x664: {  	v54 =	vld [tilespmem:s7+$0xFFFFFFF0];
	[tilespmem:s11+$0xFFFFFFE0] =	vst v7  }
0x665: {  	v5 =	vand.u32 $0xFF, v5;
	v7 =	vld [tilespmem:s10+$0xFFFFFFF0];
	[tilespmem:s13+$0x60] =	vst v4  }
0x666: {  	v3 =	vand.u32 $0xFF, v3;
	v56 =	vld [tilespmem:s12+$0x70];
	[tilespmem:s13+$0xFFFFFFE0] =	vst v53  }
0x667: {  	v6 =	vand.u32 $0xFF, v6;
	v58 =	vld [tilespmem:s12+$0xFFFFFFF0]  }
0x668: {  	v55 =	vand.u32 $0xFF, v9  }
0x669: {  	v1 =	vld.idx.msk [tilespmem:v1+s23+$0x0], $0xffff;
	v57 =	vand.u32 $0xFF, v54  }
0x66a: {  	v60 =	vld.idx.msk [tilespmem:v5+s23+$0x0], $0xffff;
	v7 =	vand.u32 $0xFF, v7  }
0x66b: {  	v59 =	vld.idx.msk [tilespmem:v3+s23+$0x0], $0xffff;
	v9 =	vand.u32 $0xFF, v56  }
0x66c: {  	v6 =	vld.idx.msk [tilespmem:v6+s23+$0x0], $0xffff;
	v8 =	vand.u32 $0xFF, v58  }
0x66d: {  	[tilespmem:s1+$0xFFFFFFF0] =	vst v0;
	v4 =	vld.idx.msk [tilespmem:v55+s23+$0x0], $0xffff  }
0x66e: {  	[tilespmem:s6+$0x70] =	vst v1;
	v2 =	vld.idx.msk [tilespmem:v57+s23+$0x0], $0xffff  }
0x66f: {  	[tilespmem:s8+$0xFFFFFFF0] =	vst v60;
	v62 =	vld.idx.msk [tilespmem:v7+s23+$0x0], $0xffff  }
0x670: {  	[tilespmem:s11+$0x70] =	vst v59;
	v61 =	vld.idx.msk [tilespmem:v9+s23+$0x0], $0xffff  }
0x671: {  	[tilespmem:s8+$0x70] =	vst v6;
	v63 =	vld.idx.msk [tilespmem:v8+s23+$0x0], $0xffff  }
0x672: {  	[tilespmem:s2+$0xFFFFFFF0] =	vst v4  }
0x673: {  	[tilespmem:s6+$0xFFFFFFF0] =	vst v2  }
0x674: {  	[tilespmem:s11+$0xFFFFFFF0] =	vst v62  }
0x675: {  	[tilespmem:s13+$0x70] =	vst v61  }
0x676: {  	s0 =	sadd.s32 $0x1, s0;
	[tilespmem:s13+$0xFFFFFFF0] =	vst v63  }
0x677: {  	[hbm4b:s20+s4] =	stream.linear.scatter [tilespmem:s30], [sflag:$0x4], $0x6400, $0x38;
	[tilespmem:$0x19180] =	vst v63  }
0x678: {  	p0 =	sne.s32 s0, s21;
	_ =	swait.ge [sflag:s31], $0x6400  }
.Ltmp8:
0x679: {  	[sflag:s31] =	ssyncset.done $0x0;
	(pc) =	sbr.rel @p0 .LBB2_1-.Ltmp8, $4  }
0x67a: {  	[sflag:s31] =	ssyncadd.s32 $0xFFFF9C00  }
0x67b: {  	_ =	swait.ge [sflag:s3], $0x6400  }
0x67c: {  	[sflag:s3] =	ssyncset.done $0x0  }
0x67d: {  	[sflag:s3] =	ssyncadd.s32 $0xFFFF9C00  }
0x67e: {  	_ =	sfence.sel $0x180000  }
0x67f: {  	[bflag:$0x0] =	sbarrier.arrive $0xFFFF  }
0x680: {  	_ =	strace $0x90000047  }
0x681: {  	s0 =	stileid.u32;
	[bflag:$0x2] =	sbarrier.arrive $0xFFFF  }
0x682: {  	p0 =	sne.s32 s0, $0x0;
	s0 =	rddreg [dreg:$0x6]  }
0x683: {  	s0 =	sadd.s32 @!p0 $0x100000, s0  }
0x684: {  	[sflag:s0] =	ssyncadd.tile.s32 @!p0 $0x1;
	_ =	shalt  }
.Lfunc_end2:
_tile_overlayer_lowered:
.L_overlay_start_2:
0x685: {  	(tag) =	ssettag $0x2  }
0x686: {  	s0 =	rddreg [dreg:$0x0];
	s2 =	stileid.u32  }
0x687: {  	s1 =	rddreg [dreg:$0x1];
	p0 =	sne.s32 s2, $0x0  }
0x688: {  	s3 =	rddreg [dreg:$0x2];
	[bflag:$0x3] =	sbarrier.arrive $0xFFFF;
	s2 =	simm.s32 @!p0 $0x1C05  }
0x689: {  	[timem:s3], [sflag:s2] =	dma.local @!p0 [hbm:s0], s1  }
0x68a: {  	s0 =	simm.s32 @!p0 $0x5  }
0x68b: {  	_ =	swait.ge @!p0 [sflag:s0], s1  }
0x68c: {  	s1 =	ssub.s32 @!p0 $0x0, s1;
	[sflag:s0] =	ssyncset.done @!p0 $0x0  }
0x68d: {  	[sflag:s0] =	ssyncadd.s32 @!p0 s1  }
0x68e: {  	[bflag:$0x3] =	sbarrier.arrive $0xFFFF  }
0x68f: {  	_ =	shalt  }

</sc_bundles>
